<compile_context>
chip_gen: v7x
topology: tpu7x:2x2x1
jax: 0.10.2.dev20260603
libtpu: 0.0.44.dev20260713+nightly
codegen_flags: <defaults>
</compile_context>

<pallas_src>
import functools

import jax
import jax.numpy as jnp
from jax import lax
from jax.experimental import pallas as pl
from jax.experimental.pallas import tpu as pltpu
from jax.experimental.pallas import tpu_sc as plsc

D_MODEL = 1024
D_FF = 4096
E = 8
T = 8192

TB = 1024
B = 256
MAX_BLOCKS = T // B + E - 1
CAPB = T // B
PARK = E * CAPB
XS_ROWS = E * T + B

NC, NS = 2, 16
NW = NC * NS
TPW = T // NW
CHUNK = 32
NCHUNK = TPW // CHUNK


def _router_body(x_ref, rw_ref, dst_ref, xblk_ref, carry_ref):
    g = pl.program_id(0)

    @pl.when(g == 0)
    def _():
        carry_ref[...] = jnp.zeros_like(carry_ref)

    x = x_ref[...]
    logits = lax.dot_general(x, rw_ref[...],
                             (((1,), (1,)), ((), ())),
                             preferred_element_type=jnp.float32)
    m = jnp.max(logits, axis=1, keepdims=True)
    e_iota = lax.broadcasted_iota(jnp.int32, (TB, E), 1)
    idx = jnp.min(jnp.where(logits == m, e_iota, E), axis=1)

    oh = (lax.broadcasted_iota(jnp.int32, (E, TB), 0)
          == idx[None, :]).astype(jnp.float32)
    tl = (lax.broadcasted_iota(jnp.int32, (TB, TB), 0)
          < lax.broadcasted_iota(jnp.int32, (TB, TB), 1)).astype(jnp.float32)
    within = lax.dot_general(oh, tl, (((1,), (0,)), ((), ())),
                             preferred_element_type=jnp.float32)
    carry = carry_ref[...][:, 0:1]
    rank = jnp.sum(oh * (within + carry), axis=0)
    dst_ref[...] = idx * T + rank.astype(jnp.int32)

    new_carry = carry + jnp.sum(oh, axis=1, keepdims=True)
    carry_ref[...] = jnp.broadcast_to(new_carry, (E, 128))

    counts = new_carry.astype(jnp.int32)
    nb = lax.shift_right_logical(counts + (B - 1), B.bit_length() - 1)
    tli = (lax.broadcasted_iota(jnp.int32, (E, E), 0)
           <= lax.broadcasted_iota(jnp.int32, (E, E), 1)).astype(jnp.float32)
    end_b = lax.dot_general(nb.astype(jnp.float32)[:, 0][None, :], tli,
                            (((1,), (0,)), ((), ())),
                            preferred_element_type=jnp.float32)
    end_b = end_b.astype(jnp.int32).reshape(E, 1)
    start_b = end_b - nb
    g_iota = lax.broadcasted_iota(jnp.int32, (E, 128), 1)
    eg = jnp.minimum(jnp.sum((g_iota >= end_b).astype(jnp.int32), axis=0),
                     E - 1)
    ohg = (lax.broadcasted_iota(jnp.int32, (E, 128), 0) == eg[None, :])
    startg = jnp.sum(jnp.where(ohg, start_b, 0), axis=0)
    gi = g_iota[0]
    xblk = eg * CAPB + (gi - startg)
    total = jnp.max(end_b, axis=0)
    xblk_ref[...] = jnp.where(gi < total, xblk, PARK)


def _run_router(x, router_w):
    return pl.pallas_call(
        _router_body,
        grid=(T // TB,),
        in_specs=[
            pl.BlockSpec((TB, D_MODEL), lambda g: (g, 0)),
            pl.BlockSpec((E, D_MODEL), lambda g: (0, 0)),
        ],
        out_specs=[
            pl.BlockSpec((TB,), lambda g: (g,)),
            pl.BlockSpec((128,), lambda g: (0,)),
        ],
        out_shape=[
            jax.ShapeDtypeStruct((T,), jnp.int32),
            jax.ShapeDtypeStruct((128,), jnp.int32),
        ],
        scratch_shapes=[pltpu.VMEM((E, 128), jnp.float32)],
    )(x, router_w)


def _sc_scatter(x, dst2d):
    mesh = plsc.VectorSubcoreMesh(core_axis_name="c", subcore_axis_name="s")

    @functools.partial(
        pl.kernel,
        mesh=mesh,
        out_type=jax.ShapeDtypeStruct((XS_ROWS, D_MODEL), jnp.float32),
        scratch_types=[
            pltpu.VMEM((NCHUNK, CHUNK), jnp.int32),
            pltpu.VMEM((3, CHUNK, D_MODEL), jnp.float32),
            pltpu.SemaphoreType.DMA,
            pltpu.SemaphoreType.DMA,
        ],
    )
    def k(x_hbm, dst_hbm, xs_hbm, idx_v, rows_v, sem_lx, sem_sx):
        wid = lax.axis_index("s") * NC + lax.axis_index("c")
        pltpu.sync_copy(dst_hbm.at[pl.ds(wid * NCHUNK, NCHUNK)], idx_v)
        base = wid * TPW

        def lx(c):
            return pltpu.make_async_copy(
                x_hbm.at[pl.ds(base + c * CHUNK, CHUNK)], rows_v.at[c % 3],
                sem_lx)

        def sx(c):
            return pltpu.make_async_copy(
                rows_v.at[c % 3], xs_hbm.at[idx_v.at[c]], sem_sx)

        lx(0).start()
        lx(1).start()
        for c in range(NCHUNK):
            lx(c).wait()
            if c + 2 < NCHUNK:
                if c >= 1:
                    sx(c - 1).wait()
                lx(c + 2).start()
            sx(c).start()
        for c in range(NCHUNK - 3, NCHUNK):
            sx(c).wait()

    return k(x, dst2d)


def _blk_expert(xblk):
    return jnp.minimum(lax.shift_right_logical(xblk, CAPB.bit_length() - 1),
                       E - 1)


MA = 384


def _ffn_body(be_ref, x_ref, w1_hbm, w2_hbm, rw_ref, y_ref,
              w1_v, w2a_v, w2b_v, slot_ref, sem1, sem2, sem3):
    g = pl.program_id(0)
    blk = be_ref[g]
    active = blk != PARK
    e = _blk_expert(blk)
    switched = active & (
        (g == 0) | (e != _blk_expert(be_ref[jnp.maximum(g - 1, 0)])))

    @pl.when(g == 0)
    def _():
        slot_ref[0] = 0
        pltpu.make_async_copy(w1_hbm.at[e], w1_v.at[0], sem1).start()
        pltpu.make_async_copy(w2_hbm.at[e, pl.ds(0, MA)], w2a_v.at[0],
                              sem2).start()
        pltpu.make_async_copy(w2_hbm.at[e, pl.ds(MA, D_MODEL - MA)], w2b_v,
                              sem3).start()

    @pl.when((g > 0) & switched)
    def _():
        slot_ref[0] = 1 - slot_ref[0]

    s = slot_ref[0]

    @pl.when(switched)
    def _():
        pltpu.make_async_copy(w1_hbm.at[0], w1_v.at[s], sem1).wait()
        pltpu.make_async_copy(w2_hbm.at[0, pl.ds(0, MA)], w2a_v.at[s],
                              sem2).wait()
        j = lax.while_loop(
            lambda j: (j < MAX_BLOCKS)
            & (_blk_expert(be_ref[jnp.minimum(j, MAX_BLOCKS - 1)]) == e),
            lambda j: j + 1, g + 1)
        jc = jnp.minimum(j, MAX_BLOCKS - 1)

        @pl.when((j < MAX_BLOCKS) & (be_ref[jc] != PARK))
        def _():
            e_nd = _blk_expert(be_ref[jc])
            pltpu.make_async_copy(w1_hbm.at[e_nd], w1_v.at[1 - s],
                                  sem1).start()
            pltpu.make_async_copy(w2_hbm.at[e_nd, pl.ds(0, MA)],
                                  w2a_v.at[1 - s], sem2).start()

    @pl.when(active)
    def _():
        x = x_ref[...]
        logits = lax.dot_general(x, rw_ref[...], (((1,), (1,)), ((), ())),
                                 preferred_element_type=jnp.float32)
        m = jnp.max(logits, axis=1, keepdims=True)
        w = 1.0 / jnp.sum(jnp.exp(logits - m), axis=1, keepdims=True)

        h = lax.dot_general(x, w1_v[s], (((1,), (1,)), ((), ())),
                            preferred_element_type=jnp.float32)
        h = h * (1.0 / (1.0 + jnp.exp(-h)))

        ya = lax.dot_general(h, w2a_v[s], (((1,), (1,)), ((), ())),
                             preferred_element_type=jnp.float32)
        y_ref[:, 0:MA] = ya * w

        @pl.when(switched)
        def _():
            pltpu.make_async_copy(w2_hbm.at[0, pl.ds(MA, D_MODEL - MA)],
                                  w2b_v, sem3).wait()

        yb = lax.dot_general(h, w2b_v[...], (((1,), (1,)), ((), ())),
                             preferred_element_type=jnp.float32)
        y_ref[:, MA:D_MODEL] = yb * w

        nblk = be_ref[jnp.minimum(g + 1, MAX_BLOCKS - 1)]
        e_next2 = _blk_expert(nblk)

        @pl.when((g + 1 < MAX_BLOCKS) & (e_next2 != e) & (nblk != PARK))
        def _():
            pltpu.make_async_copy(w2_hbm.at[e_next2, pl.ds(MA, D_MODEL - MA)],
                                  w2b_v, sem3).start()


def _run_ffn(block_expert, x_sorted, w1, w2, router_w):
    grid_spec = pltpu.PrefetchScalarGridSpec(
        num_scalar_prefetch=1,
        grid=(MAX_BLOCKS,),
        in_specs=[
            pl.BlockSpec((B, D_MODEL), lambda g, be: (be[g], 0)),
            pl.BlockSpec(memory_space=pl.ANY),
            pl.BlockSpec(memory_space=pl.ANY),
            pl.BlockSpec((E, D_MODEL), lambda g, be: (0, 0)),
        ],
        out_specs=pl.BlockSpec((B, D_MODEL), lambda g, be: (be[g], 0)),
        scratch_shapes=[
            pltpu.VMEM((2, D_FF, D_MODEL), jnp.float32),
            pltpu.VMEM((2, MA, D_FF), jnp.float32),
            pltpu.VMEM((D_MODEL - MA, D_FF), jnp.float32),
            pltpu.SMEM((1,), jnp.int32),
            pltpu.SemaphoreType.DMA,
            pltpu.SemaphoreType.DMA,
            pltpu.SemaphoreType.DMA,
        ],
    )
    return pl.pallas_call(
        _ffn_body,
        grid_spec=grid_spec,
        out_shape=jax.ShapeDtypeStruct((XS_ROWS, D_MODEL), jnp.float32),
        compiler_params=pltpu.CompilerParams(
            vmem_limit_bytes=100 * 1024 * 1024),
    )(block_expert, x_sorted, w1, w2, router_w)


def _sc_gather(y_sorted, dst2d):
    mesh = plsc.VectorSubcoreMesh(core_axis_name="c", subcore_axis_name="s")

    @functools.partial(
        pl.kernel,
        mesh=mesh,
        out_type=jax.ShapeDtypeStruct((T, D_MODEL), jnp.float32),
        scratch_types=[
            pltpu.VMEM((NCHUNK, CHUNK), jnp.int32),
            pltpu.VMEM((3, CHUNK, D_MODEL), jnp.float32),
            pltpu.SemaphoreType.DMA,
            pltpu.SemaphoreType.DMA,
        ],
    )
    def k(ys_hbm, dst_hbm, out_hbm, idx_v, rows_v, sem_g, sem_s):
        wid = lax.axis_index("s") * NC + lax.axis_index("c")
        pltpu.sync_copy(dst_hbm.at[pl.ds(wid * NCHUNK, NCHUNK)], idx_v)
        base = wid * TPW

        def gy(c):
            return pltpu.make_async_copy(
                ys_hbm.at[idx_v.at[c]], rows_v.at[c % 3], sem_g)

        def st(c):
            return pltpu.make_async_copy(
                rows_v.at[c % 3], out_hbm.at[pl.ds(base + c * CHUNK, CHUNK)],
                sem_s)

        gy(0).start()
        gy(1).start()
        for c in range(NCHUNK):
            gy(c).wait()
            if c + 2 < NCHUNK:
                if c >= 1:
                    st(c - 1).wait()
                gy(c + 2).start()
            st(c).start()
        for c in range(NCHUNK - 3, NCHUNK):
            st(c).wait()

    return k(y_sorted, dst2d)


def kernel(x, router_w, w1, w2):
    dst, xblk = _run_router(x, router_w)
    dst2d = dst.reshape(T // CHUNK, CHUNK)
    x_sorted = _sc_scatter(x, dst2d)
    y_sorted = _run_ffn(xblk, x_sorted, w1, w2, router_w)
    return _sc_gather(y_sorted, dst2d)

# --- scband reference (transcript-rebuilt; emitter-appended) ---
"""Pipeline reference for scband-vanilla-mo-elayer-32899449487925 (READ-ONLY COPY).

The authoritative reference and input builder live on the scoring server;
editing this copy changes nothing except your own understanding.
"""

import jax, jax.numpy as jnp
import numpy as np

D_MODEL = 1024
D_FF = 4096
NUM_EXPERTS = 8
TOKENS = 8192

def setup_inputs(seed: int = 0) -> dict:
    key = jax.random.key(seed)
    k_x, k_r, k_w1, k_w2 = jax.random.split(key, 4)
    x = jax.random.normal(k_x, (TOKENS, D_MODEL), dtype=jnp.float32)
    # torch nn.Linear weight layout: [out_features, in_features]
    router_w = jax.random.normal(k_r, (NUM_EXPERTS, D_MODEL), dtype=jnp.float32) * 0.02
    w1 = jax.random.normal(k_w1, (NUM_EXPERTS, D_FF, D_MODEL), dtype=jnp.float32) * 0.02
    w2 = jax.random.normal(k_w2, (NUM_EXPERTS, D_MODEL, D_FF), dtype=jnp.float32) * 0.02
    return {"x": x, "router_w": router_w, "w1": w1, "w2": w2}

def reference(x, router_w, w1, w2):
    num_experts = router_w.shape[0]
    logits = x @ router_w.T
    probs = jax.nn.softmax(logits, axis=-1)
    weights = jnp.max(probs, axis=-1)
    indices = jnp.argmax(probs, axis=-1)
    out = jnp.zeros_like(x)
    for i in range(num_experts):
        h = jax.nn.silu(x @ w1[i].T) @ w2[i].T
        expert_out = h * weights[:, None]
        mask = (indices == i)[:, None]
        out = jnp.where(mask, expert_out, out)
    return out

if __name__ == "__main__":
    import jax
    _d = setup_inputs()
    print(jax.jit(kernel)(*tuple(_d.values())))

</pallas_src>

<mosaic_0001>
#map = affine_map<(d0, d1) -> (0, 0)>
module attributes {stable_mosaic.version = 14 : i64} {
  func.func @k(%arg0: i32, %arg1: i32, %arg2: memref<8192x1024xf32, #tpu.memory_space<hbm>>, %arg3: memref<256x32xi32, #tpu.memory_space<hbm>>, %arg4: memref<65792x1024xf32, #tpu.memory_space<hbm>>, %arg5: memref<8x32xi32, #tpu.memory_space<vmem>>, %arg6: memref<3x32x1024xf32, #tpu.memory_space<vmem>>, %arg7: memref<!tpu.dma_semaphore, #tpu.memory_space<semaphore_mem>>, %arg8: memref<!tpu.dma_semaphore, #tpu.memory_space<semaphore_mem>>) attributes {dimension_semantics = [#tpu.dimension_semantics<core_parallel>, #tpu.dimension_semantics<subcore_parallel>], iteration_bounds = array<i64: 2, 16>, scalar_prefetch = 0 : i64, scratch_operands = 4 : i64, tpu.core_type = #tpu.core_type<sc_vector_subcore>, window_params = [{transform_indices = #map}, {transform_indices = #map}, {transform_indices = #map}]} {
    %mul3A = arith.constant 2 : i32
    %mul3A_0 = arith.muli %arg1, %mul3A : i32
    %add3A = arith.addi %mul3A_0, %arg0 : i32
    %mul3A_1 = arith.constant 8 : i32
    %mul3A_2 = arith.muli %add3A, %mul3A_1 : i32
    "tpu.region"() ({
      %run_scoped3A = tpu.sem_alloc : memref<!tpu.dma_semaphore, #tpu.memory_space<semaphore_mem>>
      %dma_start3A_435 = arith.constant 0 : i32
      %dma_start3A_436 = tpu.memref_slice %arg3[%mul3A_2, %dma_start3A_435] : memref<256x32xi32, #tpu.memory_space<hbm>> -> memref<8x32xi32, #tpu.memory_space<hbm>>
      %dma_start3A_437 = arith.constant 0 : i32
      %dma_start3A_438 = tpu.memref_slice %arg3[%mul3A_2, %dma_start3A_437] : memref<256x32xi32, #tpu.memory_space<hbm>> -> memref<8x32xi32, #tpu.memory_space<hbm>>
      tpu.enqueue_dma source(%dma_start3A_438 : memref<8x32xi32, #tpu.memory_space<hbm>>) target(%arg5 : memref<8x32xi32, #tpu.memory_space<vmem>>) target_semaphore(%run_scoped3A : memref<!tpu.dma_semaphore, #tpu.memory_space<semaphore_mem>>)
      %dma_wait3A_439 = arith.constant 0 : i32
      %dma_wait3A_440 = tpu.memref_slice %arg3[%mul3A_2, %dma_wait3A_439] : memref<256x32xi32, #tpu.memory_space<hbm>> -> memref<8x32xi32, #tpu.memory_space<hbm>>
      %dma_wait3A_441 = arith.constant 0 : i32
      %dma_wait3A_442 = tpu.memref_slice %arg3[%mul3A_2, %dma_wait3A_441] : memref<256x32xi32, #tpu.memory_space<hbm>> -> memref<8x32xi32, #tpu.memory_space<hbm>>
      tpu.wait_dma2 semaphore(%run_scoped3A : memref<!tpu.dma_semaphore, #tpu.memory_space<semaphore_mem>>) src(%dma_wait3A_442 : memref<8x32xi32, #tpu.memory_space<hbm>>) dst(%arg5 : memref<8x32xi32, #tpu.memory_space<vmem>>)
      tpu.yield
    }) : () -> ()
    %mul3A_3 = arith.constant 256 : i32
    %mul3A_4 = arith.muli %add3A, %mul3A_3 : i32
    %add3A_5 = arith.constant 0 : i32
    %add3A_6 = arith.addi %mul3A_4, %add3A_5 : i32
    %dma_start3A = arith.constant 0 : i32
    %dma_start3A_7 = arith.constant 0 : i32
    %dma_start3A_8 = arith.constant 0 : i32
    %dma_start3A_9 = tpu.memref_slice %arg6[%dma_start3A, %dma_start3A_7, %dma_start3A_8] : memref<3x32x1024xf32, #tpu.memory_space<vmem>> -> memref<1x32x1024xf32, #tpu.memory_space<vmem>>
    %dma_start3A_10 = tpu.memref_squeeze %dma_start3A_9 : memref<1x32x1024xf32, #tpu.memory_space<vmem>> -> memref<32x1024xf32, #tpu.memory_space<vmem>>
    %dma_start3A_11 = arith.constant 0 : i32
    %dma_start3A_12 = tpu.memref_slice %arg2[%add3A_6, %dma_start3A_11] : memref<8192x1024xf32, #tpu.memory_space<hbm>> -> memref<32x1024xf32, #tpu.memory_space<hbm>>
    %dma_start3A_13 = arith.constant 0 : i32
    %dma_start3A_14 = arith.constant 0 : i32
    %dma_start3A_15 = tpu.memref_slice %arg6[%dma_start3A, %dma_start3A_13, %dma_start3A_14] : memref<3x32x1024xf32, #tpu.memory_space<vmem>> -> memref<1x32x1024xf32, #tpu.memory_space<vmem>>
    %dma_start3A_16 = tpu.memref_squeeze %dma_start3A_15 : memref<1x32x1024xf32, #tpu.memory_space<vmem>> -> memref<32x1024xf32, #tpu.memory_space<vmem>>
    %dma_start3A_17 = arith.constant 0 : i32
    %dma_start3A_18 = tpu.memref_slice %arg2[%add3A_6, %dma_start3A_17] : memref<8192x1024xf32, #tpu.memory_space<hbm>> -> memref<32x1024xf32, #tpu.memory_space<hbm>>
    tpu.enqueue_dma source(%dma_start3A_18 : memref<32x1024xf32, #tpu.memory_space<hbm>>) target(%dma_start3A_16 : memref<32x1024xf32, #tpu.memory_space<vmem>>) target_semaphore(%arg7 : memref<!tpu.dma_semaphore, #tpu.memory_space<semaphore_mem>>)
    %add3A_19 = arith.constant 32 : i32
    %add3A_20 = arith.addi %mul3A_4, %add3A_19 : i32
    %dma_start3A_21 = arith.constant 1 : i32
    %dma_start3A_22 = arith.constant 0 : i32
    %dma_start3A_23 = arith.constant 0 : i32
    %dma_start3A_24 = tpu.memref_slice %arg6[%dma_start3A_21, %dma_start3A_22, %dma_start3A_23] : memref<3x32x1024xf32, #tpu.memory_space<vmem>> -> memref<1x32x1024xf32, #tpu.memory_space<vmem>>
    %dma_start3A_25 = tpu.memref_squeeze %dma_start3A_24 : memref<1x32x1024xf32, #tpu.memory_space<vmem>> -> memref<32x1024xf32, #tpu.memory_space<vmem>>
    %dma_start3A_26 = arith.constant 0 : i32
    %dma_start3A_27 = tpu.memref_slice %arg2[%add3A_20, %dma_start3A_26] : memref<8192x1024xf32, #tpu.memory_space<hbm>> -> memref<32x1024xf32, #tpu.memory_space<hbm>>
    %dma_start3A_28 = arith.constant 0 : i32
    %dma_start3A_29 = arith.constant 0 : i32
    %dma_start3A_30 = tpu.memref_slice %arg6[%dma_start3A_21, %dma_start3A_28, %dma_start3A_29] : memref<3x32x1024xf32, #tpu.memory_space<vmem>> -> memref<1x32x1024xf32, #tpu.memory_space<vmem>>
    %dma_start3A_31 = tpu.memref_squeeze %dma_start3A_30 : memref<1x32x1024xf32, #tpu.memory_space<vmem>> -> memref<32x1024xf32, #tpu.memory_space<vmem>>
    %dma_start3A_32 = arith.constant 0 : i32
    %dma_start3A_33 = tpu.memref_slice %arg2[%add3A_20, %dma_start3A_32] : memref<8192x1024xf32, #tpu.memory_space<hbm>> -> memref<32x1024xf32, #tpu.memory_space<hbm>>
    tpu.enqueue_dma source(%dma_start3A_33 : memref<32x1024xf32, #tpu.memory_space<hbm>>) target(%dma_start3A_31 : memref<32x1024xf32, #tpu.memory_space<vmem>>) target_semaphore(%arg7 : memref<!tpu.dma_semaphore, #tpu.memory_space<semaphore_mem>>)
    %add3A_34 = arith.constant 0 : i32
    %add3A_35 = arith.addi %mul3A_4, %add3A_34 : i32
    %dma_wait3A = arith.constant 0 : i32
    %dma_wait3A_36 = arith.constant 0 : i32
    %dma_wait3A_37 = arith.constant 0 : i32
    %dma_wait3A_38 = tpu.memref_slice %arg6[%dma_wait3A, %dma_wait3A_36, %dma_wait3A_37] : memref<3x32x1024xf32, #tpu.memory_space<vmem>> -> memref<1x32x1024xf32, #tpu.memory_space<vmem>>
    %dma_wait3A_39 = tpu.memref_squeeze %dma_wait3A_38 : memref<1x32x1024xf32, #tpu.memory_space<vmem>> -> memref<32x1024xf32, #tpu.memory_space<vmem>>
    %dma_wait3A_40 = arith.constant 0 : i32
    %dma_wait3A_41 = tpu.memref_slice %arg2[%add3A_35, %dma_wait3A_40] : memref<8192x1024xf32, #tpu.memory_space<hbm>> -> memref<32x1024xf32, #tpu.memory_space<hbm>>
    %dma_wait3A_42 = arith.constant 0 : i32
    %dma_wait3A_43 = arith.constant 0 : i32
    %dma_wait3A_44 = tpu.memref_slice %arg6[%dma_wait3A, %dma_wait3A_42, %dma_wait3A_43] : memref<3x32x1024xf32, #tpu.memory_space<vmem>> -> memref<1x32x1024xf32, #tpu.memory_space<vmem>>
    %dma_wait3A_45 = tpu.memref_squeeze %dma_wait3A_44 : memref<1x32x1024xf32, #tpu.memory_space<vmem>> -> memref<32x1024xf32, #tpu.memory_space<vmem>>
    %dma_wait3A_46 = arith.constant 0 : i32
    %dma_wait3A_47 = tpu.memref_slice %arg2[%add3A_35, %dma_wait3A_46] : memref<8192x1024xf32, #tpu.memory_space<hbm>> -> memref<32x1024xf32, #tpu.memory_space<hbm>>
    tpu.wait_dma2 semaphore(%arg7 : memref<!tpu.dma_semaphore, #tpu.memory_space<semaphore_mem>>) src(%dma_wait3A_47 : memref<32x1024xf32, #tpu.memory_space<hbm>>) dst(%dma_wait3A_45 : memref<32x1024xf32, #tpu.memory_space<vmem>>)
    %add3A_48 = arith.constant 64 : i32
    %add3A_49 = arith.addi %mul3A_4, %add3A_48 : i32
    %dma_start3A_50 = arith.constant 2 : i32
    %dma_start3A_51 = arith.constant 0 : i32
    %dma_start3A_52 = arith.constant 0 : i32
    %dma_start3A_53 = tpu.memref_slice %arg6[%dma_start3A_50, %dma_start3A_51, %dma_start3A_52] : memref<3x32x1024xf32, #tpu.memory_space<vmem>> -> memref<1x32x1024xf32, #tpu.memory_space<vmem>>
    %dma_start3A_54 = tpu.memref_squeeze %dma_start3A_53 : memref<1x32x1024xf32, #tpu.memory_space<vmem>> -> memref<32x1024xf32, #tpu.memory_space<vmem>>
    %dma_start3A_55 = arith.constant 0 : i32
    %dma_start3A_56 = tpu.memref_slice %arg2[%add3A_49, %dma_start3A_55] : memref<8192x1024xf32, #tpu.memory_space<hbm>> -> memref<32x1024xf32, #tpu.memory_space<hbm>>
    %dma_start3A_57 = arith.constant 0 : i32
    %dma_start3A_58 = arith.constant 0 : i32
    %dma_start3A_59 = tpu.memref_slice %arg6[%dma_start3A_50, %dma_start3A_57, %dma_start3A_58] : memref<3x32x1024xf32, #tpu.memory_space<vmem>> -> memref<1x32x1024xf32, #tpu.memory_space<vmem>>
    %dma_start3A_60 = tpu.memref_squeeze %dma_start3A_59 : memref<1x32x1024xf32, #tpu.memory_space<vmem>> -> memref<32x1024xf32, #tpu.memory_space<vmem>>
    %dma_start3A_61 = arith.constant 0 : i32
    %dma_start3A_62 = tpu.memref_slice %arg2[%add3A_49, %dma_start3A_61] : memref<8192x1024xf32, #tpu.memory_space<hbm>> -> memref<32x1024xf32, #tpu.memory_space<hbm>>
    tpu.enqueue_dma source(%dma_start3A_62 : memref<32x1024xf32, #tpu.memory_space<hbm>>) target(%dma_start3A_60 : memref<32x1024xf32, #tpu.memory_space<vmem>>) target_semaphore(%arg7 : memref<!tpu.dma_semaphore, #tpu.memory_space<semaphore_mem>>)
    %dma_start3A_63 = arith.constant 0 : i32
    %dma_start3A_64 = arith.constant 0 : i32
    %dma_start3A_65 = arith.constant 0 : i32
    %dma_start3A_66 = arith.constant 0 : i32
    %dma_start3A_67 = tpu.memref_slice %arg6[%dma_start3A_63, %dma_start3A_65, %dma_start3A_66] : memref<3x32x1024xf32, #tpu.memory_space<vmem>> -> memref<1x32x1024xf32, #tpu.memory_space<vmem>>
    %dma_start3A_68 = tpu.memref_squeeze %dma_start3A_67 : memref<1x32x1024xf32, #tpu.memory_space<vmem>> -> memref<32x1024xf32, #tpu.memory_space<vmem>>
    %dma_start3A_69 = arith.constant 0 : i32
    %dma_start3A_70 = tpu.memref_slice %arg5[%dma_start3A_64, %dma_start3A_69] : memref<8x32xi32, #tpu.memory_space<vmem>> -> memref<1x32xi32, #tpu.memory_space<vmem>>
    %dma_start3A_71 = tpu.memref_squeeze %dma_start3A_70 : memref<1x32xi32, #tpu.memory_space<vmem>> -> memref<32xi32, #tpu.memory_space<vmem>>
    %dma_start3A_72 = arith.constant 0 : i32
    %dma_start3A_73 = arith.constant 0 : i32
    %dma_start3A_74 = tpu.memref_slice %arg4[%dma_start3A_72, %dma_start3A_73] : memref<65792x1024xf32, #tpu.memory_space<hbm>> -> memref<65792x1024xf32, #tpu.memory_space<hbm>>
    tpu.enqueue_indirect_dma source(%dma_start3A_68 : memref<32x1024xf32, #tpu.memory_space<vmem>>) target(%dma_start3A_74 : memref<65792x1024xf32, #tpu.memory_space<hbm>>) offsets(%dma_start3A_71 : memref<32xi32, #tpu.memory_space<vmem>>) semaphore(%arg8 : memref<!tpu.dma_semaphore, #tpu.memory_space<semaphore_mem>>)
    %add3A_75 = arith.constant 32 : i32
    %add3A_76 = arith.addi %mul3A_4, %add3A_75 : i32
    %dma_wait3A_77 = arith.constant 1 : i32
    %dma_wait3A_78 = arith.constant 0 : i32
    %dma_wait3A_79 = arith.constant 0 : i32
    %dma_wait3A_80 = tpu.memref_slice %arg6[%dma_wait3A_77, %dma_wait3A_78, %dma_wait3A_79] : memref<3x32x1024xf32, #tpu.memory_space<vmem>> -> memref<1x32x1024xf32, #tpu.memory_space<vmem>>
    %dma_wait3A_81 = tpu.memref_squeeze %dma_wait3A_80 : memref<1x32x1024xf32, #tpu.memory_space<vmem>> -> memref<32x1024xf32, #tpu.memory_space<vmem>>
    %dma_wait3A_82 = arith.constant 0 : i32
    %dma_wait3A_83 = tpu.memref_slice %arg2[%add3A_76, %dma_wait3A_82] : memref<8192x1024xf32, #tpu.memory_space<hbm>> -> memref<32x1024xf32, #tpu.memory_space<hbm>>
    %dma_wait3A_84 = arith.constant 0 : i32
    %dma_wait3A_85 = arith.constant 0 : i32
    %dma_wait3A_86 = tpu.memref_slice %arg6[%dma_wait3A_77, %dma_wait3A_84, %dma_wait3A_85] : memref<3x32x1024xf32, #tpu.memory_space<vmem>> -> memref<1x32x1024xf32, #tpu.memory_space<vmem>>
    %dma_wait3A_87 = tpu.memref_squeeze %dma_wait3A_86 : memref<1x32x1024xf32, #tpu.memory_space<vmem>> -> memref<32x1024xf32, #tpu.memory_space<vmem>>
    %dma_wait3A_88 = arith.constant 0 : i32
    %dma_wait3A_89 = tpu.memref_slice %arg2[%add3A_76, %dma_wait3A_88] : memref<8192x1024xf32, #tpu.memory_space<hbm>> -> memref<32x1024xf32, #tpu.memory_space<hbm>>
    tpu.wait_dma2 semaphore(%arg7 : memref<!tpu.dma_semaphore, #tpu.memory_space<semaphore_mem>>) src(%dma_wait3A_89 : memref<32x1024xf32, #tpu.memory_space<hbm>>) dst(%dma_wait3A_87 : memref<32x1024xf32, #tpu.memory_space<vmem>>)
    %dma_wait3A_90 = arith.constant 0 : i32
    %dma_wait3A_91 = arith.constant 0 : i32
    %dma_wait3A_92 = arith.constant 0 : i32
    %dma_wait3A_93 = arith.constant 0 : i32
    %dma_wait3A_94 = tpu.memref_slice %arg6[%dma_wait3A_90, %dma_wait3A_92, %dma_wait3A_93] : memref<3x32x1024xf32, #tpu.memory_space<vmem>> -> memref<1x32x1024xf32, #tpu.memory_space<vmem>>
    %dma_wait3A_95 = tpu.memref_squeeze %dma_wait3A_94 : memref<1x32x1024xf32, #tpu.memory_space<vmem>> -> memref<32x1024xf32, #tpu.memory_space<vmem>>
    %dma_wait3A_96 = arith.constant 0 : i32
    %dma_wait3A_97 = tpu.memref_slice %arg5[%dma_wait3A_91, %dma_wait3A_96] : memref<8x32xi32, #tpu.memory_space<vmem>> -> memref<1x32xi32, #tpu.memory_space<vmem>>
    %dma_wait3A_98 = tpu.memref_squeeze %dma_wait3A_97 : memref<1x32xi32, #tpu.memory_space<vmem>> -> memref<32xi32, #tpu.memory_space<vmem>>
    %dma_wait3A_99 = arith.constant 0 : i32
    %dma_wait3A_100 = arith.constant 0 : i32
    %dma_wait3A_101 = tpu.memref_slice %arg4[%dma_wait3A_99, %dma_wait3A_100] : memref<65792x1024xf32, #tpu.memory_space<hbm>> -> memref<65792x1024xf32, #tpu.memory_space<hbm>>
    tpu.wait_indirect_dma semaphore(%arg8 : memref<!tpu.dma_semaphore, #tpu.memory_space<semaphore_mem>>) src(%dma_wait3A_95 : memref<32x1024xf32, #tpu.memory_space<vmem>>) dst(%dma_wait3A_101 : memref<65792x1024xf32, #tpu.memory_space<hbm>>)
    %add3A_102 = arith.constant 96 : i32
    %add3A_103 = arith.addi %mul3A_4, %add3A_102 : i32
    %dma_start3A_104 = arith.constant 0 : i32
    %dma_start3A_105 = arith.constant 0 : i32
    %dma_start3A_106 = arith.constant 0 : i32
    %dma_start3A_107 = tpu.memref_slice %arg6[%dma_start3A_104, %dma_start3A_105, %dma_start3A_106] : memref<3x32x1024xf32, #tpu.memory_space<vmem>> -> memref<1x32x1024xf32, #tpu.memory_space<vmem>>
    %dma_start3A_108 = tpu.memref_squeeze %dma_start3A_107 : memref<1x32x1024xf32, #tpu.memory_space<vmem>> -> memref<32x1024xf32, #tpu.memory_space<vmem>>
    %dma_start3A_109 = arith.constant 0 : i32
    %dma_start3A_110 = tpu.memref_slice %arg2[%add3A_103, %dma_start3A_109] : memref<8192x1024xf32, #tpu.memory_space<hbm>> -> memref<32x1024xf32, #tpu.memory_space<hbm>>
    %dma_start3A_111 = arith.constant 0 : i32
    %dma_start3A_112 = arith.constant 0 : i32
    %dma_start3A_113 = tpu.memref_slice %arg6[%dma_start3A_104, %dma_start3A_111, %dma_start3A_112] : memref<3x32x1024xf32, #tpu.memory_space<vmem>> -> memref<1x32x1024xf32, #tpu.memory_space<vmem>>
    %dma_start3A_114 = tpu.memref_squeeze %dma_start3A_113 : memref<1x32x1024xf32, #tpu.memory_space<vmem>> -> memref<32x1024xf32, #tpu.memory_space<vmem>>
    %dma_start3A_115 = arith.constant 0 : i32
    %dma_start3A_116 = tpu.memref_slice %arg2[%add3A_103, %dma_start3A_115] : memref<8192x1024xf32, #tpu.memory_space<hbm>> -> memref<32x1024xf32, #tpu.memory_space<hbm>>
    tpu.enqueue_dma source(%dma_start3A_116 : memref<32x1024xf32, #tpu.memory_space<hbm>>) target(%dma_start3A_114 : memref<32x1024xf32, #tpu.memory_space<vmem>>) target_semaphore(%arg7 : memref<!tpu.dma_semaphore, #tpu.memory_space<semaphore_mem>>)
    %dma_start3A_117 = arith.constant 1 : i32
    %dma_start3A_118 = arith.constant 1 : i32
    %dma_start3A_119 = arith.constant 0 : i32
    %dma_start3A_120 = arith.constant 0 : i32
    %dma_start3A_121 = tpu.memref_slice %arg6[%dma_start3A_117, %dma_start3A_119, %dma_start3A_120] : memref<3x32x1024xf32, #tpu.memory_space<vmem>> -> memref<1x32x1024xf32, #tpu.memory_space<vmem>>
    %dma_start3A_122 = tpu.memref_squeeze %dma_start3A_121 : memref<1x32x1024xf32, #tpu.memory_space<vmem>> -> memref<32x1024xf32, #tpu.memory_space<vmem>>
    %dma_start3A_123 = arith.constant 0 : i32
    %dma_start3A_124 = tpu.memref_slice %arg5[%dma_start3A_118, %dma_start3A_123] : memref<8x32xi32, #tpu.memory_space<vmem>> -> memref<1x32xi32, #tpu.memory_space<vmem>>
    %dma_start3A_125 = tpu.memref_squeeze %dma_start3A_124 : memref<1x32xi32, #tpu.memory_space<vmem>> -> memref<32xi32, #tpu.memory_space<vmem>>
    %dma_start3A_126 = arith.constant 0 : i32
    %dma_start3A_127 = arith.constant 0 : i32
    %dma_start3A_128 = tpu.memref_slice %arg4[%dma_start3A_126, %dma_start3A_127] : memref<65792x1024xf32, #tpu.memory_space<hbm>> -> memref<65792x1024xf32, #tpu.memory_space<hbm>>
    tpu.enqueue_indirect_dma source(%dma_start3A_122 : memref<32x1024xf32, #tpu.memory_space<vmem>>) target(%dma_start3A_128 : memref<65792x1024xf32, #tpu.memory_space<hbm>>) offsets(%dma_start3A_125 : memref<32xi32, #tpu.memory_space<vmem>>) semaphore(%arg8 : memref<!tpu.dma_semaphore, #tpu.memory_space<semaphore_mem>>)
    %add3A_129 = arith.constant 64 : i32
    %add3A_130 = arith.addi %mul3A_4, %add3A_129 : i32
    %dma_wait3A_131 = arith.constant 2 : i32
    %dma_wait3A_132 = arith.constant 0 : i32
    %dma_wait3A_133 = arith.constant 0 : i32
    %dma_wait3A_134 = tpu.memref_slice %arg6[%dma_wait3A_131, %dma_wait3A_132, %dma_wait3A_133] : memref<3x32x1024xf32, #tpu.memory_space<vmem>> -> memref<1x32x1024xf32, #tpu.memory_space<vmem>>
    %dma_wait3A_135 = tpu.memref_squeeze %dma_wait3A_134 : memref<1x32x1024xf32, #tpu.memory_space<vmem>> -> memref<32x1024xf32, #tpu.memory_space<vmem>>
    %dma_wait3A_136 = arith.constant 0 : i32
    %dma_wait3A_137 = tpu.memref_slice %arg2[%add3A_130, %dma_wait3A_136] : memref<8192x1024xf32, #tpu.memory_space<hbm>> -> memref<32x1024xf32, #tpu.memory_space<hbm>>
    %dma_wait3A_138 = arith.constant 0 : i32
    %dma_wait3A_139 = arith.constant 0 : i32
    %dma_wait3A_140 = tpu.memref_slice %arg6[%dma_wait3A_131, %dma_wait3A_138, %dma_wait3A_139] : memref<3x32x1024xf32, #tpu.memory_space<vmem>> -> memref<1x32x1024xf32, #tpu.memory_space<vmem>>
    %dma_wait3A_141 = tpu.memref_squeeze %dma_wait3A_140 : memref<1x32x1024xf32, #tpu.memory_space<vmem>> -> memref<32x1024xf32, #tpu.memory_space<vmem>>
    %dma_wait3A_142 = arith.constant 0 : i32
    %dma_wait3A_143 = tpu.memref_slice %arg2[%add3A_130, %dma_wait3A_142] : memref<8192x1024xf32, #tpu.memory_space<hbm>> -> memref<32x1024xf32, #tpu.memory_space<hbm>>
    tpu.wait_dma2 semaphore(%arg7 : memref<!tpu.dma_semaphore, #tpu.memory_space<semaphore_mem>>) src(%dma_wait3A_143 : memref<32x1024xf32, #tpu.memory_space<hbm>>) dst(%dma_wait3A_141 : memref<32x1024xf32, #tpu.memory_space<vmem>>)
    %dma_wait3A_144 = arith.constant 1 : i32
    %dma_wait3A_145 = arith.constant 1 : i32
    %dma_wait3A_146 = arith.constant 0 : i32
    %dma_wait3A_147 = arith.constant 0 : i32
    %dma_wait3A_148 = tpu.memref_slice %arg6[%dma_wait3A_144, %dma_wait3A_146, %dma_wait3A_147] : memref<3x32x1024xf32, #tpu.memory_space<vmem>> -> memref<1x32x1024xf32, #tpu.memory_space<vmem>>
    %dma_wait3A_149 = tpu.memref_squeeze %dma_wait3A_148 : memref<1x32x1024xf32, #tpu.memory_space<vmem>> -> memref<32x1024xf32, #tpu.memory_space<vmem>>
    %dma_wait3A_150 = arith.constant 0 : i32
    %dma_wait3A_151 = tpu.memref_slice %arg5[%dma_wait3A_145, %dma_wait3A_150] : memref<8x32xi32, #tpu.memory_space<vmem>> -> memref<1x32xi32, #tpu.memory_space<vmem>>
    %dma_wait3A_152 = tpu.memref_squeeze %dma_wait3A_151 : memref<1x32xi32, #tpu.memory_space<vmem>> -> memref<32xi32, #tpu.memory_space<vmem>>
    %dma_wait3A_153 = arith.constant 0 : i32
    %dma_wait3A_154 = arith.constant 0 : i32
    %dma_wait3A_155 = tpu.memref_slice %arg4[%dma_wait3A_153, %dma_wait3A_154] : memref<65792x1024xf32, #tpu.memory_space<hbm>> -> memref<65792x1024xf32, #tpu.memory_space<hbm>>
    tpu.wait_indirect_dma semaphore(%arg8 : memref<!tpu.dma_semaphore, #tpu.memory_space<semaphore_mem>>) src(%dma_wait3A_149 : memref<32x1024xf32, #tpu.memory_space<vmem>>) dst(%dma_wait3A_155 : memref<65792x1024xf32, #tpu.memory_space<hbm>>)
    %add3A_156 = arith.constant 128 : i32
    %add3A_157 = arith.addi %mul3A_4, %add3A_156 : i32
    %dma_start3A_158 = arith.constant 1 : i32
    %dma_start3A_159 = arith.constant 0 : i32
    %dma_start3A_160 = arith.constant 0 : i32
    %dma_start3A_161 = tpu.memref_slice %arg6[%dma_start3A_158, %dma_start3A_159, %dma_start3A_160] : memref<3x32x1024xf32, #tpu.memory_space<vmem>> -> memref<1x32x1024xf32, #tpu.memory_space<vmem>>
    %dma_start3A_162 = tpu.memref_squeeze %dma_start3A_161 : memref<1x32x1024xf32, #tpu.memory_space<vmem>> -> memref<32x1024xf32, #tpu.memory_space<vmem>>
    %dma_start3A_163 = arith.constant 0 : i32
    %dma_start3A_164 = tpu.memref_slice %arg2[%add3A_157, %dma_start3A_163] : memref<8192x1024xf32, #tpu.memory_space<hbm>> -> memref<32x1024xf32, #tpu.memory_space<hbm>>
    %dma_start3A_165 = arith.constant 0 : i32
    %dma_start3A_166 = arith.constant 0 : i32
    %dma_start3A_167 = tpu.memref_slice %arg6[%dma_start3A_158, %dma_start3A_165, %dma_start3A_166] : memref<3x32x1024xf32, #tpu.memory_space<vmem>> -> memref<1x32x1024xf32, #tpu.memory_space<vmem>>
    %dma_start3A_168 = tpu.memref_squeeze %dma_start3A_167 : memref<1x32x1024xf32, #tpu.memory_space<vmem>> -> memref<32x1024xf32, #tpu.memory_space<vmem>>
    %dma_start3A_169 = arith.constant 0 : i32
    %dma_start3A_170 = tpu.memref_slice %arg2[%add3A_157, %dma_start3A_169] : memref<8192x1024xf32, #tpu.memory_space<hbm>> -> memref<32x1024xf32, #tpu.memory_space<hbm>>
    tpu.enqueue_dma source(%dma_start3A_170 : memref<32x1024xf32, #tpu.memory_space<hbm>>) target(%dma_start3A_168 : memref<32x1024xf32, #tpu.memory_space<vmem>>) target_semaphore(%arg7 : memref<!tpu.dma_semaphore, #tpu.memory_space<semaphore_mem>>)
    %dma_start3A_171 = arith.constant 2 : i32
    %dma_start3A_172 = arith.constant 2 : i32
    %dma_start3A_173 = arith.constant 0 : i32
    %dma_start3A_174 = arith.constant 0 : i32
    %dma_start3A_175 = tpu.memref_slice %arg6[%dma_start3A_171, %dma_start3A_173, %dma_start3A_174] : memref<3x32x1024xf32, #tpu.memory_space<vmem>> -> memref<1x32x1024xf32, #tpu.memory_space<vmem>>
    %dma_start3A_176 = tpu.memref_squeeze %dma_start3A_175 : memref<1x32x1024xf32, #tpu.memory_space<vmem>> -> memref<32x1024xf32, #tpu.memory_space<vmem>>
    %dma_start3A_177 = arith.constant 0 : i32
    %dma_start3A_178 = tpu.memref_slice %arg5[%dma_start3A_172, %dma_start3A_177] : memref<8x32xi32, #tpu.memory_space<vmem>> -> memref<1x32xi32, #tpu.memory_space<vmem>>
    %dma_start3A_179 = tpu.memref_squeeze %dma_start3A_178 : memref<1x32xi32, #tpu.memory_space<vmem>> -> memref<32xi32, #tpu.memory_space<vmem>>
    %dma_start3A_180 = arith.constant 0 : i32
    %dma_start3A_181 = arith.constant 0 : i32
    %dma_start3A_182 = tpu.memref_slice %arg4[%dma_start3A_180, %dma_start3A_181] : memref<65792x1024xf32, #tpu.memory_space<hbm>> -> memref<65792x1024xf32, #tpu.memory_space<hbm>>
    tpu.enqueue_indirect_dma source(%dma_start3A_176 : memref<32x1024xf32, #tpu.memory_space<vmem>>) target(%dma_start3A_182 : memref<65792x1024xf32, #tpu.memory_space<hbm>>) offsets(%dma_start3A_179 : memref<32xi32, #tpu.memory_space<vmem>>) semaphore(%arg8 : memref<!tpu.dma_semaphore, #tpu.memory_space<semaphore_mem>>)
    %add3A_183 = arith.constant 96 : i32
    %add3A_184 = arith.addi %mul3A_4, %add3A_183 : i32
    %dma_wait3A_185 = arith.constant 0 : i32
    %dma_wait3A_186 = arith.constant 0 : i32
    %dma_wait3A_187 = arith.constant 0 : i32
    %dma_wait3A_188 = tpu.memref_slice %arg6[%dma_wait3A_185, %dma_wait3A_186, %dma_wait3A_187] : memref<3x32x1024xf32, #tpu.memory_space<vmem>> -> memref<1x32x1024xf32, #tpu.memory_space<vmem>>
    %dma_wait3A_189 = tpu.memref_squeeze %dma_wait3A_188 : memref<1x32x1024xf32, #tpu.memory_space<vmem>> -> memref<32x1024xf32, #tpu.memory_space<vmem>>
    %dma_wait3A_190 = arith.constant 0 : i32
    %dma_wait3A_191 = tpu.memref_slice %arg2[%add3A_184, %dma_wait3A_190] : memref<8192x1024xf32, #tpu.memory_space<hbm>> -> memref<32x1024xf32, #tpu.memory_space<hbm>>
    %dma_wait3A_192 = arith.constant 0 : i32
    %dma_wait3A_193 = arith.constant 0 : i32
    %dma_wait3A_194 = tpu.memref_slice %arg6[%dma_wait3A_185, %dma_wait3A_192, %dma_wait3A_193] : memref<3x32x1024xf32, #tpu.memory_space<vmem>> -> memref<1x32x1024xf32, #tpu.memory_space<vmem>>
    %dma_wait3A_195 = tpu.memref_squeeze %dma_wait3A_194 : memref<1x32x1024xf32, #tpu.memory_space<vmem>> -> memref<32x1024xf32, #tpu.memory_space<vmem>>
    %dma_wait3A_196 = arith.constant 0 : i32
    %dma_wait3A_197 = tpu.memref_slice %arg2[%add3A_184, %dma_wait3A_196] : memref<8192x1024xf32, #tpu.memory_space<hbm>> -> memref<32x1024xf32, #tpu.memory_space<hbm>>
    tpu.wait_dma2 semaphore(%arg7 : memref<!tpu.dma_semaphore, #tpu.memory_space<semaphore_mem>>) src(%dma_wait3A_197 : memref<32x1024xf32, #tpu.memory_space<hbm>>) dst(%dma_wait3A_195 : memref<32x1024xf32, #tpu.memory_space<vmem>>)
    %dma_wait3A_198 = arith.constant 2 : i32
    %dma_wait3A_199 = arith.constant 2 : i32
    %dma_wait3A_200 = arith.constant 0 : i32
    %dma_wait3A_201 = arith.constant 0 : i32
    %dma_wait3A_202 = tpu.memref_slice %arg6[%dma_wait3A_198, %dma_wait3A_200, %dma_wait3A_201] : memref<3x32x1024xf32, #tpu.memory_space<vmem>> -> memref<1x32x1024xf32, #tpu.memory_space<vmem>>
    %dma_wait3A_203 = tpu.memref_squeeze %dma_wait3A_202 : memref<1x32x1024xf32, #tpu.memory_space<vmem>> -> memref<32x1024xf32, #tpu.memory_space<vmem>>
    %dma_wait3A_204 = arith.constant 0 : i32
    %dma_wait3A_205 = tpu.memref_slice %arg5[%dma_wait3A_199, %dma_wait3A_204] : memref<8x32xi32, #tpu.memory_space<vmem>> -> memref<1x32xi32, #tpu.memory_space<vmem>>
    %dma_wait3A_206 = tpu.memref_squeeze %dma_wait3A_205 : memref<1x32xi32, #tpu.memory_space<vmem>> -> memref<32xi32, #tpu.memory_space<vmem>>
    %dma_wait3A_207 = arith.constant 0 : i32
    %dma_wait3A_208 = arith.constant 0 : i32
    %dma_wait3A_209 = tpu.memref_slice %arg4[%dma_wait3A_207, %dma_wait3A_208] : memref<65792x1024xf32, #tpu.memory_space<hbm>> -> memref<65792x1024xf32, #tpu.memory_space<hbm>>
    tpu.wait_indirect_dma semaphore(%arg8 : memref<!tpu.dma_semaphore, #tpu.memory_space<semaphore_mem>>) src(%dma_wait3A_203 : memref<32x1024xf32, #tpu.memory_space<vmem>>) dst(%dma_wait3A_209 : memref<65792x1024xf32, #tpu.memory_space<hbm>>)
    %add3A_210 = arith.constant 160 : i32
    %add3A_211 = arith.addi %mul3A_4, %add3A_210 : i32
    %dma_start3A_212 = arith.constant 2 : i32
    %dma_start3A_213 = arith.constant 0 : i32
    %dma_start3A_214 = arith.constant 0 : i32
    %dma_start3A_215 = tpu.memref_slice %arg6[%dma_start3A_212, %dma_start3A_213, %dma_start3A_214] : memref<3x32x1024xf32, #tpu.memory_space<vmem>> -> memref<1x32x1024xf32, #tpu.memory_space<vmem>>
    %dma_start3A_216 = tpu.memref_squeeze %dma_start3A_215 : memref<1x32x1024xf32, #tpu.memory_space<vmem>> -> memref<32x1024xf32, #tpu.memory_space<vmem>>
    %dma_start3A_217 = arith.constant 0 : i32
    %dma_start3A_218 = tpu.memref_slice %arg2[%add3A_211, %dma_start3A_217] : memref<8192x1024xf32, #tpu.memory_space<hbm>> -> memref<32x1024xf32, #tpu.memory_space<hbm>>
    %dma_start3A_219 = arith.constant 0 : i32
    %dma_start3A_220 = arith.constant 0 : i32
    %dma_start3A_221 = tpu.memref_slice %arg6[%dma_start3A_212, %dma_start3A_219, %dma_start3A_220] : memref<3x32x1024xf32, #tpu.memory_space<vmem>> -> memref<1x32x1024xf32, #tpu.memory_space<vmem>>
    %dma_start3A_222 = tpu.memref_squeeze %dma_start3A_221 : memref<1x32x1024xf32, #tpu.memory_space<vmem>> -> memref<32x1024xf32, #tpu.memory_space<vmem>>
    %dma_start3A_223 = arith.constant 0 : i32
    %dma_start3A_224 = tpu.memref_slice %arg2[%add3A_211, %dma_start3A_223] : memref<8192x1024xf32, #tpu.memory_space<hbm>> -> memref<32x1024xf32, #tpu.memory_space<hbm>>
    tpu.enqueue_dma source(%dma_start3A_224 : memref<32x1024xf32, #tpu.memory_space<hbm>>) target(%dma_start3A_222 : memref<32x1024xf32, #tpu.memory_space<vmem>>) target_semaphore(%arg7 : memref<!tpu.dma_semaphore, #tpu.memory_space<semaphore_mem>>)
    %dma_start3A_225 = arith.constant 0 : i32
    %dma_start3A_226 = arith.constant 3 : i32
    %dma_start3A_227 = arith.constant 0 : i32
    %dma_start3A_228 = arith.constant 0 : i32
    %dma_start3A_229 = tpu.memref_slice %arg6[%dma_start3A_225, %dma_start3A_227, %dma_start3A_228] : memref<3x32x1024xf32, #tpu.memory_space<vmem>> -> memref<1x32x1024xf32, #tpu.memory_space<vmem>>
    %dma_start3A_230 = tpu.memref_squeeze %dma_start3A_229 : memref<1x32x1024xf32, #tpu.memory_space<vmem>> -> memref<32x1024xf32, #tpu.memory_space<vmem>>
    %dma_start3A_231 = arith.constant 0 : i32
    %dma_start3A_232 = tpu.memref_slice %arg5[%dma_start3A_226, %dma_start3A_231] : memref<8x32xi32, #tpu.memory_space<vmem>> -> memref<1x32xi32, #tpu.memory_space<vmem>>
    %dma_start3A_233 = tpu.memref_squeeze %dma_start3A_232 : memref<1x32xi32, #tpu.memory_space<vmem>> -> memref<32xi32, #tpu.memory_space<vmem>>
    %dma_start3A_234 = arith.constant 0 : i32
    %dma_start3A_235 = arith.constant 0 : i32
    %dma_start3A_236 = tpu.memref_slice %arg4[%dma_start3A_234, %dma_start3A_235] : memref<65792x1024xf32, #tpu.memory_space<hbm>> -> memref<65792x1024xf32, #tpu.memory_space<hbm>>
    tpu.enqueue_indirect_dma source(%dma_start3A_230 : memref<32x1024xf32, #tpu.memory_space<vmem>>) target(%dma_start3A_236 : memref<65792x1024xf32, #tpu.memory_space<hbm>>) offsets(%dma_start3A_233 : memref<32xi32, #tpu.memory_space<vmem>>) semaphore(%arg8 : memref<!tpu.dma_semaphore, #tpu.memory_space<semaphore_mem>>)
    %add3A_237 = arith.constant 128 : i32
    %add3A_238 = arith.addi %mul3A_4, %add3A_237 : i32
    %dma_wait3A_239 = arith.constant 1 : i32
    %dma_wait3A_240 = arith.constant 0 : i32
    %dma_wait3A_241 = arith.constant 0 : i32
    %dma_wait3A_242 = tpu.memref_slice %arg6[%dma_wait3A_239, %dma_wait3A_240, %dma_wait3A_241] : memref<3x32x1024xf32, #tpu.memory_space<vmem>> -> memref<1x32x1024xf32, #tpu.memory_space<vmem>>
    %dma_wait3A_243 = tpu.memref_squeeze %dma_wait3A_242 : memref<1x32x1024xf32, #tpu.memory_space<vmem>> -> memref<32x1024xf32, #tpu.memory_space<vmem>>
    %dma_wait3A_244 = arith.constant 0 : i32
    %dma_wait3A_245 = tpu.memref_slice %arg2[%add3A_238, %dma_wait3A_244] : memref<8192x1024xf32, #tpu.memory_space<hbm>> -> memref<32x1024xf32, #tpu.memory_space<hbm>>
    %dma_wait3A_246 = arith.constant 0 : i32
    %dma_wait3A_247 = arith.constant 0 : i32
    %dma_wait3A_248 = tpu.memref_slice %arg6[%dma_wait3A_239, %dma_wait3A_246, %dma_wait3A_247] : memref<3x32x1024xf32, #tpu.memory_space<vmem>> -> memref<1x32x1024xf32, #tpu.memory_space<vmem>>
    %dma_wait3A_249 = tpu.memref_squeeze %dma_wait3A_248 : memref<1x32x1024xf32, #tpu.memory_space<vmem>> -> memref<32x1024xf32, #tpu.memory_space<vmem>>
    %dma_wait3A_250 = arith.constant 0 : i32
    %dma_wait3A_251 = tpu.memref_slice %arg2[%add3A_238, %dma_wait3A_250] : memref<8192x1024xf32, #tpu.memory_space<hbm>> -> memref<32x1024xf32, #tpu.memory_space<hbm>>
    tpu.wait_dma2 semaphore(%arg7 : memref<!tpu.dma_semaphore, #tpu.memory_space<semaphore_mem>>) src(%dma_wait3A_251 : memref<32x1024xf32, #tpu.memory_space<hbm>>) dst(%dma_wait3A_249 : memref<32x1024xf32, #tpu.memory_space<vmem>>)
    %dma_wait3A_252 = arith.constant 0 : i32
    %dma_wait3A_253 = arith.constant 3 : i32
    %dma_wait3A_254 = arith.constant 0 : i32
    %dma_wait3A_255 = arith.constant 0 : i32
    %dma_wait3A_256 = tpu.memref_slice %arg6[%dma_wait3A_252, %dma_wait3A_254, %dma_wait3A_255] : memref<3x32x1024xf32, #tpu.memory_space<vmem>> -> memref<1x32x1024xf32, #tpu.memory_space<vmem>>
    %dma_wait3A_257 = tpu.memref_squeeze %dma_wait3A_256 : memref<1x32x1024xf32, #tpu.memory_space<vmem>> -> memref<32x1024xf32, #tpu.memory_space<vmem>>
    %dma_wait3A_258 = arith.constant 0 : i32
    %dma_wait3A_259 = tpu.memref_slice %arg5[%dma_wait3A_253, %dma_wait3A_258] : memref<8x32xi32, #tpu.memory_space<vmem>> -> memref<1x32xi32, #tpu.memory_space<vmem>>
    %dma_wait3A_260 = tpu.memref_squeeze %dma_wait3A_259 : memref<1x32xi32, #tpu.memory_space<vmem>> -> memref<32xi32, #tpu.memory_space<vmem>>
    %dma_wait3A_261 = arith.constant 0 : i32
    %dma_wait3A_262 = arith.constant 0 : i32
    %dma_wait3A_263 = tpu.memref_slice %arg4[%dma_wait3A_261, %dma_wait3A_262] : memref<65792x1024xf32, #tpu.memory_space<hbm>> -> memref<65792x1024xf32, #tpu.memory_space<hbm>>
    tpu.wait_indirect_dma semaphore(%arg8 : memref<!tpu.dma_semaphore, #tpu.memory_space<semaphore_mem>>) src(%dma_wait3A_257 : memref<32x1024xf32, #tpu.memory_space<vmem>>) dst(%dma_wait3A_263 : memref<65792x1024xf32, #tpu.memory_space<hbm>>)
    %add3A_264 = arith.constant 192 : i32
    %add3A_265 = arith.addi %mul3A_4, %add3A_264 : i32
    %dma_start3A_266 = arith.constant 0 : i32
    %dma_start3A_267 = arith.constant 0 : i32
    %dma_start3A_268 = arith.constant 0 : i32
    %dma_start3A_269 = tpu.memref_slice %arg6[%dma_start3A_266, %dma_start3A_267, %dma_start3A_268] : memref<3x32x1024xf32, #tpu.memory_space<vmem>> -> memref<1x32x1024xf32, #tpu.memory_space<vmem>>
    %dma_start3A_270 = tpu.memref_squeeze %dma_start3A_269 : memref<1x32x1024xf32, #tpu.memory_space<vmem>> -> memref<32x1024xf32, #tpu.memory_space<vmem>>
    %dma_start3A_271 = arith.constant 0 : i32
    %dma_start3A_272 = tpu.memref_slice %arg2[%add3A_265, %dma_start3A_271] : memref<8192x1024xf32, #tpu.memory_space<hbm>> -> memref<32x1024xf32, #tpu.memory_space<hbm>>
    %dma_start3A_273 = arith.constant 0 : i32
    %dma_start3A_274 = arith.constant 0 : i32
    %dma_start3A_275 = tpu.memref_slice %arg6[%dma_start3A_266, %dma_start3A_273, %dma_start3A_274] : memref<3x32x1024xf32, #tpu.memory_space<vmem>> -> memref<1x32x1024xf32, #tpu.memory_space<vmem>>
    %dma_start3A_276 = tpu.memref_squeeze %dma_start3A_275 : memref<1x32x1024xf32, #tpu.memory_space<vmem>> -> memref<32x1024xf32, #tpu.memory_space<vmem>>
    %dma_start3A_277 = arith.constant 0 : i32
    %dma_start3A_278 = tpu.memref_slice %arg2[%add3A_265, %dma_start3A_277] : memref<8192x1024xf32, #tpu.memory_space<hbm>> -> memref<32x1024xf32, #tpu.memory_space<hbm>>
    tpu.enqueue_dma source(%dma_start3A_278 : memref<32x1024xf32, #tpu.memory_space<hbm>>) target(%dma_start3A_276 : memref<32x1024xf32, #tpu.memory_space<vmem>>) target_semaphore(%arg7 : memref<!tpu.dma_semaphore, #tpu.memory_space<semaphore_mem>>)
    %dma_start3A_279 = arith.constant 1 : i32
    %dma_start3A_280 = arith.constant 4 : i32
    %dma_start3A_281 = arith.constant 0 : i32
    %dma_start3A_282 = arith.constant 0 : i32
    %dma_start3A_283 = tpu.memref_slice %arg6[%dma_start3A_279, %dma_start3A_281, %dma_start3A_282] : memref<3x32x1024xf32, #tpu.memory_space<vmem>> -> memref<1x32x1024xf32, #tpu.memory_space<vmem>>
    %dma_start3A_284 = tpu.memref_squeeze %dma_start3A_283 : memref<1x32x1024xf32, #tpu.memory_space<vmem>> -> memref<32x1024xf32, #tpu.memory_space<vmem>>
    %dma_start3A_285 = arith.constant 0 : i32
    %dma_start3A_286 = tpu.memref_slice %arg5[%dma_start3A_280, %dma_start3A_285] : memref<8x32xi32, #tpu.memory_space<vmem>> -> memref<1x32xi32, #tpu.memory_space<vmem>>
    %dma_start3A_287 = tpu.memref_squeeze %dma_start3A_286 : memref<1x32xi32, #tpu.memory_space<vmem>> -> memref<32xi32, #tpu.memory_space<vmem>>
    %dma_start3A_288 = arith.constant 0 : i32
    %dma_start3A_289 = arith.constant 0 : i32
    %dma_start3A_290 = tpu.memref_slice %arg4[%dma_start3A_288, %dma_start3A_289] : memref<65792x1024xf32, #tpu.memory_space<hbm>> -> memref<65792x1024xf32, #tpu.memory_space<hbm>>
    tpu.enqueue_indirect_dma source(%dma_start3A_284 : memref<32x1024xf32, #tpu.memory_space<vmem>>) target(%dma_start3A_290 : memref<65792x1024xf32, #tpu.memory_space<hbm>>) offsets(%dma_start3A_287 : memref<32xi32, #tpu.memory_space<vmem>>) semaphore(%arg8 : memref<!tpu.dma_semaphore, #tpu.memory_space<semaphore_mem>>)
    %add3A_291 = arith.constant 160 : i32
    %add3A_292 = arith.addi %mul3A_4, %add3A_291 : i32
    %dma_wait3A_293 = arith.constant 2 : i32
    %dma_wait3A_294 = arith.constant 0 : i32
    %dma_wait3A_295 = arith.constant 0 : i32
    %dma_wait3A_296 = tpu.memref_slice %arg6[%dma_wait3A_293, %dma_wait3A_294, %dma_wait3A_295] : memref<3x32x1024xf32, #tpu.memory_space<vmem>> -> memref<1x32x1024xf32, #tpu.memory_space<vmem>>
    %dma_wait3A_297 = tpu.memref_squeeze %dma_wait3A_296 : memref<1x32x1024xf32, #tpu.memory_space<vmem>> -> memref<32x1024xf32, #tpu.memory_space<vmem>>
    %dma_wait3A_298 = arith.constant 0 : i32
    %dma_wait3A_299 = tpu.memref_slice %arg2[%add3A_292, %dma_wait3A_298] : memref<8192x1024xf32, #tpu.memory_space<hbm>> -> memref<32x1024xf32, #tpu.memory_space<hbm>>
    %dma_wait3A_300 = arith.constant 0 : i32
    %dma_wait3A_301 = arith.constant 0 : i32
    %dma_wait3A_302 = tpu.memref_slice %arg6[%dma_wait3A_293, %dma_wait3A_300, %dma_wait3A_301] : memref<3x32x1024xf32, #tpu.memory_space<vmem>> -> memref<1x32x1024xf32, #tpu.memory_space<vmem>>
    %dma_wait3A_303 = tpu.memref_squeeze %dma_wait3A_302 : memref<1x32x1024xf32, #tpu.memory_space<vmem>> -> memref<32x1024xf32, #tpu.memory_space<vmem>>
    %dma_wait3A_304 = arith.constant 0 : i32
    %dma_wait3A_305 = tpu.memref_slice %arg2[%add3A_292, %dma_wait3A_304] : memref<8192x1024xf32, #tpu.memory_space<hbm>> -> memref<32x1024xf32, #tpu.memory_space<hbm>>
    tpu.wait_dma2 semaphore(%arg7 : memref<!tpu.dma_semaphore, #tpu.memory_space<semaphore_mem>>) src(%dma_wait3A_305 : memref<32x1024xf32, #tpu.memory_space<hbm>>) dst(%dma_wait3A_303 : memref<32x1024xf32, #tpu.memory_space<vmem>>)
    %dma_wait3A_306 = arith.constant 1 : i32
    %dma_wait3A_307 = arith.constant 4 : i32
    %dma_wait3A_308 = arith.constant 0 : i32
    %dma_wait3A_309 = arith.constant 0 : i32
    %dma_wait3A_310 = tpu.memref_slice %arg6[%dma_wait3A_306, %dma_wait3A_308, %dma_wait3A_309] : memref<3x32x1024xf32, #tpu.memory_space<vmem>> -> memref<1x32x1024xf32, #tpu.memory_space<vmem>>
    %dma_wait3A_311 = tpu.memref_squeeze %dma_wait3A_310 : memref<1x32x1024xf32, #tpu.memory_space<vmem>> -> memref<32x1024xf32, #tpu.memory_space<vmem>>
    %dma_wait3A_312 = arith.constant 0 : i32
    %dma_wait3A_313 = tpu.memref_slice %arg5[%dma_wait3A_307, %dma_wait3A_312] : memref<8x32xi32, #tpu.memory_space<vmem>> -> memref<1x32xi32, #tpu.memory_space<vmem>>
    %dma_wait3A_314 = tpu.memref_squeeze %dma_wait3A_313 : memref<1x32xi32, #tpu.memory_space<vmem>> -> memref<32xi32, #tpu.memory_space<vmem>>
    %dma_wait3A_315 = arith.constant 0 : i32
    %dma_wait3A_316 = arith.constant 0 : i32
    %dma_wait3A_317 = tpu.memref_slice %arg4[%dma_wait3A_315, %dma_wait3A_316] : memref<65792x1024xf32, #tpu.memory_space<hbm>> -> memref<65792x1024xf32, #tpu.memory_space<hbm>>
    tpu.wait_indirect_dma semaphore(%arg8 : memref<!tpu.dma_semaphore, #tpu.memory_space<semaphore_mem>>) src(%dma_wait3A_311 : memref<32x1024xf32, #tpu.memory_space<vmem>>) dst(%dma_wait3A_317 : memref<65792x1024xf32, #tpu.memory_space<hbm>>)
    %add3A_318 = arith.constant 224 : i32
    %add3A_319 = arith.addi %mul3A_4, %add3A_318 : i32
    %dma_start3A_320 = arith.constant 1 : i32
    %dma_start3A_321 = arith.constant 0 : i32
    %dma_start3A_322 = arith.constant 0 : i32
    %dma_start3A_323 = tpu.memref_slice %arg6[%dma_start3A_320, %dma_start3A_321, %dma_start3A_322] : memref<3x32x1024xf32, #tpu.memory_space<vmem>> -> memref<1x32x1024xf32, #tpu.memory_space<vmem>>
    %dma_start3A_324 = tpu.memref_squeeze %dma_start3A_323 : memref<1x32x1024xf32, #tpu.memory_space<vmem>> -> memref<32x1024xf32, #tpu.memory_space<vmem>>
    %dma_start3A_325 = arith.constant 0 : i32
    %dma_start3A_326 = tpu.memref_slice %arg2[%add3A_319, %dma_start3A_325] : memref<8192x1024xf32, #tpu.memory_space<hbm>> -> memref<32x1024xf32, #tpu.memory_space<hbm>>
    %dma_start3A_327 = arith.constant 0 : i32
    %dma_start3A_328 = arith.constant 0 : i32
    %dma_start3A_329 = tpu.memref_slice %arg6[%dma_start3A_320, %dma_start3A_327, %dma_start3A_328] : memref<3x32x1024xf32, #tpu.memory_space<vmem>> -> memref<1x32x1024xf32, #tpu.memory_space<vmem>>
    %dma_start3A_330 = tpu.memref_squeeze %dma_start3A_329 : memref<1x32x1024xf32, #tpu.memory_space<vmem>> -> memref<32x1024xf32, #tpu.memory_space<vmem>>
    %dma_start3A_331 = arith.constant 0 : i32
    %dma_start3A_332 = tpu.memref_slice %arg2[%add3A_319, %dma_start3A_331] : memref<8192x1024xf32, #tpu.memory_space<hbm>> -> memref<32x1024xf32, #tpu.memory_space<hbm>>
    tpu.enqueue_dma source(%dma_start3A_332 : memref<32x1024xf32, #tpu.memory_space<hbm>>) target(%dma_start3A_330 : memref<32x1024xf32, #tpu.memory_space<vmem>>) target_semaphore(%arg7 : memref<!tpu.dma_semaphore, #tpu.memory_space<semaphore_mem>>)
    %dma_start3A_333 = arith.constant 2 : i32
    %dma_start3A_334 = arith.constant 5 : i32
    %dma_start3A_335 = arith.constant 0 : i32
    %dma_start3A_336 = arith.constant 0 : i32
    %dma_start3A_337 = tpu.memref_slice %arg6[%dma_start3A_333, %dma_start3A_335, %dma_start3A_336] : memref<3x32x1024xf32, #tpu.memory_space<vmem>> -> memref<1x32x1024xf32, #tpu.memory_space<vmem>>
    %dma_start3A_338 = tpu.memref_squeeze %dma_start3A_337 : memref<1x32x1024xf32, #tpu.memory_space<vmem>> -> memref<32x1024xf32, #tpu.memory_space<vmem>>
    %dma_start3A_339 = arith.constant 0 : i32
    %dma_start3A_340 = tpu.memref_slice %arg5[%dma_start3A_334, %dma_start3A_339] : memref<8x32xi32, #tpu.memory_space<vmem>> -> memref<1x32xi32, #tpu.memory_space<vmem>>
    %dma_start3A_341 = tpu.memref_squeeze %dma_start3A_340 : memref<1x32xi32, #tpu.memory_space<vmem>> -> memref<32xi32, #tpu.memory_space<vmem>>
    %dma_start3A_342 = arith.constant 0 : i32
    %dma_start3A_343 = arith.constant 0 : i32
    %dma_start3A_344 = tpu.memref_slice %arg4[%dma_start3A_342, %dma_start3A_343] : memref<65792x1024xf32, #tpu.memory_space<hbm>> -> memref<65792x1024xf32, #tpu.memory_space<hbm>>
    tpu.enqueue_indirect_dma source(%dma_start3A_338 : memref<32x1024xf32, #tpu.memory_space<vmem>>) target(%dma_start3A_344 : memref<65792x1024xf32, #tpu.memory_space<hbm>>) offsets(%dma_start3A_341 : memref<32xi32, #tpu.memory_space<vmem>>) semaphore(%arg8 : memref<!tpu.dma_semaphore, #tpu.memory_space<semaphore_mem>>)
    %add3A_345 = arith.constant 192 : i32
    %add3A_346 = arith.addi %mul3A_4, %add3A_345 : i32
    %dma_wait3A_347 = arith.constant 0 : i32
    %dma_wait3A_348 = arith.constant 0 : i32
    %dma_wait3A_349 = arith.constant 0 : i32
    %dma_wait3A_350 = tpu.memref_slice %arg6[%dma_wait3A_347, %dma_wait3A_348, %dma_wait3A_349] : memref<3x32x1024xf32, #tpu.memory_space<vmem>> -> memref<1x32x1024xf32, #tpu.memory_space<vmem>>
    %dma_wait3A_351 = tpu.memref_squeeze %dma_wait3A_350 : memref<1x32x1024xf32, #tpu.memory_space<vmem>> -> memref<32x1024xf32, #tpu.memory_space<vmem>>
    %dma_wait3A_352 = arith.constant 0 : i32
    %dma_wait3A_353 = tpu.memref_slice %arg2[%add3A_346, %dma_wait3A_352] : memref<8192x1024xf32, #tpu.memory_space<hbm>> -> memref<32x1024xf32, #tpu.memory_space<hbm>>
    %dma_wait3A_354 = arith.constant 0 : i32
    %dma_wait3A_355 = arith.constant 0 : i32
    %dma_wait3A_356 = tpu.memref_slice %arg6[%dma_wait3A_347, %dma_wait3A_354, %dma_wait3A_355] : memref<3x32x1024xf32, #tpu.memory_space<vmem>> -> memref<1x32x1024xf32, #tpu.memory_space<vmem>>
    %dma_wait3A_357 = tpu.memref_squeeze %dma_wait3A_356 : memref<1x32x1024xf32, #tpu.memory_space<vmem>> -> memref<32x1024xf32, #tpu.memory_space<vmem>>
    %dma_wait3A_358 = arith.constant 0 : i32
    %dma_wait3A_359 = tpu.memref_slice %arg2[%add3A_346, %dma_wait3A_358] : memref<8192x1024xf32, #tpu.memory_space<hbm>> -> memref<32x1024xf32, #tpu.memory_space<hbm>>
    tpu.wait_dma2 semaphore(%arg7 : memref<!tpu.dma_semaphore, #tpu.memory_space<semaphore_mem>>) src(%dma_wait3A_359 : memref<32x1024xf32, #tpu.memory_space<hbm>>) dst(%dma_wait3A_357 : memref<32x1024xf32, #tpu.memory_space<vmem>>)
    %dma_start3A_360 = arith.constant 0 : i32
    %dma_start3A_361 = arith.constant 6 : i32
    %dma_start3A_362 = arith.constant 0 : i32
    %dma_start3A_363 = arith.constant 0 : i32
    %dma_start3A_364 = tpu.memref_slice %arg6[%dma_start3A_360, %dma_start3A_362, %dma_start3A_363] : memref<3x32x1024xf32, #tpu.memory_space<vmem>> -> memref<1x32x1024xf32, #tpu.memory_space<vmem>>
    %dma_start3A_365 = tpu.memref_squeeze %dma_start3A_364 : memref<1x32x1024xf32, #tpu.memory_space<vmem>> -> memref<32x1024xf32, #tpu.memory_space<vmem>>
    %dma_start3A_366 = arith.constant 0 : i32
    %dma_start3A_367 = tpu.memref_slice %arg5[%dma_start3A_361, %dma_start3A_366] : memref<8x32xi32, #tpu.memory_space<vmem>> -> memref<1x32xi32, #tpu.memory_space<vmem>>
    %dma_start3A_368 = tpu.memref_squeeze %dma_start3A_367 : memref<1x32xi32, #tpu.memory_space<vmem>> -> memref<32xi32, #tpu.memory_space<vmem>>
    %dma_start3A_369 = arith.constant 0 : i32
    %dma_start3A_370 = arith.constant 0 : i32
    %dma_start3A_371 = tpu.memref_slice %arg4[%dma_start3A_369, %dma_start3A_370] : memref<65792x1024xf32, #tpu.memory_space<hbm>> -> memref<65792x1024xf32, #tpu.memory_space<hbm>>
    tpu.enqueue_indirect_dma source(%dma_start3A_365 : memref<32x1024xf32, #tpu.memory_space<vmem>>) target(%dma_start3A_371 : memref<65792x1024xf32, #tpu.memory_space<hbm>>) offsets(%dma_start3A_368 : memref<32xi32, #tpu.memory_space<vmem>>) semaphore(%arg8 : memref<!tpu.dma_semaphore, #tpu.memory_space<semaphore_mem>>)
    %add3A_372 = arith.constant 224 : i32
    %add3A_373 = arith.addi %mul3A_4, %add3A_372 : i32
    %dma_wait3A_374 = arith.constant 1 : i32
    %dma_wait3A_375 = arith.constant 0 : i32
    %dma_wait3A_376 = arith.constant 0 : i32
    %dma_wait3A_377 = tpu.memref_slice %arg6[%dma_wait3A_374, %dma_wait3A_375, %dma_wait3A_376] : memref<3x32x1024xf32, #tpu.memory_space<vmem>> -> memref<1x32x1024xf32, #tpu.memory_space<vmem>>
    %dma_wait3A_378 = tpu.memref_squeeze %dma_wait3A_377 : memref<1x32x1024xf32, #tpu.memory_space<vmem>> -> memref<32x1024xf32, #tpu.memory_space<vmem>>
    %dma_wait3A_379 = arith.constant 0 : i32
    %dma_wait3A_380 = tpu.memref_slice %arg2[%add3A_373, %dma_wait3A_379] : memref<8192x1024xf32, #tpu.memory_space<hbm>> -> memref<32x1024xf32, #tpu.memory_space<hbm>>
    %dma_wait3A_381 = arith.constant 0 : i32
    %dma_wait3A_382 = arith.constant 0 : i32
    %dma_wait3A_383 = tpu.memref_slice %arg6[%dma_wait3A_374, %dma_wait3A_381, %dma_wait3A_382] : memref<3x32x1024xf32, #tpu.memory_space<vmem>> -> memref<1x32x1024xf32, #tpu.memory_space<vmem>>
    %dma_wait3A_384 = tpu.memref_squeeze %dma_wait3A_383 : memref<1x32x1024xf32, #tpu.memory_space<vmem>> -> memref<32x1024xf32, #tpu.memory_space<vmem>>
    %dma_wait3A_385 = arith.constant 0 : i32
    %dma_wait3A_386 = tpu.memref_slice %arg2[%add3A_373, %dma_wait3A_385] : memref<8192x1024xf32, #tpu.memory_space<hbm>> -> memref<32x1024xf32, #tpu.memory_space<hbm>>
    tpu.wait_dma2 semaphore(%arg7 : memref<!tpu.dma_semaphore, #tpu.memory_space<semaphore_mem>>) src(%dma_wait3A_386 : memref<32x1024xf32, #tpu.memory_space<hbm>>) dst(%dma_wait3A_384 : memref<32x1024xf32, #tpu.memory_space<vmem>>)
    %dma_start3A_387 = arith.constant 1 : i32
    %dma_start3A_388 = arith.constant 7 : i32
    %dma_start3A_389 = arith.constant 0 : i32
    %dma_start3A_390 = arith.constant 0 : i32
    %dma_start3A_391 = tpu.memref_slice %arg6[%dma_start3A_387, %dma_start3A_389, %dma_start3A_390] : memref<3x32x1024xf32, #tpu.memory_space<vmem>> -> memref<1x32x1024xf32, #tpu.memory_space<vmem>>
    %dma_start3A_392 = tpu.memref_squeeze %dma_start3A_391 : memref<1x32x1024xf32, #tpu.memory_space<vmem>> -> memref<32x1024xf32, #tpu.memory_space<vmem>>
    %dma_start3A_393 = arith.constant 0 : i32
    %dma_start3A_394 = tpu.memref_slice %arg5[%dma_start3A_388, %dma_start3A_393] : memref<8x32xi32, #tpu.memory_space<vmem>> -> memref<1x32xi32, #tpu.memory_space<vmem>>
    %dma_start3A_395 = tpu.memref_squeeze %dma_start3A_394 : memref<1x32xi32, #tpu.memory_space<vmem>> -> memref<32xi32, #tpu.memory_space<vmem>>
    %dma_start3A_396 = arith.constant 0 : i32
    %dma_start3A_397 = arith.constant 0 : i32
    %dma_start3A_398 = tpu.memref_slice %arg4[%dma_start3A_396, %dma_start3A_397] : memref<65792x1024xf32, #tpu.memory_space<hbm>> -> memref<65792x1024xf32, #tpu.memory_space<hbm>>
    tpu.enqueue_indirect_dma source(%dma_start3A_392 : memref<32x1024xf32, #tpu.memory_space<vmem>>) target(%dma_start3A_398 : memref<65792x1024xf32, #tpu.memory_space<hbm>>) offsets(%dma_start3A_395 : memref<32xi32, #tpu.memory_space<vmem>>) semaphore(%arg8 : memref<!tpu.dma_semaphore, #tpu.memory_space<semaphore_mem>>)
    %dma_wait3A_399 = arith.constant 2 : i32
    %dma_wait3A_400 = arith.constant 5 : i32
    %dma_wait3A_401 = arith.constant 0 : i32
    %dma_wait3A_402 = arith.constant 0 : i32
    %dma_wait3A_403 = tpu.memref_slice %arg6[%dma_wait3A_399, %dma_wait3A_401, %dma_wait3A_402] : memref<3x32x1024xf32, #tpu.memory_space<vmem>> -> memref<1x32x1024xf32, #tpu.memory_space<vmem>>
    %dma_wait3A_404 = tpu.memref_squeeze %dma_wait3A_403 : memref<1x32x1024xf32, #tpu.memory_space<vmem>> -> memref<32x1024xf32, #tpu.memory_space<vmem>>
    %dma_wait3A_405 = arith.constant 0 : i32
    %dma_wait3A_406 = tpu.memref_slice %arg5[%dma_wait3A_400, %dma_wait3A_405] : memref<8x32xi32, #tpu.memory_space<vmem>> -> memref<1x32xi32, #tpu.memory_space<vmem>>
    %dma_wait3A_407 = tpu.memref_squeeze %dma_wait3A_406 : memref<1x32xi32, #tpu.memory_space<vmem>> -> memref<32xi32, #tpu.memory_space<vmem>>
    %dma_wait3A_408 = arith.constant 0 : i32
    %dma_wait3A_409 = arith.constant 0 : i32
    %dma_wait3A_410 = tpu.memref_slice %arg4[%dma_wait3A_408, %dma_wait3A_409] : memref<65792x1024xf32, #tpu.memory_space<hbm>> -> memref<65792x1024xf32, #tpu.memory_space<hbm>>
    tpu.wait_indirect_dma semaphore(%arg8 : memref<!tpu.dma_semaphore, #tpu.memory_space<semaphore_mem>>) src(%dma_wait3A_404 : memref<32x1024xf32, #tpu.memory_space<vmem>>) dst(%dma_wait3A_410 : memref<65792x1024xf32, #tpu.memory_space<hbm>>)
    %dma_wait3A_411 = arith.constant 0 : i32
    %dma_wait3A_412 = arith.constant 6 : i32
    %dma_wait3A_413 = arith.constant 0 : i32
    %dma_wait3A_414 = arith.constant 0 : i32
    %dma_wait3A_415 = tpu.memref_slice %arg6[%dma_wait3A_411, %dma_wait3A_413, %dma_wait3A_414] : memref<3x32x1024xf32, #tpu.memory_space<vmem>> -> memref<1x32x1024xf32, #tpu.memory_space<vmem>>
    %dma_wait3A_416 = tpu.memref_squeeze %dma_wait3A_415 : memref<1x32x1024xf32, #tpu.memory_space<vmem>> -> memref<32x1024xf32, #tpu.memory_space<vmem>>
    %dma_wait3A_417 = arith.constant 0 : i32
    %dma_wait3A_418 = tpu.memref_slice %arg5[%dma_wait3A_412, %dma_wait3A_417] : memref<8x32xi32, #tpu.memory_space<vmem>> -> memref<1x32xi32, #tpu.memory_space<vmem>>
    %dma_wait3A_419 = tpu.memref_squeeze %dma_wait3A_418 : memref<1x32xi32, #tpu.memory_space<vmem>> -> memref<32xi32, #tpu.memory_space<vmem>>
    %dma_wait3A_420 = arith.constant 0 : i32
    %dma_wait3A_421 = arith.constant 0 : i32
    %dma_wait3A_422 = tpu.memref_slice %arg4[%dma_wait3A_420, %dma_wait3A_421] : memref<65792x1024xf32, #tpu.memory_space<hbm>> -> memref<65792x1024xf32, #tpu.memory_space<hbm>>
    tpu.wait_indirect_dma semaphore(%arg8 : memref<!tpu.dma_semaphore, #tpu.memory_space<semaphore_mem>>) src(%dma_wait3A_416 : memref<32x1024xf32, #tpu.memory_space<vmem>>) dst(%dma_wait3A_422 : memref<65792x1024xf32, #tpu.memory_space<hbm>>)
    %dma_wait3A_423 = arith.constant 1 : i32
    %dma_wait3A_424 = arith.constant 7 : i32
    %dma_wait3A_425 = arith.constant 0 : i32
    %dma_wait3A_426 = arith.constant 0 : i32
    %dma_wait3A_427 = tpu.memref_slice %arg6[%dma_wait3A_423, %dma_wait3A_425, %dma_wait3A_426] : memref<3x32x1024xf32, #tpu.memory_space<vmem>> -> memref<1x32x1024xf32, #tpu.memory_space<vmem>>
    %dma_wait3A_428 = tpu.memref_squeeze %dma_wait3A_427 : memref<1x32x1024xf32, #tpu.memory_space<vmem>> -> memref<32x1024xf32, #tpu.memory_space<vmem>>
    %dma_wait3A_429 = arith.constant 0 : i32
    %dma_wait3A_430 = tpu.memref_slice %arg5[%dma_wait3A_424, %dma_wait3A_429] : memref<8x32xi32, #tpu.memory_space<vmem>> -> memref<1x32xi32, #tpu.memory_space<vmem>>
    %dma_wait3A_431 = tpu.memref_squeeze %dma_wait3A_430 : memref<1x32xi32, #tpu.memory_space<vmem>> -> memref<32xi32, #tpu.memory_space<vmem>>
    %dma_wait3A_432 = arith.constant 0 : i32
    %dma_wait3A_433 = arith.constant 0 : i32
    %dma_wait3A_434 = tpu.memref_slice %arg4[%dma_wait3A_432, %dma_wait3A_433] : memref<65792x1024xf32, #tpu.memory_space<hbm>> -> memref<65792x1024xf32, #tpu.memory_space<hbm>>
    tpu.wait_indirect_dma semaphore(%arg8 : memref<!tpu.dma_semaphore, #tpu.memory_space<semaphore_mem>>) src(%dma_wait3A_428 : memref<32x1024xf32, #tpu.memory_space<vmem>>) dst(%dma_wait3A_434 : memref<65792x1024xf32, #tpu.memory_space<hbm>>)
    return
  }
}

#map = affine_map<(d0, d1) -> (0, 0)>
module attributes {stable_mosaic.version = 14 : i64} {
  func.func @k(%arg0: i32, %arg1: i32, %arg2: memref<65792x1024xf32, #tpu.memory_space<hbm>>, %arg3: memref<256x32xi32, #tpu.memory_space<hbm>>, %arg4: memref<8192x1024xf32, #tpu.memory_space<hbm>>, %arg5: memref<8x32xi32, #tpu.memory_space<vmem>>, %arg6: memref<3x32x1024xf32, #tpu.memory_space<vmem>>, %arg7: memref<!tpu.dma_semaphore, #tpu.memory_space<semaphore_mem>>, %arg8: memref<!tpu.dma_semaphore, #tpu.memory_space<semaphore_mem>>) attributes {dimension_semantics = [#tpu.dimension_semantics<core_parallel>, #tpu.dimension_semantics<subcore_parallel>], iteration_bounds = array<i64: 2, 16>, scalar_prefetch = 0 : i64, scratch_operands = 4 : i64, tpu.core_type = #tpu.core_type<sc_vector_subcore>, window_params = [{transform_indices = #map}, {transform_indices = #map}, {transform_indices = #map}]} {
    %mul3A = arith.constant 2 : i32
    %mul3A_0 = arith.muli %arg1, %mul3A : i32
    %add3A = arith.addi %mul3A_0, %arg0 : i32
    %mul3A_1 = arith.constant 8 : i32
    %mul3A_2 = arith.muli %add3A, %mul3A_1 : i32
    "tpu.region"() ({
      %run_scoped3A = tpu.sem_alloc : memref<!tpu.dma_semaphore, #tpu.memory_space<semaphore_mem>>
      %dma_start3A_435 = arith.constant 0 : i32
      %dma_start3A_436 = tpu.memref_slice %arg3[%mul3A_2, %dma_start3A_435] : memref<256x32xi32, #tpu.memory_space<hbm>> -> memref<8x32xi32, #tpu.memory_space<hbm>>
      %dma_start3A_437 = arith.constant 0 : i32
      %dma_start3A_438 = tpu.memref_slice %arg3[%mul3A_2, %dma_start3A_437] : memref<256x32xi32, #tpu.memory_space<hbm>> -> memref<8x32xi32, #tpu.memory_space<hbm>>
      tpu.enqueue_dma source(%dma_start3A_438 : memref<8x32xi32, #tpu.memory_space<hbm>>) target(%arg5 : memref<8x32xi32, #tpu.memory_space<vmem>>) target_semaphore(%run_scoped3A : memref<!tpu.dma_semaphore, #tpu.memory_space<semaphore_mem>>)
      %dma_wait3A_439 = arith.constant 0 : i32
      %dma_wait3A_440 = tpu.memref_slice %arg3[%mul3A_2, %dma_wait3A_439] : memref<256x32xi32, #tpu.memory_space<hbm>> -> memref<8x32xi32, #tpu.memory_space<hbm>>
      %dma_wait3A_441 = arith.constant 0 : i32
      %dma_wait3A_442 = tpu.memref_slice %arg3[%mul3A_2, %dma_wait3A_441] : memref<256x32xi32, #tpu.memory_space<hbm>> -> memref<8x32xi32, #tpu.memory_space<hbm>>
      tpu.wait_dma2 semaphore(%run_scoped3A : memref<!tpu.dma_semaphore, #tpu.memory_space<semaphore_mem>>) src(%dma_wait3A_442 : memref<8x32xi32, #tpu.memory_space<hbm>>) dst(%arg5 : memref<8x32xi32, #tpu.memory_space<vmem>>)
      tpu.yield
    }) : () -> ()
    %mul3A_3 = arith.constant 256 : i32
    %mul3A_4 = arith.muli %add3A, %mul3A_3 : i32
    %dma_start3A = arith.constant 0 : i32
    %dma_start3A_5 = arith.constant 0 : i32
    %dma_start3A_6 = arith.constant 0 : i32
    %dma_start3A_7 = arith.constant 0 : i32
    %dma_start3A_8 = tpu.memref_slice %arg6[%dma_start3A_5, %dma_start3A_6, %dma_start3A_7] : memref<3x32x1024xf32, #tpu.memory_space<vmem>> -> memref<1x32x1024xf32, #tpu.memory_space<vmem>>
    %dma_start3A_9 = tpu.memref_squeeze %dma_start3A_8 : memref<1x32x1024xf32, #tpu.memory_space<vmem>> -> memref<32x1024xf32, #tpu.memory_space<vmem>>
    %dma_start3A_10 = arith.constant 0 : i32
    %dma_start3A_11 = tpu.memref_slice %arg5[%dma_start3A, %dma_start3A_10] : memref<8x32xi32, #tpu.memory_space<vmem>> -> memref<1x32xi32, #tpu.memory_space<vmem>>
    %dma_start3A_12 = tpu.memref_squeeze %dma_start3A_11 : memref<1x32xi32, #tpu.memory_space<vmem>> -> memref<32xi32, #tpu.memory_space<vmem>>
    %dma_start3A_13 = arith.constant 0 : i32
    %dma_start3A_14 = arith.constant 0 : i32
    %dma_start3A_15 = tpu.memref_slice %arg2[%dma_start3A_13, %dma_start3A_14] : memref<65792x1024xf32, #tpu.memory_space<hbm>> -> memref<65792x1024xf32, #tpu.memory_space<hbm>>
    tpu.enqueue_indirect_dma source(%dma_start3A_15 : memref<65792x1024xf32, #tpu.memory_space<hbm>>) target(%dma_start3A_9 : memref<32x1024xf32, #tpu.memory_space<vmem>>) offsets(%dma_start3A_12 : memref<32xi32, #tpu.memory_space<vmem>>) semaphore(%arg7 : memref<!tpu.dma_semaphore, #tpu.memory_space<semaphore_mem>>)
    %dma_start3A_16 = arith.constant 1 : i32
    %dma_start3A_17 = arith.constant 1 : i32
    %dma_start3A_18 = arith.constant 0 : i32
    %dma_start3A_19 = arith.constant 0 : i32
    %dma_start3A_20 = tpu.memref_slice %arg6[%dma_start3A_17, %dma_start3A_18, %dma_start3A_19] : memref<3x32x1024xf32, #tpu.memory_space<vmem>> -> memref<1x32x1024xf32, #tpu.memory_space<vmem>>
    %dma_start3A_21 = tpu.memref_squeeze %dma_start3A_20 : memref<1x32x1024xf32, #tpu.memory_space<vmem>> -> memref<32x1024xf32, #tpu.memory_space<vmem>>
    %dma_start3A_22 = arith.constant 0 : i32
    %dma_start3A_23 = tpu.memref_slice %arg5[%dma_start3A_16, %dma_start3A_22] : memref<8x32xi32, #tpu.memory_space<vmem>> -> memref<1x32xi32, #tpu.memory_space<vmem>>
    %dma_start3A_24 = tpu.memref_squeeze %dma_start3A_23 : memref<1x32xi32, #tpu.memory_space<vmem>> -> memref<32xi32, #tpu.memory_space<vmem>>
    %dma_start3A_25 = arith.constant 0 : i32
    %dma_start3A_26 = arith.constant 0 : i32
    %dma_start3A_27 = tpu.memref_slice %arg2[%dma_start3A_25, %dma_start3A_26] : memref<65792x1024xf32, #tpu.memory_space<hbm>> -> memref<65792x1024xf32, #tpu.memory_space<hbm>>
    tpu.enqueue_indirect_dma source(%dma_start3A_27 : memref<65792x1024xf32, #tpu.memory_space<hbm>>) target(%dma_start3A_21 : memref<32x1024xf32, #tpu.memory_space<vmem>>) offsets(%dma_start3A_24 : memref<32xi32, #tpu.memory_space<vmem>>) semaphore(%arg7 : memref<!tpu.dma_semaphore, #tpu.memory_space<semaphore_mem>>)
    %dma_wait3A = arith.constant 0 : i32
    %dma_wait3A_28 = arith.constant 0 : i32
    %dma_wait3A_29 = arith.constant 0 : i32
    %dma_wait3A_30 = arith.constant 0 : i32
    %dma_wait3A_31 = tpu.memref_slice %arg6[%dma_wait3A_28, %dma_wait3A_29, %dma_wait3A_30] : memref<3x32x1024xf32, #tpu.memory_space<vmem>> -> memref<1x32x1024xf32, #tpu.memory_space<vmem>>
    %dma_wait3A_32 = tpu.memref_squeeze %dma_wait3A_31 : memref<1x32x1024xf32, #tpu.memory_space<vmem>> -> memref<32x1024xf32, #tpu.memory_space<vmem>>
    %dma_wait3A_33 = arith.constant 0 : i32
    %dma_wait3A_34 = tpu.memref_slice %arg5[%dma_wait3A, %dma_wait3A_33] : memref<8x32xi32, #tpu.memory_space<vmem>> -> memref<1x32xi32, #tpu.memory_space<vmem>>
    %dma_wait3A_35 = tpu.memref_squeeze %dma_wait3A_34 : memref<1x32xi32, #tpu.memory_space<vmem>> -> memref<32xi32, #tpu.memory_space<vmem>>
    %dma_wait3A_36 = arith.constant 0 : i32
    %dma_wait3A_37 = arith.constant 0 : i32
    %dma_wait3A_38 = tpu.memref_slice %arg2[%dma_wait3A_36, %dma_wait3A_37] : memref<65792x1024xf32, #tpu.memory_space<hbm>> -> memref<65792x1024xf32, #tpu.memory_space<hbm>>
    tpu.wait_indirect_dma semaphore(%arg7 : memref<!tpu.dma_semaphore, #tpu.memory_space<semaphore_mem>>) src(%dma_wait3A_38 : memref<65792x1024xf32, #tpu.memory_space<hbm>>) dst(%dma_wait3A_32 : memref<32x1024xf32, #tpu.memory_space<vmem>>)
    %dma_start3A_39 = arith.constant 2 : i32
    %dma_start3A_40 = arith.constant 2 : i32
    %dma_start3A_41 = arith.constant 0 : i32
    %dma_start3A_42 = arith.constant 0 : i32
    %dma_start3A_43 = tpu.memref_slice %arg6[%dma_start3A_40, %dma_start3A_41, %dma_start3A_42] : memref<3x32x1024xf32, #tpu.memory_space<vmem>> -> memref<1x32x1024xf32, #tpu.memory_space<vmem>>
    %dma_start3A_44 = tpu.memref_squeeze %dma_start3A_43 : memref<1x32x1024xf32, #tpu.memory_space<vmem>> -> memref<32x1024xf32, #tpu.memory_space<vmem>>
    %dma_start3A_45 = arith.constant 0 : i32
    %dma_start3A_46 = tpu.memref_slice %arg5[%dma_start3A_39, %dma_start3A_45] : memref<8x32xi32, #tpu.memory_space<vmem>> -> memref<1x32xi32, #tpu.memory_space<vmem>>
    %dma_start3A_47 = tpu.memref_squeeze %dma_start3A_46 : memref<1x32xi32, #tpu.memory_space<vmem>> -> memref<32xi32, #tpu.memory_space<vmem>>
    %dma_start3A_48 = arith.constant 0 : i32
    %dma_start3A_49 = arith.constant 0 : i32
    %dma_start3A_50 = tpu.memref_slice %arg2[%dma_start3A_48, %dma_start3A_49] : memref<65792x1024xf32, #tpu.memory_space<hbm>> -> memref<65792x1024xf32, #tpu.memory_space<hbm>>
    tpu.enqueue_indirect_dma source(%dma_start3A_50 : memref<65792x1024xf32, #tpu.memory_space<hbm>>) target(%dma_start3A_44 : memref<32x1024xf32, #tpu.memory_space<vmem>>) offsets(%dma_start3A_47 : memref<32xi32, #tpu.memory_space<vmem>>) semaphore(%arg7 : memref<!tpu.dma_semaphore, #tpu.memory_space<semaphore_mem>>)
    %add3A_51 = arith.constant 0 : i32
    %add3A_52 = arith.addi %mul3A_4, %add3A_51 : i32
    %dma_start3A_53 = arith.constant 0 : i32
    %dma_start3A_54 = arith.constant 0 : i32
    %dma_start3A_55 = arith.constant 0 : i32
    %dma_start3A_56 = tpu.memref_slice %arg6[%dma_start3A_53, %dma_start3A_54, %dma_start3A_55] : memref<3x32x1024xf32, #tpu.memory_space<vmem>> -> memref<1x32x1024xf32, #tpu.memory_space<vmem>>
    %dma_start3A_57 = tpu.memref_squeeze %dma_start3A_56 : memref<1x32x1024xf32, #tpu.memory_space<vmem>> -> memref<32x1024xf32, #tpu.memory_space<vmem>>
    %dma_start3A_58 = arith.constant 0 : i32
    %dma_start3A_59 = tpu.memref_slice %arg4[%add3A_52, %dma_start3A_58] : memref<8192x1024xf32, #tpu.memory_space<hbm>> -> memref<32x1024xf32, #tpu.memory_space<hbm>>
    %dma_start3A_60 = arith.constant 0 : i32
    %dma_start3A_61 = tpu.memref_slice %arg4[%add3A_52, %dma_start3A_60] : memref<8192x1024xf32, #tpu.memory_space<hbm>> -> memref<32x1024xf32, #tpu.memory_space<hbm>>
    %dma_start3A_62 = arith.constant 0 : i32
    %dma_start3A_63 = arith.constant 0 : i32
    %dma_start3A_64 = tpu.memref_slice %arg6[%dma_start3A_53, %dma_start3A_62, %dma_start3A_63] : memref<3x32x1024xf32, #tpu.memory_space<vmem>> -> memref<1x32x1024xf32, #tpu.memory_space<vmem>>
    %dma_start3A_65 = tpu.memref_squeeze %dma_start3A_64 : memref<1x32x1024xf32, #tpu.memory_space<vmem>> -> memref<32x1024xf32, #tpu.memory_space<vmem>>
    tpu.enqueue_dma source(%dma_start3A_65 : memref<32x1024xf32, #tpu.memory_space<vmem>>) target(%dma_start3A_61 : memref<32x1024xf32, #tpu.memory_space<hbm>>) target_semaphore(%arg8 : memref<!tpu.dma_semaphore, #tpu.memory_space<semaphore_mem>>)
    %dma_wait3A_66 = arith.constant 1 : i32
    %dma_wait3A_67 = arith.constant 1 : i32
    %dma_wait3A_68 = arith.constant 0 : i32
    %dma_wait3A_69 = arith.constant 0 : i32
    %dma_wait3A_70 = tpu.memref_slice %arg6[%dma_wait3A_67, %dma_wait3A_68, %dma_wait3A_69] : memref<3x32x1024xf32, #tpu.memory_space<vmem>> -> memref<1x32x1024xf32, #tpu.memory_space<vmem>>
    %dma_wait3A_71 = tpu.memref_squeeze %dma_wait3A_70 : memref<1x32x1024xf32, #tpu.memory_space<vmem>> -> memref<32x1024xf32, #tpu.memory_space<vmem>>
    %dma_wait3A_72 = arith.constant 0 : i32
    %dma_wait3A_73 = tpu.memref_slice %arg5[%dma_wait3A_66, %dma_wait3A_72] : memref<8x32xi32, #tpu.memory_space<vmem>> -> memref<1x32xi32, #tpu.memory_space<vmem>>
    %dma_wait3A_74 = tpu.memref_squeeze %dma_wait3A_73 : memref<1x32xi32, #tpu.memory_space<vmem>> -> memref<32xi32, #tpu.memory_space<vmem>>
    %dma_wait3A_75 = arith.constant 0 : i32
    %dma_wait3A_76 = arith.constant 0 : i32
    %dma_wait3A_77 = tpu.memref_slice %arg2[%dma_wait3A_75, %dma_wait3A_76] : memref<65792x1024xf32, #tpu.memory_space<hbm>> -> memref<65792x1024xf32, #tpu.memory_space<hbm>>
    tpu.wait_indirect_dma semaphore(%arg7 : memref<!tpu.dma_semaphore, #tpu.memory_space<semaphore_mem>>) src(%dma_wait3A_77 : memref<65792x1024xf32, #tpu.memory_space<hbm>>) dst(%dma_wait3A_71 : memref<32x1024xf32, #tpu.memory_space<vmem>>)
    %add3A_78 = arith.constant 0 : i32
    %add3A_79 = arith.addi %mul3A_4, %add3A_78 : i32
    %dma_wait3A_80 = arith.constant 0 : i32
    %dma_wait3A_81 = arith.constant 0 : i32
    %dma_wait3A_82 = arith.constant 0 : i32
    %dma_wait3A_83 = tpu.memref_slice %arg6[%dma_wait3A_80, %dma_wait3A_81, %dma_wait3A_82] : memref<3x32x1024xf32, #tpu.memory_space<vmem>> -> memref<1x32x1024xf32, #tpu.memory_space<vmem>>
    %dma_wait3A_84 = tpu.memref_squeeze %dma_wait3A_83 : memref<1x32x1024xf32, #tpu.memory_space<vmem>> -> memref<32x1024xf32, #tpu.memory_space<vmem>>
    %dma_wait3A_85 = arith.constant 0 : i32
    %dma_wait3A_86 = tpu.memref_slice %arg4[%add3A_79, %dma_wait3A_85] : memref<8192x1024xf32, #tpu.memory_space<hbm>> -> memref<32x1024xf32, #tpu.memory_space<hbm>>
    %dma_wait3A_87 = arith.constant 0 : i32
    %dma_wait3A_88 = tpu.memref_slice %arg4[%add3A_79, %dma_wait3A_87] : memref<8192x1024xf32, #tpu.memory_space<hbm>> -> memref<32x1024xf32, #tpu.memory_space<hbm>>
    %dma_wait3A_89 = arith.constant 0 : i32
    %dma_wait3A_90 = arith.constant 0 : i32
    %dma_wait3A_91 = tpu.memref_slice %arg6[%dma_wait3A_80, %dma_wait3A_89, %dma_wait3A_90] : memref<3x32x1024xf32, #tpu.memory_space<vmem>> -> memref<1x32x1024xf32, #tpu.memory_space<vmem>>
    %dma_wait3A_92 = tpu.memref_squeeze %dma_wait3A_91 : memref<1x32x1024xf32, #tpu.memory_space<vmem>> -> memref<32x1024xf32, #tpu.memory_space<vmem>>
    tpu.wait_dma2 semaphore(%arg8 : memref<!tpu.dma_semaphore, #tpu.memory_space<semaphore_mem>>) src(%dma_wait3A_92 : memref<32x1024xf32, #tpu.memory_space<vmem>>) dst(%dma_wait3A_88 : memref<32x1024xf32, #tpu.memory_space<hbm>>)
    %dma_start3A_93 = arith.constant 3 : i32
    %dma_start3A_94 = arith.constant 0 : i32
    %dma_start3A_95 = arith.constant 0 : i32
    %dma_start3A_96 = arith.constant 0 : i32
    %dma_start3A_97 = tpu.memref_slice %arg6[%dma_start3A_94, %dma_start3A_95, %dma_start3A_96] : memref<3x32x1024xf32, #tpu.memory_space<vmem>> -> memref<1x32x1024xf32, #tpu.memory_space<vmem>>
    %dma_start3A_98 = tpu.memref_squeeze %dma_start3A_97 : memref<1x32x1024xf32, #tpu.memory_space<vmem>> -> memref<32x1024xf32, #tpu.memory_space<vmem>>
    %dma_start3A_99 = arith.constant 0 : i32
    %dma_start3A_100 = tpu.memref_slice %arg5[%dma_start3A_93, %dma_start3A_99] : memref<8x32xi32, #tpu.memory_space<vmem>> -> memref<1x32xi32, #tpu.memory_space<vmem>>
    %dma_start3A_101 = tpu.memref_squeeze %dma_start3A_100 : memref<1x32xi32, #tpu.memory_space<vmem>> -> memref<32xi32, #tpu.memory_space<vmem>>
    %dma_start3A_102 = arith.constant 0 : i32
    %dma_start3A_103 = arith.constant 0 : i32
    %dma_start3A_104 = tpu.memref_slice %arg2[%dma_start3A_102, %dma_start3A_103] : memref<65792x1024xf32, #tpu.memory_space<hbm>> -> memref<65792x1024xf32, #tpu.memory_space<hbm>>
    tpu.enqueue_indirect_dma source(%dma_start3A_104 : memref<65792x1024xf32, #tpu.memory_space<hbm>>) target(%dma_start3A_98 : memref<32x1024xf32, #tpu.memory_space<vmem>>) offsets(%dma_start3A_101 : memref<32xi32, #tpu.memory_space<vmem>>) semaphore(%arg7 : memref<!tpu.dma_semaphore, #tpu.memory_space<semaphore_mem>>)
    %add3A_105 = arith.constant 32 : i32
    %add3A_106 = arith.addi %mul3A_4, %add3A_105 : i32
    %dma_start3A_107 = arith.constant 1 : i32
    %dma_start3A_108 = arith.constant 0 : i32
    %dma_start3A_109 = arith.constant 0 : i32
    %dma_start3A_110 = tpu.memref_slice %arg6[%dma_start3A_107, %dma_start3A_108, %dma_start3A_109] : memref<3x32x1024xf32, #tpu.memory_space<vmem>> -> memref<1x32x1024xf32, #tpu.memory_space<vmem>>
    %dma_start3A_111 = tpu.memref_squeeze %dma_start3A_110 : memref<1x32x1024xf32, #tpu.memory_space<vmem>> -> memref<32x1024xf32, #tpu.memory_space<vmem>>
    %dma_start3A_112 = arith.constant 0 : i32
    %dma_start3A_113 = tpu.memref_slice %arg4[%add3A_106, %dma_start3A_112] : memref<8192x1024xf32, #tpu.memory_space<hbm>> -> memref<32x1024xf32, #tpu.memory_space<hbm>>
    %dma_start3A_114 = arith.constant 0 : i32
    %dma_start3A_115 = tpu.memref_slice %arg4[%add3A_106, %dma_start3A_114] : memref<8192x1024xf32, #tpu.memory_space<hbm>> -> memref<32x1024xf32, #tpu.memory_space<hbm>>
    %dma_start3A_116 = arith.constant 0 : i32
    %dma_start3A_117 = arith.constant 0 : i32
    %dma_start3A_118 = tpu.memref_slice %arg6[%dma_start3A_107, %dma_start3A_116, %dma_start3A_117] : memref<3x32x1024xf32, #tpu.memory_space<vmem>> -> memref<1x32x1024xf32, #tpu.memory_space<vmem>>
    %dma_start3A_119 = tpu.memref_squeeze %dma_start3A_118 : memref<1x32x1024xf32, #tpu.memory_space<vmem>> -> memref<32x1024xf32, #tpu.memory_space<vmem>>
    tpu.enqueue_dma source(%dma_start3A_119 : memref<32x1024xf32, #tpu.memory_space<vmem>>) target(%dma_start3A_115 : memref<32x1024xf32, #tpu.memory_space<hbm>>) target_semaphore(%arg8 : memref<!tpu.dma_semaphore, #tpu.memory_space<semaphore_mem>>)
    %dma_wait3A_120 = arith.constant 2 : i32
    %dma_wait3A_121 = arith.constant 2 : i32
    %dma_wait3A_122 = arith.constant 0 : i32
    %dma_wait3A_123 = arith.constant 0 : i32
    %dma_wait3A_124 = tpu.memref_slice %arg6[%dma_wait3A_121, %dma_wait3A_122, %dma_wait3A_123] : memref<3x32x1024xf32, #tpu.memory_space<vmem>> -> memref<1x32x1024xf32, #tpu.memory_space<vmem>>
    %dma_wait3A_125 = tpu.memref_squeeze %dma_wait3A_124 : memref<1x32x1024xf32, #tpu.memory_space<vmem>> -> memref<32x1024xf32, #tpu.memory_space<vmem>>
    %dma_wait3A_126 = arith.constant 0 : i32
    %dma_wait3A_127 = tpu.memref_slice %arg5[%dma_wait3A_120, %dma_wait3A_126] : memref<8x32xi32, #tpu.memory_space<vmem>> -> memref<1x32xi32, #tpu.memory_space<vmem>>
    %dma_wait3A_128 = tpu.memref_squeeze %dma_wait3A_127 : memref<1x32xi32, #tpu.memory_space<vmem>> -> memref<32xi32, #tpu.memory_space<vmem>>
    %dma_wait3A_129 = arith.constant 0 : i32
    %dma_wait3A_130 = arith.constant 0 : i32
    %dma_wait3A_131 = tpu.memref_slice %arg2[%dma_wait3A_129, %dma_wait3A_130] : memref<65792x1024xf32, #tpu.memory_space<hbm>> -> memref<65792x1024xf32, #tpu.memory_space<hbm>>
    tpu.wait_indirect_dma semaphore(%arg7 : memref<!tpu.dma_semaphore, #tpu.memory_space<semaphore_mem>>) src(%dma_wait3A_131 : memref<65792x1024xf32, #tpu.memory_space<hbm>>) dst(%dma_wait3A_125 : memref<32x1024xf32, #tpu.memory_space<vmem>>)
    %add3A_132 = arith.constant 32 : i32
    %add3A_133 = arith.addi %mul3A_4, %add3A_132 : i32
    %dma_wait3A_134 = arith.constant 1 : i32
    %dma_wait3A_135 = arith.constant 0 : i32
    %dma_wait3A_136 = arith.constant 0 : i32
    %dma_wait3A_137 = tpu.memref_slice %arg6[%dma_wait3A_134, %dma_wait3A_135, %dma_wait3A_136] : memref<3x32x1024xf32, #tpu.memory_space<vmem>> -> memref<1x32x1024xf32, #tpu.memory_space<vmem>>
    %dma_wait3A_138 = tpu.memref_squeeze %dma_wait3A_137 : memref<1x32x1024xf32, #tpu.memory_space<vmem>> -> memref<32x1024xf32, #tpu.memory_space<vmem>>
    %dma_wait3A_139 = arith.constant 0 : i32
    %dma_wait3A_140 = tpu.memref_slice %arg4[%add3A_133, %dma_wait3A_139] : memref<8192x1024xf32, #tpu.memory_space<hbm>> -> memref<32x1024xf32, #tpu.memory_space<hbm>>
    %dma_wait3A_141 = arith.constant 0 : i32
    %dma_wait3A_142 = tpu.memref_slice %arg4[%add3A_133, %dma_wait3A_141] : memref<8192x1024xf32, #tpu.memory_space<hbm>> -> memref<32x1024xf32, #tpu.memory_space<hbm>>
    %dma_wait3A_143 = arith.constant 0 : i32
    %dma_wait3A_144 = arith.constant 0 : i32
    %dma_wait3A_145 = tpu.memref_slice %arg6[%dma_wait3A_134, %dma_wait3A_143, %dma_wait3A_144] : memref<3x32x1024xf32, #tpu.memory_space<vmem>> -> memref<1x32x1024xf32, #tpu.memory_space<vmem>>
    %dma_wait3A_146 = tpu.memref_squeeze %dma_wait3A_145 : memref<1x32x1024xf32, #tpu.memory_space<vmem>> -> memref<32x1024xf32, #tpu.memory_space<vmem>>
    tpu.wait_dma2 semaphore(%arg8 : memref<!tpu.dma_semaphore, #tpu.memory_space<semaphore_mem>>) src(%dma_wait3A_146 : memref<32x1024xf32, #tpu.memory_space<vmem>>) dst(%dma_wait3A_142 : memref<32x1024xf32, #tpu.memory_space<hbm>>)
    %dma_start3A_147 = arith.constant 4 : i32
    %dma_start3A_148 = arith.constant 1 : i32
    %dma_start3A_149 = arith.constant 0 : i32
    %dma_start3A_150 = arith.constant 0 : i32
    %dma_start3A_151 = tpu.memref_slice %arg6[%dma_start3A_148, %dma_start3A_149, %dma_start3A_150] : memref<3x32x1024xf32, #tpu.memory_space<vmem>> -> memref<1x32x1024xf32, #tpu.memory_space<vmem>>
    %dma_start3A_152 = tpu.memref_squeeze %dma_start3A_151 : memref<1x32x1024xf32, #tpu.memory_space<vmem>> -> memref<32x1024xf32, #tpu.memory_space<vmem>>
    %dma_start3A_153 = arith.constant 0 : i32
    %dma_start3A_154 = tpu.memref_slice %arg5[%dma_start3A_147, %dma_start3A_153] : memref<8x32xi32, #tpu.memory_space<vmem>> -> memref<1x32xi32, #tpu.memory_space<vmem>>
    %dma_start3A_155 = tpu.memref_squeeze %dma_start3A_154 : memref<1x32xi32, #tpu.memory_space<vmem>> -> memref<32xi32, #tpu.memory_space<vmem>>
    %dma_start3A_156 = arith.constant 0 : i32
    %dma_start3A_157 = arith.constant 0 : i32
    %dma_start3A_158 = tpu.memref_slice %arg2[%dma_start3A_156, %dma_start3A_157] : memref<65792x1024xf32, #tpu.memory_space<hbm>> -> memref<65792x1024xf32, #tpu.memory_space<hbm>>
    tpu.enqueue_indirect_dma source(%dma_start3A_158 : memref<65792x1024xf32, #tpu.memory_space<hbm>>) target(%dma_start3A_152 : memref<32x1024xf32, #tpu.memory_space<vmem>>) offsets(%dma_start3A_155 : memref<32xi32, #tpu.memory_space<vmem>>) semaphore(%arg7 : memref<!tpu.dma_semaphore, #tpu.memory_space<semaphore_mem>>)
    %add3A_159 = arith.constant 64 : i32
    %add3A_160 = arith.addi %mul3A_4, %add3A_159 : i32
    %dma_start3A_161 = arith.constant 2 : i32
    %dma_start3A_162 = arith.constant 0 : i32
    %dma_start3A_163 = arith.constant 0 : i32
    %dma_start3A_164 = tpu.memref_slice %arg6[%dma_start3A_161, %dma_start3A_162, %dma_start3A_163] : memref<3x32x1024xf32, #tpu.memory_space<vmem>> -> memref<1x32x1024xf32, #tpu.memory_space<vmem>>
    %dma_start3A_165 = tpu.memref_squeeze %dma_start3A_164 : memref<1x32x1024xf32, #tpu.memory_space<vmem>> -> memref<32x1024xf32, #tpu.memory_space<vmem>>
    %dma_start3A_166 = arith.constant 0 : i32
    %dma_start3A_167 = tpu.memref_slice %arg4[%add3A_160, %dma_start3A_166] : memref<8192x1024xf32, #tpu.memory_space<hbm>> -> memref<32x1024xf32, #tpu.memory_space<hbm>>
    %dma_start3A_168 = arith.constant 0 : i32
    %dma_start3A_169 = tpu.memref_slice %arg4[%add3A_160, %dma_start3A_168] : memref<8192x1024xf32, #tpu.memory_space<hbm>> -> memref<32x1024xf32, #tpu.memory_space<hbm>>
    %dma_start3A_170 = arith.constant 0 : i32
    %dma_start3A_171 = arith.constant 0 : i32
    %dma_start3A_172 = tpu.memref_slice %arg6[%dma_start3A_161, %dma_start3A_170, %dma_start3A_171] : memref<3x32x1024xf32, #tpu.memory_space<vmem>> -> memref<1x32x1024xf32, #tpu.memory_space<vmem>>
    %dma_start3A_173 = tpu.memref_squeeze %dma_start3A_172 : memref<1x32x1024xf32, #tpu.memory_space<vmem>> -> memref<32x1024xf32, #tpu.memory_space<vmem>>
    tpu.enqueue_dma source(%dma_start3A_173 : memref<32x1024xf32, #tpu.memory_space<vmem>>) target(%dma_start3A_169 : memref<32x1024xf32, #tpu.memory_space<hbm>>) target_semaphore(%arg8 : memref<!tpu.dma_semaphore, #tpu.memory_space<semaphore_mem>>)
    %dma_wait3A_174 = arith.constant 3 : i32
    %dma_wait3A_175 = arith.constant 0 : i32
    %dma_wait3A_176 = arith.constant 0 : i32
    %dma_wait3A_177 = arith.constant 0 : i32
    %dma_wait3A_178 = tpu.memref_slice %arg6[%dma_wait3A_175, %dma_wait3A_176, %dma_wait3A_177] : memref<3x32x1024xf32, #tpu.memory_space<vmem>> -> memref<1x32x1024xf32, #tpu.memory_space<vmem>>
    %dma_wait3A_179 = tpu.memref_squeeze %dma_wait3A_178 : memref<1x32x1024xf32, #tpu.memory_space<vmem>> -> memref<32x1024xf32, #tpu.memory_space<vmem>>
    %dma_wait3A_180 = arith.constant 0 : i32
    %dma_wait3A_181 = tpu.memref_slice %arg5[%dma_wait3A_174, %dma_wait3A_180] : memref<8x32xi32, #tpu.memory_space<vmem>> -> memref<1x32xi32, #tpu.memory_space<vmem>>
    %dma_wait3A_182 = tpu.memref_squeeze %dma_wait3A_181 : memref<1x32xi32, #tpu.memory_space<vmem>> -> memref<32xi32, #tpu.memory_space<vmem>>
    %dma_wait3A_183 = arith.constant 0 : i32
    %dma_wait3A_184 = arith.constant 0 : i32
    %dma_wait3A_185 = tpu.memref_slice %arg2[%dma_wait3A_183, %dma_wait3A_184] : memref<65792x1024xf32, #tpu.memory_space<hbm>> -> memref<65792x1024xf32, #tpu.memory_space<hbm>>
    tpu.wait_indirect_dma semaphore(%arg7 : memref<!tpu.dma_semaphore, #tpu.memory_space<semaphore_mem>>) src(%dma_wait3A_185 : memref<65792x1024xf32, #tpu.memory_space<hbm>>) dst(%dma_wait3A_179 : memref<32x1024xf32, #tpu.memory_space<vmem>>)
    %add3A_186 = arith.constant 64 : i32
    %add3A_187 = arith.addi %mul3A_4, %add3A_186 : i32
    %dma_wait3A_188 = arith.constant 2 : i32
    %dma_wait3A_189 = arith.constant 0 : i32
    %dma_wait3A_190 = arith.constant 0 : i32
    %dma_wait3A_191 = tpu.memref_slice %arg6[%dma_wait3A_188, %dma_wait3A_189, %dma_wait3A_190] : memref<3x32x1024xf32, #tpu.memory_space<vmem>> -> memref<1x32x1024xf32, #tpu.memory_space<vmem>>
    %dma_wait3A_192 = tpu.memref_squeeze %dma_wait3A_191 : memref<1x32x1024xf32, #tpu.memory_space<vmem>> -> memref<32x1024xf32, #tpu.memory_space<vmem>>
    %dma_wait3A_193 = arith.constant 0 : i32
    %dma_wait3A_194 = tpu.memref_slice %arg4[%add3A_187, %dma_wait3A_193] : memref<8192x1024xf32, #tpu.memory_space<hbm>> -> memref<32x1024xf32, #tpu.memory_space<hbm>>
    %dma_wait3A_195 = arith.constant 0 : i32
    %dma_wait3A_196 = tpu.memref_slice %arg4[%add3A_187, %dma_wait3A_195] : memref<8192x1024xf32, #tpu.memory_space<hbm>> -> memref<32x1024xf32, #tpu.memory_space<hbm>>
    %dma_wait3A_197 = arith.constant 0 : i32
    %dma_wait3A_198 = arith.constant 0 : i32
    %dma_wait3A_199 = tpu.memref_slice %arg6[%dma_wait3A_188, %dma_wait3A_197, %dma_wait3A_198] : memref<3x32x1024xf32, #tpu.memory_space<vmem>> -> memref<1x32x1024xf32, #tpu.memory_space<vmem>>
    %dma_wait3A_200 = tpu.memref_squeeze %dma_wait3A_199 : memref<1x32x1024xf32, #tpu.memory_space<vmem>> -> memref<32x1024xf32, #tpu.memory_space<vmem>>
    tpu.wait_dma2 semaphore(%arg8 : memref<!tpu.dma_semaphore, #tpu.memory_space<semaphore_mem>>) src(%dma_wait3A_200 : memref<32x1024xf32, #tpu.memory_space<vmem>>) dst(%dma_wait3A_196 : memref<32x1024xf32, #tpu.memory_space<hbm>>)
    %dma_start3A_201 = arith.constant 5 : i32
    %dma_start3A_202 = arith.constant 2 : i32
    %dma_start3A_203 = arith.constant 0 : i32
    %dma_start3A_204 = arith.constant 0 : i32
    %dma_start3A_205 = tpu.memref_slice %arg6[%dma_start3A_202, %dma_start3A_203, %dma_start3A_204] : memref<3x32x1024xf32, #tpu.memory_space<vmem>> -> memref<1x32x1024xf32, #tpu.memory_space<vmem>>
    %dma_start3A_206 = tpu.memref_squeeze %dma_start3A_205 : memref<1x32x1024xf32, #tpu.memory_space<vmem>> -> memref<32x1024xf32, #tpu.memory_space<vmem>>
    %dma_start3A_207 = arith.constant 0 : i32
    %dma_start3A_208 = tpu.memref_slice %arg5[%dma_start3A_201, %dma_start3A_207] : memref<8x32xi32, #tpu.memory_space<vmem>> -> memref<1x32xi32, #tpu.memory_space<vmem>>
    %dma_start3A_209 = tpu.memref_squeeze %dma_start3A_208 : memref<1x32xi32, #tpu.memory_space<vmem>> -> memref<32xi32, #tpu.memory_space<vmem>>
    %dma_start3A_210 = arith.constant 0 : i32
    %dma_start3A_211 = arith.constant 0 : i32
    %dma_start3A_212 = tpu.memref_slice %arg2[%dma_start3A_210, %dma_start3A_211] : memref<65792x1024xf32, #tpu.memory_space<hbm>> -> memref<65792x1024xf32, #tpu.memory_space<hbm>>
    tpu.enqueue_indirect_dma source(%dma_start3A_212 : memref<65792x1024xf32, #tpu.memory_space<hbm>>) target(%dma_start3A_206 : memref<32x1024xf32, #tpu.memory_space<vmem>>) offsets(%dma_start3A_209 : memref<32xi32, #tpu.memory_space<vmem>>) semaphore(%arg7 : memref<!tpu.dma_semaphore, #tpu.memory_space<semaphore_mem>>)
    %add3A_213 = arith.constant 96 : i32
    %add3A_214 = arith.addi %mul3A_4, %add3A_213 : i32
    %dma_start3A_215 = arith.constant 0 : i32
    %dma_start3A_216 = arith.constant 0 : i32
    %dma_start3A_217 = arith.constant 0 : i32
    %dma_start3A_218 = tpu.memref_slice %arg6[%dma_start3A_215, %dma_start3A_216, %dma_start3A_217] : memref<3x32x1024xf32, #tpu.memory_space<vmem>> -> memref<1x32x1024xf32, #tpu.memory_space<vmem>>
    %dma_start3A_219 = tpu.memref_squeeze %dma_start3A_218 : memref<1x32x1024xf32, #tpu.memory_space<vmem>> -> memref<32x1024xf32, #tpu.memory_space<vmem>>
    %dma_start3A_220 = arith.constant 0 : i32
    %dma_start3A_221 = tpu.memref_slice %arg4[%add3A_214, %dma_start3A_220] : memref<8192x1024xf32, #tpu.memory_space<hbm>> -> memref<32x1024xf32, #tpu.memory_space<hbm>>
    %dma_start3A_222 = arith.constant 0 : i32
    %dma_start3A_223 = tpu.memref_slice %arg4[%add3A_214, %dma_start3A_222] : memref<8192x1024xf32, #tpu.memory_space<hbm>> -> memref<32x1024xf32, #tpu.memory_space<hbm>>
    %dma_start3A_224 = arith.constant 0 : i32
    %dma_start3A_225 = arith.constant 0 : i32
    %dma_start3A_226 = tpu.memref_slice %arg6[%dma_start3A_215, %dma_start3A_224, %dma_start3A_225] : memref<3x32x1024xf32, #tpu.memory_space<vmem>> -> memref<1x32x1024xf32, #tpu.memory_space<vmem>>
    %dma_start3A_227 = tpu.memref_squeeze %dma_start3A_226 : memref<1x32x1024xf32, #tpu.memory_space<vmem>> -> memref<32x1024xf32, #tpu.memory_space<vmem>>
    tpu.enqueue_dma source(%dma_start3A_227 : memref<32x1024xf32, #tpu.memory_space<vmem>>) target(%dma_start3A_223 : memref<32x1024xf32, #tpu.memory_space<hbm>>) target_semaphore(%arg8 : memref<!tpu.dma_semaphore, #tpu.memory_space<semaphore_mem>>)
    %dma_wait3A_228 = arith.constant 4 : i32
    %dma_wait3A_229 = arith.constant 1 : i32
    %dma_wait3A_230 = arith.constant 0 : i32
    %dma_wait3A_231 = arith.constant 0 : i32
    %dma_wait3A_232 = tpu.memref_slice %arg6[%dma_wait3A_229, %dma_wait3A_230, %dma_wait3A_231] : memref<3x32x1024xf32, #tpu.memory_space<vmem>> -> memref<1x32x1024xf32, #tpu.memory_space<vmem>>
    %dma_wait3A_233 = tpu.memref_squeeze %dma_wait3A_232 : memref<1x32x1024xf32, #tpu.memory_space<vmem>> -> memref<32x1024xf32, #tpu.memory_space<vmem>>
    %dma_wait3A_234 = arith.constant 0 : i32
    %dma_wait3A_235 = tpu.memref_slice %arg5[%dma_wait3A_228, %dma_wait3A_234] : memref<8x32xi32, #tpu.memory_space<vmem>> -> memref<1x32xi32, #tpu.memory_space<vmem>>
    %dma_wait3A_236 = tpu.memref_squeeze %dma_wait3A_235 : memref<1x32xi32, #tpu.memory_space<vmem>> -> memref<32xi32, #tpu.memory_space<vmem>>
    %dma_wait3A_237 = arith.constant 0 : i32
    %dma_wait3A_238 = arith.constant 0 : i32
    %dma_wait3A_239 = tpu.memref_slice %arg2[%dma_wait3A_237, %dma_wait3A_238] : memref<65792x1024xf32, #tpu.memory_space<hbm>> -> memref<65792x1024xf32, #tpu.memory_space<hbm>>
    tpu.wait_indirect_dma semaphore(%arg7 : memref<!tpu.dma_semaphore, #tpu.memory_space<semaphore_mem>>) src(%dma_wait3A_239 : memref<65792x1024xf32, #tpu.memory_space<hbm>>) dst(%dma_wait3A_233 : memref<32x1024xf32, #tpu.memory_space<vmem>>)
    %add3A_240 = arith.constant 96 : i32
    %add3A_241 = arith.addi %mul3A_4, %add3A_240 : i32
    %dma_wait3A_242 = arith.constant 0 : i32
    %dma_wait3A_243 = arith.constant 0 : i32
    %dma_wait3A_244 = arith.constant 0 : i32
    %dma_wait3A_245 = tpu.memref_slice %arg6[%dma_wait3A_242, %dma_wait3A_243, %dma_wait3A_244] : memref<3x32x1024xf32, #tpu.memory_space<vmem>> -> memref<1x32x1024xf32, #tpu.memory_space<vmem>>
    %dma_wait3A_246 = tpu.memref_squeeze %dma_wait3A_245 : memref<1x32x1024xf32, #tpu.memory_space<vmem>> -> memref<32x1024xf32, #tpu.memory_space<vmem>>
    %dma_wait3A_247 = arith.constant 0 : i32
    %dma_wait3A_248 = tpu.memref_slice %arg4[%add3A_241, %dma_wait3A_247] : memref<8192x1024xf32, #tpu.memory_space<hbm>> -> memref<32x1024xf32, #tpu.memory_space<hbm>>
    %dma_wait3A_249 = arith.constant 0 : i32
    %dma_wait3A_250 = tpu.memref_slice %arg4[%add3A_241, %dma_wait3A_249] : memref<8192x1024xf32, #tpu.memory_space<hbm>> -> memref<32x1024xf32, #tpu.memory_space<hbm>>
    %dma_wait3A_251 = arith.constant 0 : i32
    %dma_wait3A_252 = arith.constant 0 : i32
    %dma_wait3A_253 = tpu.memref_slice %arg6[%dma_wait3A_242, %dma_wait3A_251, %dma_wait3A_252] : memref<3x32x1024xf32, #tpu.memory_space<vmem>> -> memref<1x32x1024xf32, #tpu.memory_space<vmem>>
    %dma_wait3A_254 = tpu.memref_squeeze %dma_wait3A_253 : memref<1x32x1024xf32, #tpu.memory_space<vmem>> -> memref<32x1024xf32, #tpu.memory_space<vmem>>
    tpu.wait_dma2 semaphore(%arg8 : memref<!tpu.dma_semaphore, #tpu.memory_space<semaphore_mem>>) src(%dma_wait3A_254 : memref<32x1024xf32, #tpu.memory_space<vmem>>) dst(%dma_wait3A_250 : memref<32x1024xf32, #tpu.memory_space<hbm>>)
    %dma_start3A_255 = arith.constant 6 : i32
    %dma_start3A_256 = arith.constant 0 : i32
    %dma_start3A_257 = arith.constant 0 : i32
    %dma_start3A_258 = arith.constant 0 : i32
    %dma_start3A_259 = tpu.memref_slice %arg6[%dma_start3A_256, %dma_start3A_257, %dma_start3A_258] : memref<3x32x1024xf32, #tpu.memory_space<vmem>> -> memref<1x32x1024xf32, #tpu.memory_space<vmem>>
    %dma_start3A_260 = tpu.memref_squeeze %dma_start3A_259 : memref<1x32x1024xf32, #tpu.memory_space<vmem>> -> memref<32x1024xf32, #tpu.memory_space<vmem>>
    %dma_start3A_261 = arith.constant 0 : i32
    %dma_start3A_262 = tpu.memref_slice %arg5[%dma_start3A_255, %dma_start3A_261] : memref<8x32xi32, #tpu.memory_space<vmem>> -> memref<1x32xi32, #tpu.memory_space<vmem>>
    %dma_start3A_263 = tpu.memref_squeeze %dma_start3A_262 : memref<1x32xi32, #tpu.memory_space<vmem>> -> memref<32xi32, #tpu.memory_space<vmem>>
    %dma_start3A_264 = arith.constant 0 : i32
    %dma_start3A_265 = arith.constant 0 : i32
    %dma_start3A_266 = tpu.memref_slice %arg2[%dma_start3A_264, %dma_start3A_265] : memref<65792x1024xf32, #tpu.memory_space<hbm>> -> memref<65792x1024xf32, #tpu.memory_space<hbm>>
    tpu.enqueue_indirect_dma source(%dma_start3A_266 : memref<65792x1024xf32, #tpu.memory_space<hbm>>) target(%dma_start3A_260 : memref<32x1024xf32, #tpu.memory_space<vmem>>) offsets(%dma_start3A_263 : memref<32xi32, #tpu.memory_space<vmem>>) semaphore(%arg7 : memref<!tpu.dma_semaphore, #tpu.memory_space<semaphore_mem>>)
    %add3A_267 = arith.constant 128 : i32
    %add3A_268 = arith.addi %mul3A_4, %add3A_267 : i32
    %dma_start3A_269 = arith.constant 1 : i32
    %dma_start3A_270 = arith.constant 0 : i32
    %dma_start3A_271 = arith.constant 0 : i32
    %dma_start3A_272 = tpu.memref_slice %arg6[%dma_start3A_269, %dma_start3A_270, %dma_start3A_271] : memref<3x32x1024xf32, #tpu.memory_space<vmem>> -> memref<1x32x1024xf32, #tpu.memory_space<vmem>>
    %dma_start3A_273 = tpu.memref_squeeze %dma_start3A_272 : memref<1x32x1024xf32, #tpu.memory_space<vmem>> -> memref<32x1024xf32, #tpu.memory_space<vmem>>
    %dma_start3A_274 = arith.constant 0 : i32
    %dma_start3A_275 = tpu.memref_slice %arg4[%add3A_268, %dma_start3A_274] : memref<8192x1024xf32, #tpu.memory_space<hbm>> -> memref<32x1024xf32, #tpu.memory_space<hbm>>
    %dma_start3A_276 = arith.constant 0 : i32
    %dma_start3A_277 = tpu.memref_slice %arg4[%add3A_268, %dma_start3A_276] : memref<8192x1024xf32, #tpu.memory_space<hbm>> -> memref<32x1024xf32, #tpu.memory_space<hbm>>
    %dma_start3A_278 = arith.constant 0 : i32
    %dma_start3A_279 = arith.constant 0 : i32
    %dma_start3A_280 = tpu.memref_slice %arg6[%dma_start3A_269, %dma_start3A_278, %dma_start3A_279] : memref<3x32x1024xf32, #tpu.memory_space<vmem>> -> memref<1x32x1024xf32, #tpu.memory_space<vmem>>
    %dma_start3A_281 = tpu.memref_squeeze %dma_start3A_280 : memref<1x32x1024xf32, #tpu.memory_space<vmem>> -> memref<32x1024xf32, #tpu.memory_space<vmem>>
    tpu.enqueue_dma source(%dma_start3A_281 : memref<32x1024xf32, #tpu.memory_space<vmem>>) target(%dma_start3A_277 : memref<32x1024xf32, #tpu.memory_space<hbm>>) target_semaphore(%arg8 : memref<!tpu.dma_semaphore, #tpu.memory_space<semaphore_mem>>)
    %dma_wait3A_282 = arith.constant 5 : i32
    %dma_wait3A_283 = arith.constant 2 : i32
    %dma_wait3A_284 = arith.constant 0 : i32
    %dma_wait3A_285 = arith.constant 0 : i32
    %dma_wait3A_286 = tpu.memref_slice %arg6[%dma_wait3A_283, %dma_wait3A_284, %dma_wait3A_285] : memref<3x32x1024xf32, #tpu.memory_space<vmem>> -> memref<1x32x1024xf32, #tpu.memory_space<vmem>>
    %dma_wait3A_287 = tpu.memref_squeeze %dma_wait3A_286 : memref<1x32x1024xf32, #tpu.memory_space<vmem>> -> memref<32x1024xf32, #tpu.memory_space<vmem>>
    %dma_wait3A_288 = arith.constant 0 : i32
    %dma_wait3A_289 = tpu.memref_slice %arg5[%dma_wait3A_282, %dma_wait3A_288] : memref<8x32xi32, #tpu.memory_space<vmem>> -> memref<1x32xi32, #tpu.memory_space<vmem>>
    %dma_wait3A_290 = tpu.memref_squeeze %dma_wait3A_289 : memref<1x32xi32, #tpu.memory_space<vmem>> -> memref<32xi32, #tpu.memory_space<vmem>>
    %dma_wait3A_291 = arith.constant 0 : i32
    %dma_wait3A_292 = arith.constant 0 : i32
    %dma_wait3A_293 = tpu.memref_slice %arg2[%dma_wait3A_291, %dma_wait3A_292] : memref<65792x1024xf32, #tpu.memory_space<hbm>> -> memref<65792x1024xf32, #tpu.memory_space<hbm>>
    tpu.wait_indirect_dma semaphore(%arg7 : memref<!tpu.dma_semaphore, #tpu.memory_space<semaphore_mem>>) src(%dma_wait3A_293 : memref<65792x1024xf32, #tpu.memory_space<hbm>>) dst(%dma_wait3A_287 : memref<32x1024xf32, #tpu.memory_space<vmem>>)
    %add3A_294 = arith.constant 128 : i32
    %add3A_295 = arith.addi %mul3A_4, %add3A_294 : i32
    %dma_wait3A_296 = arith.constant 1 : i32
    %dma_wait3A_297 = arith.constant 0 : i32
    %dma_wait3A_298 = arith.constant 0 : i32
    %dma_wait3A_299 = tpu.memref_slice %arg6[%dma_wait3A_296, %dma_wait3A_297, %dma_wait3A_298] : memref<3x32x1024xf32, #tpu.memory_space<vmem>> -> memref<1x32x1024xf32, #tpu.memory_space<vmem>>
    %dma_wait3A_300 = tpu.memref_squeeze %dma_wait3A_299 : memref<1x32x1024xf32, #tpu.memory_space<vmem>> -> memref<32x1024xf32, #tpu.memory_space<vmem>>
    %dma_wait3A_301 = arith.constant 0 : i32
    %dma_wait3A_302 = tpu.memref_slice %arg4[%add3A_295, %dma_wait3A_301] : memref<8192x1024xf32, #tpu.memory_space<hbm>> -> memref<32x1024xf32, #tpu.memory_space<hbm>>
    %dma_wait3A_303 = arith.constant 0 : i32
    %dma_wait3A_304 = tpu.memref_slice %arg4[%add3A_295, %dma_wait3A_303] : memref<8192x1024xf32, #tpu.memory_space<hbm>> -> memref<32x1024xf32, #tpu.memory_space<hbm>>
    %dma_wait3A_305 = arith.constant 0 : i32
    %dma_wait3A_306 = arith.constant 0 : i32
    %dma_wait3A_307 = tpu.memref_slice %arg6[%dma_wait3A_296, %dma_wait3A_305, %dma_wait3A_306] : memref<3x32x1024xf32, #tpu.memory_space<vmem>> -> memref<1x32x1024xf32, #tpu.memory_space<vmem>>
    %dma_wait3A_308 = tpu.memref_squeeze %dma_wait3A_307 : memref<1x32x1024xf32, #tpu.memory_space<vmem>> -> memref<32x1024xf32, #tpu.memory_space<vmem>>
    tpu.wait_dma2 semaphore(%arg8 : memref<!tpu.dma_semaphore, #tpu.memory_space<semaphore_mem>>) src(%dma_wait3A_308 : memref<32x1024xf32, #tpu.memory_space<vmem>>) dst(%dma_wait3A_304 : memref<32x1024xf32, #tpu.memory_space<hbm>>)
    %dma_start3A_309 = arith.constant 7 : i32
    %dma_start3A_310 = arith.constant 1 : i32
    %dma_start3A_311 = arith.constant 0 : i32
    %dma_start3A_312 = arith.constant 0 : i32
    %dma_start3A_313 = tpu.memref_slice %arg6[%dma_start3A_310, %dma_start3A_311, %dma_start3A_312] : memref<3x32x1024xf32, #tpu.memory_space<vmem>> -> memref<1x32x1024xf32, #tpu.memory_space<vmem>>
    %dma_start3A_314 = tpu.memref_squeeze %dma_start3A_313 : memref<1x32x1024xf32, #tpu.memory_space<vmem>> -> memref<32x1024xf32, #tpu.memory_space<vmem>>
    %dma_start3A_315 = arith.constant 0 : i32
    %dma_start3A_316 = tpu.memref_slice %arg5[%dma_start3A_309, %dma_start3A_315] : memref<8x32xi32, #tpu.memory_space<vmem>> -> memref<1x32xi32, #tpu.memory_space<vmem>>
    %dma_start3A_317 = tpu.memref_squeeze %dma_start3A_316 : memref<1x32xi32, #tpu.memory_space<vmem>> -> memref<32xi32, #tpu.memory_space<vmem>>
    %dma_start3A_318 = arith.constant 0 : i32
    %dma_start3A_319 = arith.constant 0 : i32
    %dma_start3A_320 = tpu.memref_slice %arg2[%dma_start3A_318, %dma_start3A_319] : memref<65792x1024xf32, #tpu.memory_space<hbm>> -> memref<65792x1024xf32, #tpu.memory_space<hbm>>
    tpu.enqueue_indirect_dma source(%dma_start3A_320 : memref<65792x1024xf32, #tpu.memory_space<hbm>>) target(%dma_start3A_314 : memref<32x1024xf32, #tpu.memory_space<vmem>>) offsets(%dma_start3A_317 : memref<32xi32, #tpu.memory_space<vmem>>) semaphore(%arg7 : memref<!tpu.dma_semaphore, #tpu.memory_space<semaphore_mem>>)
    %add3A_321 = arith.constant 160 : i32
    %add3A_322 = arith.addi %mul3A_4, %add3A_321 : i32
    %dma_start3A_323 = arith.constant 2 : i32
    %dma_start3A_324 = arith.constant 0 : i32
    %dma_start3A_325 = arith.constant 0 : i32
    %dma_start3A_326 = tpu.memref_slice %arg6[%dma_start3A_323, %dma_start3A_324, %dma_start3A_325] : memref<3x32x1024xf32, #tpu.memory_space<vmem>> -> memref<1x32x1024xf32, #tpu.memory_space<vmem>>
    %dma_start3A_327 = tpu.memref_squeeze %dma_start3A_326 : memref<1x32x1024xf32, #tpu.memory_space<vmem>> -> memref<32x1024xf32, #tpu.memory_space<vmem>>
    %dma_start3A_328 = arith.constant 0 : i32
    %dma_start3A_329 = tpu.memref_slice %arg4[%add3A_322, %dma_start3A_328] : memref<8192x1024xf32, #tpu.memory_space<hbm>> -> memref<32x1024xf32, #tpu.memory_space<hbm>>
    %dma_start3A_330 = arith.constant 0 : i32
    %dma_start3A_331 = tpu.memref_slice %arg4[%add3A_322, %dma_start3A_330] : memref<8192x1024xf32, #tpu.memory_space<hbm>> -> memref<32x1024xf32, #tpu.memory_space<hbm>>
    %dma_start3A_332 = arith.constant 0 : i32
    %dma_start3A_333 = arith.constant 0 : i32
    %dma_start3A_334 = tpu.memref_slice %arg6[%dma_start3A_323, %dma_start3A_332, %dma_start3A_333] : memref<3x32x1024xf32, #tpu.memory_space<vmem>> -> memref<1x32x1024xf32, #tpu.memory_space<vmem>>
    %dma_start3A_335 = tpu.memref_squeeze %dma_start3A_334 : memref<1x32x1024xf32, #tpu.memory_space<vmem>> -> memref<32x1024xf32, #tpu.memory_space<vmem>>
    tpu.enqueue_dma source(%dma_start3A_335 : memref<32x1024xf32, #tpu.memory_space<vmem>>) target(%dma_start3A_331 : memref<32x1024xf32, #tpu.memory_space<hbm>>) target_semaphore(%arg8 : memref<!tpu.dma_semaphore, #tpu.memory_space<semaphore_mem>>)
    %dma_wait3A_336 = arith.constant 6 : i32
    %dma_wait3A_337 = arith.constant 0 : i32
    %dma_wait3A_338 = arith.constant 0 : i32
    %dma_wait3A_339 = arith.constant 0 : i32
    %dma_wait3A_340 = tpu.memref_slice %arg6[%dma_wait3A_337, %dma_wait3A_338, %dma_wait3A_339] : memref<3x32x1024xf32, #tpu.memory_space<vmem>> -> memref<1x32x1024xf32, #tpu.memory_space<vmem>>
    %dma_wait3A_341 = tpu.memref_squeeze %dma_wait3A_340 : memref<1x32x1024xf32, #tpu.memory_space<vmem>> -> memref<32x1024xf32, #tpu.memory_space<vmem>>
    %dma_wait3A_342 = arith.constant 0 : i32
    %dma_wait3A_343 = tpu.memref_slice %arg5[%dma_wait3A_336, %dma_wait3A_342] : memref<8x32xi32, #tpu.memory_space<vmem>> -> memref<1x32xi32, #tpu.memory_space<vmem>>
    %dma_wait3A_344 = tpu.memref_squeeze %dma_wait3A_343 : memref<1x32xi32, #tpu.memory_space<vmem>> -> memref<32xi32, #tpu.memory_space<vmem>>
    %dma_wait3A_345 = arith.constant 0 : i32
    %dma_wait3A_346 = arith.constant 0 : i32
    %dma_wait3A_347 = tpu.memref_slice %arg2[%dma_wait3A_345, %dma_wait3A_346] : memref<65792x1024xf32, #tpu.memory_space<hbm>> -> memref<65792x1024xf32, #tpu.memory_space<hbm>>
    tpu.wait_indirect_dma semaphore(%arg7 : memref<!tpu.dma_semaphore, #tpu.memory_space<semaphore_mem>>) src(%dma_wait3A_347 : memref<65792x1024xf32, #tpu.memory_space<hbm>>) dst(%dma_wait3A_341 : memref<32x1024xf32, #tpu.memory_space<vmem>>)
    %add3A_348 = arith.constant 192 : i32
    %add3A_349 = arith.addi %mul3A_4, %add3A_348 : i32
    %dma_start3A_350 = arith.constant 0 : i32
    %dma_start3A_351 = arith.constant 0 : i32
    %dma_start3A_352 = arith.constant 0 : i32
    %dma_start3A_353 = tpu.memref_slice %arg6[%dma_start3A_350, %dma_start3A_351, %dma_start3A_352] : memref<3x32x1024xf32, #tpu.memory_space<vmem>> -> memref<1x32x1024xf32, #tpu.memory_space<vmem>>
    %dma_start3A_354 = tpu.memref_squeeze %dma_start3A_353 : memref<1x32x1024xf32, #tpu.memory_space<vmem>> -> memref<32x1024xf32, #tpu.memory_space<vmem>>
    %dma_start3A_355 = arith.constant 0 : i32
    %dma_start3A_356 = tpu.memref_slice %arg4[%add3A_349, %dma_start3A_355] : memref<8192x1024xf32, #tpu.memory_space<hbm>> -> memref<32x1024xf32, #tpu.memory_space<hbm>>
    %dma_start3A_357 = arith.constant 0 : i32
    %dma_start3A_358 = tpu.memref_slice %arg4[%add3A_349, %dma_start3A_357] : memref<8192x1024xf32, #tpu.memory_space<hbm>> -> memref<32x1024xf32, #tpu.memory_space<hbm>>
    %dma_start3A_359 = arith.constant 0 : i32
    %dma_start3A_360 = arith.constant 0 : i32
    %dma_start3A_361 = tpu.memref_slice %arg6[%dma_start3A_350, %dma_start3A_359, %dma_start3A_360] : memref<3x32x1024xf32, #tpu.memory_space<vmem>> -> memref<1x32x1024xf32, #tpu.memory_space<vmem>>
    %dma_start3A_362 = tpu.memref_squeeze %dma_start3A_361 : memref<1x32x1024xf32, #tpu.memory_space<vmem>> -> memref<32x1024xf32, #tpu.memory_space<vmem>>
    tpu.enqueue_dma source(%dma_start3A_362 : memref<32x1024xf32, #tpu.memory_space<vmem>>) target(%dma_start3A_358 : memref<32x1024xf32, #tpu.memory_space<hbm>>) target_semaphore(%arg8 : memref<!tpu.dma_semaphore, #tpu.memory_space<semaphore_mem>>)
    %dma_wait3A_363 = arith.constant 7 : i32
    %dma_wait3A_364 = arith.constant 1 : i32
    %dma_wait3A_365 = arith.constant 0 : i32
    %dma_wait3A_366 = arith.constant 0 : i32
    %dma_wait3A_367 = tpu.memref_slice %arg6[%dma_wait3A_364, %dma_wait3A_365, %dma_wait3A_366] : memref<3x32x1024xf32, #tpu.memory_space<vmem>> -> memref<1x32x1024xf32, #tpu.memory_space<vmem>>
    %dma_wait3A_368 = tpu.memref_squeeze %dma_wait3A_367 : memref<1x32x1024xf32, #tpu.memory_space<vmem>> -> memref<32x1024xf32, #tpu.memory_space<vmem>>
    %dma_wait3A_369 = arith.constant 0 : i32
    %dma_wait3A_370 = tpu.memref_slice %arg5[%dma_wait3A_363, %dma_wait3A_369] : memref<8x32xi32, #tpu.memory_space<vmem>> -> memref<1x32xi32, #tpu.memory_space<vmem>>
    %dma_wait3A_371 = tpu.memref_squeeze %dma_wait3A_370 : memref<1x32xi32, #tpu.memory_space<vmem>> -> memref<32xi32, #tpu.memory_space<vmem>>
    %dma_wait3A_372 = arith.constant 0 : i32
    %dma_wait3A_373 = arith.constant 0 : i32
    %dma_wait3A_374 = tpu.memref_slice %arg2[%dma_wait3A_372, %dma_wait3A_373] : memref<65792x1024xf32, #tpu.memory_space<hbm>> -> memref<65792x1024xf32, #tpu.memory_space<hbm>>
    tpu.wait_indirect_dma semaphore(%arg7 : memref<!tpu.dma_semaphore, #tpu.memory_space<semaphore_mem>>) src(%dma_wait3A_374 : memref<65792x1024xf32, #tpu.memory_space<hbm>>) dst(%dma_wait3A_368 : memref<32x1024xf32, #tpu.memory_space<vmem>>)
    %add3A_375 = arith.constant 224 : i32
    %add3A_376 = arith.addi %mul3A_4, %add3A_375 : i32
    %dma_start3A_377 = arith.constant 1 : i32
    %dma_start3A_378 = arith.constant 0 : i32
    %dma_start3A_379 = arith.constant 0 : i32
    %dma_start3A_380 = tpu.memref_slice %arg6[%dma_start3A_377, %dma_start3A_378, %dma_start3A_379] : memref<3x32x1024xf32, #tpu.memory_space<vmem>> -> memref<1x32x1024xf32, #tpu.memory_space<vmem>>
    %dma_start3A_381 = tpu.memref_squeeze %dma_start3A_380 : memref<1x32x1024xf32, #tpu.memory_space<vmem>> -> memref<32x1024xf32, #tpu.memory_space<vmem>>
    %dma_start3A_382 = arith.constant 0 : i32
    %dma_start3A_383 = tpu.memref_slice %arg4[%add3A_376, %dma_start3A_382] : memref<8192x1024xf32, #tpu.memory_space<hbm>> -> memref<32x1024xf32, #tpu.memory_space<hbm>>
    %dma_start3A_384 = arith.constant 0 : i32
    %dma_start3A_385 = tpu.memref_slice %arg4[%add3A_376, %dma_start3A_384] : memref<8192x1024xf32, #tpu.memory_space<hbm>> -> memref<32x1024xf32, #tpu.memory_space<hbm>>
    %dma_start3A_386 = arith.constant 0 : i32
    %dma_start3A_387 = arith.constant 0 : i32
    %dma_start3A_388 = tpu.memref_slice %arg6[%dma_start3A_377, %dma_start3A_386, %dma_start3A_387] : memref<3x32x1024xf32, #tpu.memory_space<vmem>> -> memref<1x32x1024xf32, #tpu.memory_space<vmem>>
    %dma_start3A_389 = tpu.memref_squeeze %dma_start3A_388 : memref<1x32x1024xf32, #tpu.memory_space<vmem>> -> memref<32x1024xf32, #tpu.memory_space<vmem>>
    tpu.enqueue_dma source(%dma_start3A_389 : memref<32x1024xf32, #tpu.memory_space<vmem>>) target(%dma_start3A_385 : memref<32x1024xf32, #tpu.memory_space<hbm>>) target_semaphore(%arg8 : memref<!tpu.dma_semaphore, #tpu.memory_space<semaphore_mem>>)
    %add3A_390 = arith.constant 160 : i32
    %add3A_391 = arith.addi %mul3A_4, %add3A_390 : i32
    %dma_wait3A_392 = arith.constant 2 : i32
    %dma_wait3A_393 = arith.constant 0 : i32
    %dma_wait3A_394 = arith.constant 0 : i32
    %dma_wait3A_395 = tpu.memref_slice %arg6[%dma_wait3A_392, %dma_wait3A_393, %dma_wait3A_394] : memref<3x32x1024xf32, #tpu.memory_space<vmem>> -> memref<1x32x1024xf32, #tpu.memory_space<vmem>>
    %dma_wait3A_396 = tpu.memref_squeeze %dma_wait3A_395 : memref<1x32x1024xf32, #tpu.memory_space<vmem>> -> memref<32x1024xf32, #tpu.memory_space<vmem>>
    %dma_wait3A_397 = arith.constant 0 : i32
    %dma_wait3A_398 = tpu.memref_slice %arg4[%add3A_391, %dma_wait3A_397] : memref<8192x1024xf32, #tpu.memory_space<hbm>> -> memref<32x1024xf32, #tpu.memory_space<hbm>>
    %dma_wait3A_399 = arith.constant 0 : i32
    %dma_wait3A_400 = tpu.memref_slice %arg4[%add3A_391, %dma_wait3A_399] : memref<8192x1024xf32, #tpu.memory_space<hbm>> -> memref<32x1024xf32, #tpu.memory_space<hbm>>
    %dma_wait3A_401 = arith.constant 0 : i32
    %dma_wait3A_402 = arith.constant 0 : i32
    %dma_wait3A_403 = tpu.memref_slice %arg6[%dma_wait3A_392, %dma_wait3A_401, %dma_wait3A_402] : memref<3x32x1024xf32, #tpu.memory_space<vmem>> -> memref<1x32x1024xf32, #tpu.memory_space<vmem>>
    %dma_wait3A_404 = tpu.memref_squeeze %dma_wait3A_403 : memref<1x32x1024xf32, #tpu.memory_space<vmem>> -> memref<32x1024xf32, #tpu.memory_space<vmem>>
    tpu.wait_dma2 semaphore(%arg8 : memref<!tpu.dma_semaphore, #tpu.memory_space<semaphore_mem>>) src(%dma_wait3A_404 : memref<32x1024xf32, #tpu.memory_space<vmem>>) dst(%dma_wait3A_400 : memref<32x1024xf32, #tpu.memory_space<hbm>>)
    %add3A_405 = arith.constant 192 : i32
    %add3A_406 = arith.addi %mul3A_4, %add3A_405 : i32
    %dma_wait3A_407 = arith.constant 0 : i32
    %dma_wait3A_408 = arith.constant 0 : i32
    %dma_wait3A_409 = arith.constant 0 : i32
    %dma_wait3A_410 = tpu.memref_slice %arg6[%dma_wait3A_407, %dma_wait3A_408, %dma_wait3A_409] : memref<3x32x1024xf32, #tpu.memory_space<vmem>> -> memref<1x32x1024xf32, #tpu.memory_space<vmem>>
    %dma_wait3A_411 = tpu.memref_squeeze %dma_wait3A_410 : memref<1x32x1024xf32, #tpu.memory_space<vmem>> -> memref<32x1024xf32, #tpu.memory_space<vmem>>
    %dma_wait3A_412 = arith.constant 0 : i32
    %dma_wait3A_413 = tpu.memref_slice %arg4[%add3A_406, %dma_wait3A_412] : memref<8192x1024xf32, #tpu.memory_space<hbm>> -> memref<32x1024xf32, #tpu.memory_space<hbm>>
    %dma_wait3A_414 = arith.constant 0 : i32
    %dma_wait3A_415 = tpu.memref_slice %arg4[%add3A_406, %dma_wait3A_414] : memref<8192x1024xf32, #tpu.memory_space<hbm>> -> memref<32x1024xf32, #tpu.memory_space<hbm>>
    %dma_wait3A_416 = arith.constant 0 : i32
    %dma_wait3A_417 = arith.constant 0 : i32
    %dma_wait3A_418 = tpu.memref_slice %arg6[%dma_wait3A_407, %dma_wait3A_416, %dma_wait3A_417] : memref<3x32x1024xf32, #tpu.memory_space<vmem>> -> memref<1x32x1024xf32, #tpu.memory_space<vmem>>
    %dma_wait3A_419 = tpu.memref_squeeze %dma_wait3A_418 : memref<1x32x1024xf32, #tpu.memory_space<vmem>> -> memref<32x1024xf32, #tpu.memory_space<vmem>>
    tpu.wait_dma2 semaphore(%arg8 : memref<!tpu.dma_semaphore, #tpu.memory_space<semaphore_mem>>) src(%dma_wait3A_419 : memref<32x1024xf32, #tpu.memory_space<vmem>>) dst(%dma_wait3A_415 : memref<32x1024xf32, #tpu.memory_space<hbm>>)
    %add3A_420 = arith.constant 224 : i32
    %add3A_421 = arith.addi %mul3A_4, %add3A_420 : i32
    %dma_wait3A_422 = arith.constant 1 : i32
    %dma_wait3A_423 = arith.constant 0 : i32
    %dma_wait3A_424 = arith.constant 0 : i32
    %dma_wait3A_425 = tpu.memref_slice %arg6[%dma_wait3A_422, %dma_wait3A_423, %dma_wait3A_424] : memref<3x32x1024xf32, #tpu.memory_space<vmem>> -> memref<1x32x1024xf32, #tpu.memory_space<vmem>>
    %dma_wait3A_426 = tpu.memref_squeeze %dma_wait3A_425 : memref<1x32x1024xf32, #tpu.memory_space<vmem>> -> memref<32x1024xf32, #tpu.memory_space<vmem>>
    %dma_wait3A_427 = arith.constant 0 : i32
    %dma_wait3A_428 = tpu.memref_slice %arg4[%add3A_421, %dma_wait3A_427] : memref<8192x1024xf32, #tpu.memory_space<hbm>> -> memref<32x1024xf32, #tpu.memory_space<hbm>>
    %dma_wait3A_429 = arith.constant 0 : i32
    %dma_wait3A_430 = tpu.memref_slice %arg4[%add3A_421, %dma_wait3A_429] : memref<8192x1024xf32, #tpu.memory_space<hbm>> -> memref<32x1024xf32, #tpu.memory_space<hbm>>
    %dma_wait3A_431 = arith.constant 0 : i32
    %dma_wait3A_432 = arith.constant 0 : i32
    %dma_wait3A_433 = tpu.memref_slice %arg6[%dma_wait3A_422, %dma_wait3A_431, %dma_wait3A_432] : memref<3x32x1024xf32, #tpu.memory_space<vmem>> -> memref<1x32x1024xf32, #tpu.memory_space<vmem>>
    %dma_wait3A_434 = tpu.memref_squeeze %dma_wait3A_433 : memref<1x32x1024xf32, #tpu.memory_space<vmem>> -> memref<32x1024xf32, #tpu.memory_space<vmem>>
    tpu.wait_dma2 semaphore(%arg8 : memref<!tpu.dma_semaphore, #tpu.memory_space<semaphore_mem>>) src(%dma_wait3A_434 : memref<32x1024xf32, #tpu.memory_space<vmem>>) dst(%dma_wait3A_430 : memref<32x1024xf32, #tpu.memory_space<hbm>>)
    return
  }
}

module attributes {stable_mosaic.version = 14 : i64} {
  func.func @_router_body(%arg0: i32, %arg1: memref<1024x1024xf32, #tpu.memory_space<vmem>>, %arg2: memref<8x1024xf32, #tpu.memory_space<vmem>>, %arg3: memref<1024xi32, #tpu.memory_space<vmem>>, %arg4: memref<128xi32, #tpu.memory_space<vmem>>, %arg5: memref<8x128xf32, #tpu.memory_space<vmem>>) attributes {dimension_semantics = [#tpu.dimension_semantics<arbitrary>], iteration_bounds = array<i64: 8>, scalar_prefetch = 0 : i64, scratch_operands = 1 : i64, tpu.core_type = #tpu.core_type<tc>, window_params = [{transform_indices = @transform_0, window_bounds = array<i64: 1024, 1024>}, {pipeline_mode = #tpu.pipeline_mode<synchronous>, transform_indices = @transform_1, window_bounds = array<i64: 8, 1024>}, {transform_indices = @transform_2, window_bounds = array<i64: 1024>}, {pipeline_mode = #tpu.pipeline_mode<synchronous>, transform_indices = @transform_3, window_bounds = array<i64: 128>}]} {
    %eq3A = arith.constant 0 : i32
    %eq3A_0 = arith.cmpi eq, %arg0, %eq3A : i32
    %convert_element_type3A = arith.extui %eq3A_0 : i1 to i32
    %cond3A = arith.constant 0 : i32
    %cond3A_1 = arith.cmpi ne, %convert_element_type3A, %cond3A : i32
    scf.if %cond3A_1 {
      %broadcast_in_dim3A_94 = arith.constant 0.000000e+00 : f32
      %broadcast_in_dim3A_95 = vector.broadcast %broadcast_in_dim3A_94 : f32 to vector<8x128xf32>
      %swap3A_96 = arith.constant 0 : index
      %swap3A_97 = arith.constant 0 : index
      %swap3A_98 = vector.load %arg5[%swap3A_96, %swap3A_97] : memref<8x128xf32, #tpu.memory_space<vmem>>, vector<8x128xf32>
      tpu.vector_store %arg5[%swap3A_96, %swap3A_97], %broadcast_in_dim3A_95 {strides = array<i32>} : memref<8x128xf32, #tpu.memory_space<vmem>>, vector<8x128xf32>,
    } else {
    }
    %get3A = arith.constant 0 : index
    %get3A_2 = arith.constant 0 : index
    %get3A_3 = vector.load %arg1[%get3A, %get3A_2] : memref<1024x1024xf32, #tpu.memory_space<vmem>>, vector<1024x1024xf32>
    %get3A_4 = arith.constant 0 : index
    %get3A_5 = arith.constant 0 : index
    %get3A_6 = vector.load %arg2[%get3A_4, %get3A_5] : memref<8x1024xf32, #tpu.memory_space<vmem>>, vector<8x1024xf32>
    %dot_general3A = arith.constant dense<0.000000e+00> : vector<1024x8xf32>
    %dot_general3A_7 = tpu.matmul %get3A_3, %get3A_6, %dot_general3A {dimension_numbers = #tpu.dot_dimension_numbers<[1], [1], [0], [0], [0, 0, 1, 0], [], []>, transpose_lhs_hint = false} : vector<1024x1024xf32>, vector<8x1024xf32>, vector<1024x8xf32> -> vector<1024x8xf32>
    %reduce_max3A = arith.constant dense<0xFF800000> : vector<1024xf32>
    %reduce_max3A_8 = vector.multi_reduction <maximumf>, %dot_general3A_7, %reduce_max3A [1] : vector<1024x8xf32> to vector<1024xf32>
    %broadcast_in_dim3A = vector.shape_cast %reduce_max3A_8 : vector<1024xf32> to vector<1024x1xf32>
    %iota3A = tpu.iota {dimensions = array<i32: 1>} : vector<1024x8xi32>
    %eq3A_9 = vector.broadcast %broadcast_in_dim3A : vector<1024x1xf32> to vector<1024x8xf32>
    %eq3A_10 = arith.cmpf oeq, %dot_general3A_7, %eq3A_9 : vector<1024x8xf32>
    %jit3A = arith.constant 8 : i32
    %broadcast_in_dim3A_11 = vector.broadcast %jit3A : i32 to vector<1024x8xi32>
    %select_n3A = arith.select %eq3A_10, %iota3A, %broadcast_in_dim3A_11 : vector<1024x8xi1>, vector<1024x8xi32>
    %reduce_min3A = arith.constant dense<2147483647> : vector<1024xi32>
    %reduce_min3A_12 = vector.multi_reduction <minsi>, %select_n3A, %reduce_min3A [1] : vector<1024x8xi32> to vector<1024xi32>
    %iota3A_13 = tpu.iota {dimensions = array<i32: 0>} : vector<8x1024xi32>
    %broadcast_in_dim3A_14 = vector.shape_cast %reduce_min3A_12 : vector<1024xi32> to vector<1x1024xi32>
    %eq3A_15 = vector.broadcast %broadcast_in_dim3A_14 : vector<1x1024xi32> to vector<8x1024xi32>
    %eq3A_16 = arith.cmpi eq, %iota3A_13, %eq3A_15 : vector<8x1024xi32>
    %convert_element_type3A_17 = arith.extui %eq3A_16 : vector<8x1024xi1> to vector<8x1024xi32>
    %convert_element_type3A_18 = arith.sitofp %convert_element_type3A_17 : vector<8x1024xi32> to vector<8x1024xf32>
    %iota3A_19 = tpu.iota {dimensions = array<i32: 0>} : vector<1024x1024xi32>
    %iota3A_20 = tpu.iota {dimensions = array<i32: 1>} : vector<1024x1024xi32>
    %lt3A = arith.cmpi slt, %iota3A_19, %iota3A_20 : vector<1024x1024xi32>
    %convert_element_type3A_21 = arith.extui %lt3A : vector<1024x1024xi1> to vector<1024x1024xi32>
    %convert_element_type3A_22 = arith.sitofp %convert_element_type3A_21 : vector<1024x1024xi32> to vector<1024x1024xf32>
    %dot_general3A_23 = arith.constant dense<0.000000e+00> : vector<8x1024xf32>
    %dot_general3A_24 = tpu.matmul %convert_element_type3A_18, %convert_element_type3A_22, %dot_general3A_23 {dimension_numbers = #tpu.dot_dimension_numbers<[1], [0], [0], [1], [0, 0, 1, 1], [], []>, transpose_lhs_hint = false} : vector<8x1024xf32>, vector<1024x1024xf32>, vector<8x1024xf32> -> vector<8x1024xf32>
    %get3A_25 = arith.constant 0 : index
    %get3A_26 = arith.constant 0 : index
    %get3A_27 = vector.load %arg5[%get3A_25, %get3A_26] : memref<8x128xf32, #tpu.memory_space<vmem>>, vector<8x128xf32>
    %slice3A = vector.extract_strided_slice %get3A_27 {offsets = [0, 0], sizes = [8, 1], strides = [1, 1]} : vector<8x128xf32> to vector<8x1xf32>
    %add3A = vector.broadcast %slice3A : vector<8x1xf32> to vector<8x1024xf32>
    %add3A_28 = arith.addf %dot_general3A_24, %add3A : vector<8x1024xf32>
    %mul3A = arith.mulf %convert_element_type3A_18, %add3A_28 : vector<8x1024xf32>
    %reduce_sum3A = arith.constant dense<0.000000e+00> : vector<1024xf32>
    %reduce_sum3A_29 = vector.multi_reduction <add>, %mul3A, %reduce_sum3A [0] : vector<8x1024xf32> to vector<1024xf32>
    %mul3A_30 = arith.constant 8192 : i32
    %mul3A_31 = vector.broadcast %mul3A_30 : i32 to vector<1024xi32>
    %mul3A_32 = arith.muli %reduce_min3A_12, %mul3A_31 : vector<1024xi32>
    %convert_element_type3A_33 = arith.fptosi %reduce_sum3A_29 : vector<1024xf32> to vector<1024xi32>
    %add3A_34 = arith.addi %mul3A_32, %convert_element_type3A_33 : vector<1024xi32>
    %swap3A = arith.constant 0 : index
    %swap3A_35 = vector.load %arg3[%swap3A] : memref<1024xi32, #tpu.memory_space<vmem>>, vector<1024xi32>
    tpu.vector_store %arg3[%swap3A], %add3A_34 {strides = array<i32>} : memref<1024xi32, #tpu.memory_space<vmem>>, vector<1024xi32>,
    %reduce_sum3A_36 = arith.constant dense<0.000000e+00> : vector<8xf32>
    %reduce_sum3A_37 = vector.multi_reduction <add>, %convert_element_type3A_18, %reduce_sum3A_36 [1] : vector<8x1024xf32> to vector<8xf32>
    %broadcast_in_dim3A_38 = vector.shape_cast %reduce_sum3A_37 : vector<8xf32> to vector<8x1xf32>
    %add3A_39 = arith.addf %slice3A, %broadcast_in_dim3A_38 : vector<8x1xf32>
    %broadcast_in_dim3A_40 = vector.shape_cast %add3A_39 : vector<8x1xf32> to vector<8x1xf32>
    %broadcast_in_dim3A_41 = vector.broadcast %broadcast_in_dim3A_40 : vector<8x1xf32> to vector<8x128xf32>
    %swap3A_42 = arith.constant 0 : index
    %swap3A_43 = arith.constant 0 : index
    %swap3A_44 = vector.load %arg5[%swap3A_42, %swap3A_43] : memref<8x128xf32, #tpu.memory_space<vmem>>, vector<8x128xf32>
    tpu.vector_store %arg5[%swap3A_42, %swap3A_43], %broadcast_in_dim3A_41 {strides = array<i32>} : memref<8x128xf32, #tpu.memory_space<vmem>>, vector<8x128xf32>,
    %convert_element_type3A_45 = arith.fptosi %add3A_39 : vector<8x1xf32> to vector<8x1xi32>
    %add3A_46 = arith.constant 255 : i32
    %add3A_47 = vector.broadcast %add3A_46 : i32 to vector<8x1xi32>
    %add3A_48 = arith.addi %convert_element_type3A_45, %add3A_47 : vector<8x1xi32>
    %shift_right_logical3A = arith.constant 8 : i32
    %shift_right_logical3A_49 = vector.broadcast %shift_right_logical3A : i32 to vector<8x1xi32>
    %shift_right_logical3A_50 = arith.shrui %add3A_48, %shift_right_logical3A_49 : vector<8x1xi32>
    %iota3A_51 = tpu.iota {dimensions = array<i32: 0>} : vector<8x8xi32>
    %iota3A_52 = tpu.iota {dimensions = array<i32: 1>} : vector<8x8xi32>
    %le3A = arith.cmpi sle, %iota3A_51, %iota3A_52 : vector<8x8xi32>
    %convert_element_type3A_53 = arith.extui %le3A : vector<8x8xi1> to vector<8x8xi32>
    %convert_element_type3A_54 = arith.sitofp %convert_element_type3A_53 : vector<8x8xi32> to vector<8x8xf32>
    %convert_element_type3A_55 = arith.sitofp %shift_right_logical3A_50 : vector<8x1xi32> to vector<8x1xf32>
    %squeeze3A = vector.shape_cast %convert_element_type3A_55 : vector<8x1xf32> to vector<8xf32>
    %broadcast_in_dim3A_56 = vector.shape_cast %squeeze3A : vector<8xf32> to vector<1x8xf32>
    %dot_general3A_57 = arith.constant dense<0.000000e+00> : vector<1x8xf32>
    %dot_general3A_58 = tpu.matmul %broadcast_in_dim3A_56, %convert_element_type3A_54, %dot_general3A_57 {dimension_numbers = #tpu.dot_dimension_numbers<[1], [0], [0], [1], [0, 0, 1, 1], [], []>, transpose_lhs_hint = false} : vector<1x8xf32>, vector<8x8xf32>, vector<1x8xf32> -> vector<1x8xf32>
    %convert_element_type3A_59 = arith.fptosi %dot_general3A_58 : vector<1x8xf32> to vector<1x8xi32>
    %reshape3A = vector.shape_cast %convert_element_type3A_59 : vector<1x8xi32> to vector<8x1xi32>
    %sub3A = arith.subi %reshape3A, %shift_right_logical3A_50 : vector<8x1xi32>
    %iota3A_60 = tpu.iota {dimensions = array<i32: 1>} : vector<8x128xi32>
    %ge3A = vector.broadcast %reshape3A : vector<8x1xi32> to vector<8x128xi32>
    %ge3A_61 = arith.cmpi sge, %iota3A_60, %ge3A : vector<8x128xi32>
    %convert_element_type3A_62 = arith.extui %ge3A_61 : vector<8x128xi1> to vector<8x128xi32>
    %reduce_sum3A_63 = arith.constant dense<0> : vector<128xi32>
    %reduce_sum3A_64 = vector.multi_reduction <add>, %convert_element_type3A_62, %reduce_sum3A_63 [0] : vector<8x128xi32> to vector<128xi32>
    %min3A = arith.constant 7 : i32
    %min3A_65 = vector.broadcast %min3A : i32 to vector<128xi32>
    %min3A_66 = arith.minsi %reduce_sum3A_64, %min3A_65 : vector<128xi32>
    %iota3A_67 = tpu.iota {dimensions = array<i32: 0>} : vector<8x128xi32>
    %broadcast_in_dim3A_68 = vector.shape_cast %min3A_66 : vector<128xi32> to vector<1x128xi32>
    %eq3A_69 = vector.broadcast %broadcast_in_dim3A_68 : vector<1x128xi32> to vector<8x128xi32>
    %eq3A_70 = arith.cmpi eq, %iota3A_67, %eq3A_69 : vector<8x128xi32>
    %jit3A_71 = arith.constant 0 : i32
    %broadcast_in_dim3A_72 = vector.shape_cast %sub3A : vector<8x1xi32> to vector<8x1xi32>
    %broadcast_in_dim3A_73 = vector.broadcast %broadcast_in_dim3A_72 : vector<8x1xi32> to vector<8x128xi32>
    %broadcast_in_dim3A_74 = vector.broadcast %jit3A_71 : i32 to vector<8x128xi32>
    %select_n3A_75 = arith.select %eq3A_70, %broadcast_in_dim3A_73, %broadcast_in_dim3A_74 : vector<8x128xi1>, vector<8x128xi32>
    %reduce_sum3A_76 = arith.constant dense<0> : vector<128xi32>
    %reduce_sum3A_77 = vector.multi_reduction <add>, %select_n3A_75, %reduce_sum3A_76 [0] : vector<8x128xi32> to vector<128xi32>
    %slice3A_78 = vector.extract_strided_slice %iota3A_60 {offsets = [0, 0], sizes = [1, 128], strides = [1, 1]} : vector<8x128xi32> to vector<1x128xi32>
    %squeeze3A_79 = vector.shape_cast %slice3A_78 : vector<1x128xi32> to vector<128xi32>
    %mul3A_80 = arith.constant 32 : i32
    %mul3A_81 = vector.broadcast %mul3A_80 : i32 to vector<128xi32>
    %mul3A_82 = arith.muli %min3A_66, %mul3A_81 : vector<128xi32>
    %sub3A_83 = arith.subi %squeeze3A_79, %reduce_sum3A_77 : vector<128xi32>
    %add3A_84 = arith.addi %mul3A_82, %sub3A_83 : vector<128xi32>
    %reduce_max3A_85 = arith.constant dense<-2147483648> : vector<1xi32>
    %reduce_max3A_86 = vector.multi_reduction <maxsi>, %reshape3A, %reduce_max3A_85 [0] : vector<8x1xi32> to vector<1xi32>
    %lt3A_87 = vector.broadcast %reduce_max3A_86 : vector<1xi32> to vector<128xi32>
    %lt3A_88 = arith.cmpi slt, %squeeze3A_79, %lt3A_87 : vector<128xi32>
    %jit3A_89 = arith.constant 256 : i32
    %broadcast_in_dim3A_90 = vector.broadcast %jit3A_89 : i32 to vector<128xi32>
    %select_n3A_91 = arith.select %lt3A_88, %add3A_84, %broadcast_in_dim3A_90 : vector<128xi1>, vector<128xi32>
    %swap3A_92 = arith.constant 0 : index
    %swap3A_93 = vector.load %arg4[%swap3A_92] : memref<128xi32, #tpu.memory_space<vmem>>, vector<128xi32>
    tpu.vector_store %arg4[%swap3A_92], %select_n3A_91 {strides = array<i32>} : memref<128xi32, #tpu.memory_space<vmem>>, vector<128xi32>,
    return
  }
  func.func @transform_0(%arg0: i32) -> (i32, i32) {
    %c0_i32 = arith.constant 0 : i32
    %c0_i32_0 = arith.constant 0 : i32
    return %arg0, %c0_i32 : i32, i32
  }
  func.func @transform_1(%arg0: i32) -> (i32, i32) {
    %c0_i32 = arith.constant 0 : i32
    %c0_i32_0 = arith.constant 0 : i32
    %c0_i32_1 = arith.constant 0 : i32
    return %c0_i32, %c0_i32_0 : i32, i32
  }
  func.func @transform_2(%arg0: i32) -> i32 {
    %c0_i32 = arith.constant 0 : i32
    return %arg0 : i32
  }
  func.func @transform_3(%arg0: i32) -> i32 {
    %c0_i32 = arith.constant 0 : i32
    %c0_i32_0 = arith.constant 0 : i32
    return %c0_i32 : i32
  }
}

module attributes {stable_mosaic.version = 14 : i64} {
  func.func @_ffn_body(%arg0: i32, %arg1: memref<128xi32, #tpu.memory_space<smem>>, %arg2: memref<256x1024xf32, #tpu.memory_space<vmem>>, %arg3: memref<8x4096x1024xf32, #tpu.memory_space<any>>, %arg4: memref<8x1024x4096xf32, #tpu.memory_space<any>>, %arg5: memref<8x1024xf32, #tpu.memory_space<vmem>>, %arg6: memref<256x1024xf32, #tpu.memory_space<vmem>>, %arg7: memref<2x4096x1024xf32, #tpu.memory_space<vmem>>, %arg8: memref<2x384x4096xf32, #tpu.memory_space<vmem>>, %arg9: memref<640x4096xf32, #tpu.memory_space<vmem>>, %arg10: memref<1xi32, #tpu.memory_space<smem>>, %arg11: memref<!tpu.dma_semaphore, #tpu.memory_space<semaphore_mem>>, %arg12: memref<!tpu.dma_semaphore, #tpu.memory_space<semaphore_mem>>, %arg13: memref<!tpu.dma_semaphore, #tpu.memory_space<semaphore_mem>>) attributes {dimension_semantics = [#tpu.dimension_semantics<arbitrary>], iteration_bounds = array<i64: 39>, scalar_prefetch = 1 : i64, scratch_operands = 7 : i64, tpu.core_type = #tpu.core_type<tc>, window_params = [{transform_indices = @transform_0, window_bounds = array<i64: 256, 1024>}, {}, {}, {pipeline_mode = #tpu.pipeline_mode<synchronous>, transform_indices = @transform_3, window_bounds = array<i64: 8, 1024>}, {transform_indices = @transform_4, window_bounds = array<i64: 256, 1024>}]} {
    %get3A = arith.index_cast %arg0 : i32 to index
    %get3A_0 = memref.load %arg1[%get3A] : memref<128xi32, #tpu.memory_space<smem>>
    %ne3A = arith.constant 256 : i32
    %ne3A_1 = arith.cmpi ne, %get3A_0, %ne3A : i32
    %shift_right_logical3A = arith.constant 5 : i32
    %shift_right_logical3A_2 = arith.shrui %get3A_0, %shift_right_logical3A : i32
    %min3A = arith.constant 7 : i32
    %min3A_3 = arith.minsi %shift_right_logical3A_2, %min3A : i32
    %eq3A = arith.constant 0 : i32
    %eq3A_4 = arith.cmpi eq, %arg0, %eq3A : i32
    %sub3A = arith.constant 1 : i32
    %sub3A_5 = arith.subi %arg0, %sub3A : i32
    %max3A = arith.constant 0 : i32
    %max3A_6 = arith.maxsi %sub3A_5, %max3A : i32
    %get3A_7 = arith.index_cast %max3A_6 : i32 to index
    %get3A_8 = memref.load %arg1[%get3A_7] : memref<128xi32, #tpu.memory_space<smem>>
    %shift_right_logical3A_9 = arith.constant 5 : i32
    %shift_right_logical3A_10 = arith.shrui %get3A_8, %shift_right_logical3A_9 : i32
    %min3A_11 = arith.constant 7 : i32
    %min3A_12 = arith.minsi %shift_right_logical3A_10, %min3A_11 : i32
    %ne3A_13 = arith.cmpi ne, %min3A_3, %min3A_12 : i32
    %or3A = arith.ori %eq3A_4, %ne3A_13 : i1
    %and3A = arith.andi %ne3A_1, %or3A : i1
    %eq3A_14 = arith.constant 0 : i32
    %eq3A_15 = arith.cmpi eq, %arg0, %eq3A_14 : i32
    %convert_element_type3A = arith.extui %eq3A_15 : i1 to i32
    %cond3A = arith.constant 0 : i32
    %cond3A_16 = arith.cmpi ne, %convert_element_type3A, %cond3A : i32
    scf.if %cond3A_16 {
      %swap3A = arith.constant 0 : i32
      %swap3A_30 = arith.constant 0 : index
      %swap3A_31 = memref.load %arg10[%swap3A_30] : memref<1xi32, #tpu.memory_space<smem>>
      memref.store %swap3A, %arg10[%swap3A_30] : memref<1xi32, #tpu.memory_space<smem>>
      %dma_start3A = arith.constant 0 : i32
      %dma_start3A_32 = arith.constant 0 : i32
      %dma_start3A_33 = arith.constant 0 : i32
      %dma_start3A_34 = tpu.memref_slice %arg7[%dma_start3A, %dma_start3A_32, %dma_start3A_33] : memref<2x4096x1024xf32, #tpu.memory_space<vmem>> -> memref<1x4096x1024xf32, #tpu.memory_space<vmem>>
      %dma_start3A_35 = tpu.memref_squeeze %dma_start3A_34 : memref<1x4096x1024xf32, #tpu.memory_space<vmem>> -> memref<4096x1024xf32, #tpu.memory_space<vmem>>
      %dma_start3A_36 = arith.constant 0 : i32
      %dma_start3A_37 = arith.constant 0 : i32
      %dma_start3A_38 = tpu.memref_slice %arg3[%min3A_3, %dma_start3A_36, %dma_start3A_37] : memref<8x4096x1024xf32, #tpu.memory_space<any>> -> memref<1x4096x1024xf32, #tpu.memory_space<any>>
      %dma_start3A_39 = tpu.memref_squeeze %dma_start3A_38 : memref<1x4096x1024xf32, #tpu.memory_space<any>> -> memref<4096x1024xf32, #tpu.memory_space<any>>
      tpu.enqueue_dma source(%dma_start3A_39 : memref<4096x1024xf32, #tpu.memory_space<any>>) target(%dma_start3A_35 : memref<4096x1024xf32, #tpu.memory_space<vmem>>) target_semaphore(%arg11 : memref<!tpu.dma_semaphore, #tpu.memory_space<semaphore_mem>>)
      %dma_start3A_40 = arith.constant 0 : i32
      %dma_start3A_41 = arith.constant 0 : i32
      %dma_start3A_42 = arith.constant 0 : i32
      %dma_start3A_43 = tpu.memref_slice %arg8[%dma_start3A_40, %dma_start3A_41, %dma_start3A_42] : memref<2x384x4096xf32, #tpu.memory_space<vmem>> -> memref<1x384x4096xf32, #tpu.memory_space<vmem>>
      %dma_start3A_44 = tpu.memref_squeeze %dma_start3A_43 : memref<1x384x4096xf32, #tpu.memory_space<vmem>> -> memref<384x4096xf32, #tpu.memory_space<vmem>>
      %dma_start3A_45 = arith.constant 0 : i32
      %dma_start3A_46 = arith.constant 0 : i32
      %dma_start3A_47 = tpu.memref_slice %arg4[%min3A_3, %dma_start3A_45, %dma_start3A_46] : memref<8x1024x4096xf32, #tpu.memory_space<any>> -> memref<1x384x4096xf32, #tpu.memory_space<any>>
      %dma_start3A_48 = tpu.memref_squeeze %dma_start3A_47 : memref<1x384x4096xf32, #tpu.memory_space<any>> -> memref<384x4096xf32, #tpu.memory_space<any>>
      tpu.enqueue_dma source(%dma_start3A_48 : memref<384x4096xf32, #tpu.memory_space<any>>) target(%dma_start3A_44 : memref<384x4096xf32, #tpu.memory_space<vmem>>) target_semaphore(%arg12 : memref<!tpu.dma_semaphore, #tpu.memory_space<semaphore_mem>>)
      %dma_start3A_49 = arith.constant 384 : i32
      %dma_start3A_50 = arith.constant 0 : i32
      %dma_start3A_51 = tpu.memref_slice %arg4[%min3A_3, %dma_start3A_49, %dma_start3A_50] : memref<8x1024x4096xf32, #tpu.memory_space<any>> -> memref<1x640x4096xf32, #tpu.memory_space<any>>
      %dma_start3A_52 = tpu.memref_squeeze %dma_start3A_51 : memref<1x640x4096xf32, #tpu.memory_space<any>> -> memref<640x4096xf32, #tpu.memory_space<any>>
      tpu.enqueue_dma source(%dma_start3A_52 : memref<640x4096xf32, #tpu.memory_space<any>>) target(%arg9 : memref<640x4096xf32, #tpu.memory_space<vmem>>) target_semaphore(%arg13 : memref<!tpu.dma_semaphore, #tpu.memory_space<semaphore_mem>>)
    } else {
    }
    %gt3A = arith.constant 0 : i32
    %gt3A_17 = arith.cmpi sgt, %arg0, %gt3A : i32
    %and3A_18 = arith.andi %gt3A_17, %and3A : i1
    %convert_element_type3A_19 = arith.extui %and3A_18 : i1 to i32
    %cond3A_20 = arith.constant 0 : i32
    %cond3A_21 = arith.cmpi ne, %convert_element_type3A_19, %cond3A_20 : i32
    scf.if %cond3A_21 {
      %get3A_30 = arith.constant 0 : index
      %get3A_31 = memref.load %arg10[%get3A_30] : memref<1xi32, #tpu.memory_space<smem>>
      %sub3A_32 = arith.constant 1 : i32
      %sub3A_33 = arith.subi %sub3A_32, %get3A_31 : i32
      %swap3A = arith.constant 0 : index
      %swap3A_34 = memref.load %arg10[%swap3A] : memref<1xi32, #tpu.memory_space<smem>>
      memref.store %sub3A_33, %arg10[%swap3A] : memref<1xi32, #tpu.memory_space<smem>>
    } else {
    }
    %get3A_22 = arith.constant 0 : index
    %get3A_23 = memref.load %arg10[%get3A_22] : memref<1xi32, #tpu.memory_space<smem>>
    %convert_element_type3A_24 = arith.extui %and3A : i1 to i32
    %cond3A_25 = arith.constant 0 : i32
    %cond3A_26 = arith.cmpi ne, %convert_element_type3A_24, %cond3A_25 : i32
    scf.if %cond3A_26 {
      %dma_wait3A = arith.constant 0 : i32
      %dma_wait3A_30 = arith.constant 0 : i32
      %dma_wait3A_31 = arith.constant 0 : i32
      %dma_wait3A_32 = tpu.memref_slice %arg7[%get3A_23, %dma_wait3A_30, %dma_wait3A_31] : memref<2x4096x1024xf32, #tpu.memory_space<vmem>> -> memref<1x4096x1024xf32, #tpu.memory_space<vmem>>
      %dma_wait3A_33 = tpu.memref_squeeze %dma_wait3A_32 : memref<1x4096x1024xf32, #tpu.memory_space<vmem>> -> memref<4096x1024xf32, #tpu.memory_space<vmem>>
      %dma_wait3A_34 = arith.constant 0 : i32
      %dma_wait3A_35 = arith.constant 0 : i32
      %dma_wait3A_36 = tpu.memref_slice %arg3[%dma_wait3A, %dma_wait3A_34, %dma_wait3A_35] : memref<8x4096x1024xf32, #tpu.memory_space<any>> -> memref<1x4096x1024xf32, #tpu.memory_space<any>>
      %dma_wait3A_37 = tpu.memref_squeeze %dma_wait3A_36 : memref<1x4096x1024xf32, #tpu.memory_space<any>> -> memref<4096x1024xf32, #tpu.memory_space<any>>
      tpu.wait_dma2 semaphore(%arg11 : memref<!tpu.dma_semaphore, #tpu.memory_space<semaphore_mem>>) src(%dma_wait3A_37 : memref<4096x1024xf32, #tpu.memory_space<any>>) dst(%dma_wait3A_33 : memref<4096x1024xf32, #tpu.memory_space<vmem>>)
      %dma_wait3A_38 = arith.constant 0 : i32
      %dma_wait3A_39 = arith.constant 0 : i32
      %dma_wait3A_40 = arith.constant 0 : i32
      %dma_wait3A_41 = tpu.memref_slice %arg8[%get3A_23, %dma_wait3A_39, %dma_wait3A_40] : memref<2x384x4096xf32, #tpu.memory_space<vmem>> -> memref<1x384x4096xf32, #tpu.memory_space<vmem>>
      %dma_wait3A_42 = tpu.memref_squeeze %dma_wait3A_41 : memref<1x384x4096xf32, #tpu.memory_space<vmem>> -> memref<384x4096xf32, #tpu.memory_space<vmem>>
      %dma_wait3A_43 = arith.constant 0 : i32
      %dma_wait3A_44 = arith.constant 0 : i32
      %dma_wait3A_45 = tpu.memref_slice %arg4[%dma_wait3A_38, %dma_wait3A_43, %dma_wait3A_44] : memref<8x1024x4096xf32, #tpu.memory_space<any>> -> memref<1x384x4096xf32, #tpu.memory_space<any>>
      %dma_wait3A_46 = tpu.memref_squeeze %dma_wait3A_45 : memref<1x384x4096xf32, #tpu.memory_space<any>> -> memref<384x4096xf32, #tpu.memory_space<any>>
      tpu.wait_dma2 semaphore(%arg12 : memref<!tpu.dma_semaphore, #tpu.memory_space<semaphore_mem>>) src(%dma_wait3A_46 : memref<384x4096xf32, #tpu.memory_space<any>>) dst(%dma_wait3A_42 : memref<384x4096xf32, #tpu.memory_space<vmem>>)
      %add3A = arith.constant 1 : i32
      %add3A_47 = arith.addi %arg0, %add3A : i32
      %while3A = scf.while (%while3A_59 = %add3A_47) : (i32) -> i32 {
        %lt3A_60 = arith.constant 39 : i32
        %lt3A_61 = arith.cmpi slt, %while3A_59, %lt3A_60 : i32
        %min3A_62 = arith.constant 38 : i32
        %min3A_63 = arith.minsi %while3A_59, %min3A_62 : i32
        %get3A_64 = arith.index_cast %min3A_63 : i32 to index
        %get3A_65 = memref.load %arg1[%get3A_64] : memref<128xi32, #tpu.memory_space<smem>>
        %shift_right_logical3A_66 = arith.constant 5 : i32
        %shift_right_logical3A_67 = arith.shrui %get3A_65, %shift_right_logical3A_66 : i32
        %min3A_68 = arith.constant 7 : i32
        %min3A_69 = arith.minsi %shift_right_logical3A_67, %min3A_68 : i32
        %eq3A_70 = arith.cmpi eq, %min3A_69, %min3A_3 : i32
        %and3A_71 = arith.andi %lt3A_61, %eq3A_70 : i1
        scf.condition(%and3A_71) %while3A_59 : i32
      } do {
      ^bb0(%while3A_59: i32):
        %add3A_60 = arith.constant 1 : i32
        %add3A_61 = arith.addi %while3A_59, %add3A_60 : i32
        scf.yield %add3A_61 : i32
      }
      %min3A_48 = arith.constant 38 : i32
      %min3A_49 = arith.minsi %while3A, %min3A_48 : i32
      %lt3A = arith.constant 39 : i32
      %lt3A_50 = arith.cmpi slt, %while3A, %lt3A : i32
      %get3A_51 = arith.index_cast %min3A_49 : i32 to index
      %get3A_52 = memref.load %arg1[%get3A_51] : memref<128xi32, #tpu.memory_space<smem>>
      %ne3A_53 = arith.constant 256 : i32
      %ne3A_54 = arith.cmpi ne, %get3A_52, %ne3A_53 : i32
      %and3A_55 = arith.andi %lt3A_50, %ne3A_54 : i1
      %convert_element_type3A_56 = arith.extui %and3A_55 : i1 to i32
      %cond3A_57 = arith.constant 0 : i32
      %cond3A_58 = arith.cmpi ne, %convert_element_type3A_56, %cond3A_57 : i32
      scf.if %cond3A_58 {
        %get3A_59 = arith.index_cast %min3A_49 : i32 to index
        %get3A_60 = memref.load %arg1[%get3A_59] : memref<128xi32, #tpu.memory_space<smem>>
        %shift_right_logical3A_61 = arith.constant 5 : i32
        %shift_right_logical3A_62 = arith.shrui %get3A_60, %shift_right_logical3A_61 : i32
        %min3A_63 = arith.constant 7 : i32
        %min3A_64 = arith.minsi %shift_right_logical3A_62, %min3A_63 : i32
        %sub3A_65 = arith.constant 1 : i32
        %sub3A_66 = arith.subi %sub3A_65, %get3A_23 : i32
        %dma_start3A = arith.constant 0 : i32
        %dma_start3A_67 = arith.constant 0 : i32
        %dma_start3A_68 = tpu.memref_slice %arg7[%sub3A_66, %dma_start3A, %dma_start3A_67] : memref<2x4096x1024xf32, #tpu.memory_space<vmem>> -> memref<1x4096x1024xf32, #tpu.memory_space<vmem>>
        %dma_start3A_69 = tpu.memref_squeeze %dma_start3A_68 : memref<1x4096x1024xf32, #tpu.memory_space<vmem>> -> memref<4096x1024xf32, #tpu.memory_space<vmem>>
        %dma_start3A_70 = arith.constant 0 : i32
        %dma_start3A_71 = arith.constant 0 : i32
        %dma_start3A_72 = tpu.memref_slice %arg3[%min3A_64, %dma_start3A_70, %dma_start3A_71] : memref<8x4096x1024xf32, #tpu.memory_space<any>> -> memref<1x4096x1024xf32, #tpu.memory_space<any>>
        %dma_start3A_73 = tpu.memref_squeeze %dma_start3A_72 : memref<1x4096x1024xf32, #tpu.memory_space<any>> -> memref<4096x1024xf32, #tpu.memory_space<any>>
        tpu.enqueue_dma source(%dma_start3A_73 : memref<4096x1024xf32, #tpu.memory_space<any>>) target(%dma_start3A_69 : memref<4096x1024xf32, #tpu.memory_space<vmem>>) target_semaphore(%arg11 : memref<!tpu.dma_semaphore, #tpu.memory_space<semaphore_mem>>)
        %sub3A_74 = arith.constant 1 : i32
        %sub3A_75 = arith.subi %sub3A_74, %get3A_23 : i32
        %dma_start3A_76 = arith.constant 0 : i32
        %dma_start3A_77 = arith.constant 0 : i32
        %dma_start3A_78 = tpu.memref_slice %arg8[%sub3A_75, %dma_start3A_76, %dma_start3A_77] : memref<2x384x4096xf32, #tpu.memory_space<vmem>> -> memref<1x384x4096xf32, #tpu.memory_space<vmem>>
        %dma_start3A_79 = tpu.memref_squeeze %dma_start3A_78 : memref<1x384x4096xf32, #tpu.memory_space<vmem>> -> memref<384x4096xf32, #tpu.memory_space<vmem>>
        %dma_start3A_80 = arith.constant 0 : i32
        %dma_start3A_81 = arith.constant 0 : i32
        %dma_start3A_82 = tpu.memref_slice %arg4[%min3A_64, %dma_start3A_80, %dma_start3A_81] : memref<8x1024x4096xf32, #tpu.memory_space<any>> -> memref<1x384x4096xf32, #tpu.memory_space<any>>
        %dma_start3A_83 = tpu.memref_squeeze %dma_start3A_82 : memref<1x384x4096xf32, #tpu.memory_space<any>> -> memref<384x4096xf32, #tpu.memory_space<any>>
        tpu.enqueue_dma source(%dma_start3A_83 : memref<384x4096xf32, #tpu.memory_space<any>>) target(%dma_start3A_79 : memref<384x4096xf32, #tpu.memory_space<vmem>>) target_semaphore(%arg12 : memref<!tpu.dma_semaphore, #tpu.memory_space<semaphore_mem>>)
      } else {
      }
    } else {
    }
    %convert_element_type3A_27 = arith.extui %ne3A_1 : i1 to i32
    %cond3A_28 = arith.constant 0 : i32
    %cond3A_29 = arith.cmpi ne, %convert_element_type3A_27, %cond3A_28 : i32
    scf.if %cond3A_29 {
      %get3A_30 = arith.constant 0 : index
      %get3A_31 = arith.constant 0 : index
      %get3A_32 = vector.load %arg2[%get3A_30, %get3A_31] : memref<256x1024xf32, #tpu.memory_space<vmem>>, vector<256x1024xf32>
      %get3A_33 = arith.constant 0 : index
      %get3A_34 = arith.constant 0 : index
      %get3A_35 = vector.load %arg5[%get3A_33, %get3A_34] : memref<8x1024xf32, #tpu.memory_space<vmem>>, vector<8x1024xf32>
      %dot_general3A = arith.constant dense<0.000000e+00> : vector<256x8xf32>
      %dot_general3A_36 = tpu.matmul %get3A_32, %get3A_35, %dot_general3A {dimension_numbers = #tpu.dot_dimension_numbers<[1], [1], [0], [0], [0, 0, 1, 0], [], []>, transpose_lhs_hint = false} : vector<256x1024xf32>, vector<8x1024xf32>, vector<256x8xf32> -> vector<256x8xf32>
      %reduce_max3A = arith.constant dense<0xFF800000> : vector<256xf32>
      %reduce_max3A_37 = vector.multi_reduction <maximumf>, %dot_general3A_36, %reduce_max3A [1] : vector<256x8xf32> to vector<256xf32>
      %broadcast_in_dim3A = vector.shape_cast %reduce_max3A_37 : vector<256xf32> to vector<256x1xf32>
      %sub3A_38 = vector.broadcast %broadcast_in_dim3A : vector<256x1xf32> to vector<256x8xf32>
      %sub3A_39 = arith.subf %dot_general3A_36, %sub3A_38 : vector<256x8xf32>
      %exp3A = math.exp %sub3A_39 : vector<256x8xf32>
      %reduce_sum3A = arith.constant dense<0.000000e+00> : vector<256xf32>
      %reduce_sum3A_40 = vector.multi_reduction <add>, %exp3A, %reduce_sum3A [1] : vector<256x8xf32> to vector<256xf32>
      %broadcast_in_dim3A_41 = vector.shape_cast %reduce_sum3A_40 : vector<256xf32> to vector<256x1xf32>
      %div3A = arith.constant 1.000000e+00 : f32
      %div3A_42 = vector.broadcast %div3A : f32 to vector<256x1xf32>
      %div3A_43 = arith.divf %div3A_42, %broadcast_in_dim3A_41 : vector<256x1xf32>
      %get3A_44 = arith.index_cast %get3A_23 : i32 to index
      %get3A_45 = arith.constant 0 : index
      %get3A_46 = arith.constant 0 : index
      %get3A_47 = vector.load %arg7[%get3A_44, %get3A_45, %get3A_46] : memref<2x4096x1024xf32, #tpu.memory_space<vmem>>, vector<1x4096x1024xf32>
      %get3A_48 = vector.shape_cast %get3A_47 : vector<1x4096x1024xf32> to vector<4096x1024xf32>
      %dot_general3A_49 = arith.constant dense<0.000000e+00> : vector<256x4096xf32>
      %dot_general3A_50 = tpu.matmul %get3A_32, %get3A_48, %dot_general3A_49 {dimension_numbers = #tpu.dot_dimension_numbers<[1], [1], [0], [0], [0, 0, 1, 0], [], []>, transpose_lhs_hint = false} : vector<256x1024xf32>, vector<4096x1024xf32>, vector<256x4096xf32> -> vector<256x4096xf32>
      %neg3A = arith.constant 0.000000e+00 : f32
      %neg3A_51 = vector.broadcast %neg3A : f32 to vector<256x4096xf32>
      %neg3A_52 = arith.subf %neg3A_51, %dot_general3A_50 : vector<256x4096xf32>
      %exp3A_53 = math.exp %neg3A_52 : vector<256x4096xf32>
      %add3A = arith.constant 1.000000e+00 : f32
      %add3A_54 = vector.broadcast %add3A : f32 to vector<256x4096xf32>
      %add3A_55 = arith.addf %add3A_54, %exp3A_53 : vector<256x4096xf32>
      %div3A_56 = arith.constant 1.000000e+00 : f32
      %div3A_57 = vector.broadcast %div3A_56 : f32 to vector<256x4096xf32>
      %div3A_58 = arith.divf %div3A_57, %add3A_55 : vector<256x4096xf32>
      %mul3A = arith.mulf %dot_general3A_50, %div3A_58 : vector<256x4096xf32>
      %get3A_59 = arith.index_cast %get3A_23 : i32 to index
      %get3A_60 = arith.constant 0 : index
      %get3A_61 = arith.constant 0 : index
      %get3A_62 = vector.load %arg8[%get3A_59, %get3A_60, %get3A_61] : memref<2x384x4096xf32, #tpu.memory_space<vmem>>, vector<1x384x4096xf32>
      %get3A_63 = vector.shape_cast %get3A_62 : vector<1x384x4096xf32> to vector<384x4096xf32>
      %dot_general3A_64 = arith.constant dense<0.000000e+00> : vector<256x384xf32>
      %dot_general3A_65 = tpu.matmul %mul3A, %get3A_63, %dot_general3A_64 {dimension_numbers = #tpu.dot_dimension_numbers<[1], [1], [0], [0], [0, 0, 1, 0], [], []>, transpose_lhs_hint = false} : vector<256x4096xf32>, vector<384x4096xf32>, vector<256x384xf32> -> vector<256x384xf32>
      %mul3A_66 = vector.broadcast %div3A_43 : vector<256x1xf32> to vector<256x384xf32>
      %mul3A_67 = arith.mulf %dot_general3A_65, %mul3A_66 : vector<256x384xf32>
      %swap3A = arith.constant 0 : index
      %swap3A_68 = arith.constant 0 : index
      %swap3A_69 = vector.load %arg6[%swap3A, %swap3A_68] : memref<256x1024xf32, #tpu.memory_space<vmem>>, vector<256x384xf32>
      tpu.vector_store %arg6[%swap3A, %swap3A_68], %mul3A_67 {strides = array<i32>} : memref<256x1024xf32, #tpu.memory_space<vmem>>, vector<256x384xf32>,
      %convert_element_type3A_70 = arith.extui %and3A : i1 to i32
      %cond3A_71 = arith.constant 0 : i32
      %cond3A_72 = arith.cmpi ne, %convert_element_type3A_70, %cond3A_71 : i32
      scf.if %cond3A_72 {
        %dma_wait3A = arith.constant 0 : i32
        %dma_wait3A_104 = arith.constant 384 : i32
        %dma_wait3A_105 = arith.constant 0 : i32
        %dma_wait3A_106 = tpu.memref_slice %arg4[%dma_wait3A, %dma_wait3A_104, %dma_wait3A_105] : memref<8x1024x4096xf32, #tpu.memory_space<any>> -> memref<1x640x4096xf32, #tpu.memory_space<any>>
        %dma_wait3A_107 = tpu.memref_squeeze %dma_wait3A_106 : memref<1x640x4096xf32, #tpu.memory_space<any>> -> memref<640x4096xf32, #tpu.memory_space<any>>
        tpu.wait_dma2 semaphore(%arg13 : memref<!tpu.dma_semaphore, #tpu.memory_space<semaphore_mem>>) src(%dma_wait3A_107 : memref<640x4096xf32, #tpu.memory_space<any>>) dst(%arg9 : memref<640x4096xf32, #tpu.memory_space<vmem>>)
      } else {
      }
      %get3A_73 = arith.constant 0 : index
      %get3A_74 = arith.constant 0 : index
      %get3A_75 = vector.load %arg9[%get3A_73, %get3A_74] : memref<640x4096xf32, #tpu.memory_space<vmem>>, vector<640x4096xf32>
      %dot_general3A_76 = arith.constant dense<0.000000e+00> : vector<256x640xf32>
      %dot_general3A_77 = tpu.matmul %mul3A, %get3A_75, %dot_general3A_76 {dimension_numbers = #tpu.dot_dimension_numbers<[1], [1], [0], [0], [0, 0, 1, 0], [], []>, transpose_lhs_hint = false} : vector<256x4096xf32>, vector<640x4096xf32>, vector<256x640xf32> -> vector<256x640xf32>
      %mul3A_78 = vector.broadcast %div3A_43 : vector<256x1xf32> to vector<256x640xf32>
      %mul3A_79 = arith.mulf %dot_general3A_77, %mul3A_78 : vector<256x640xf32>
      %swap3A_80 = arith.constant 0 : index
      %swap3A_81 = arith.constant 384 : index
      %swap3A_82 = vector.load %arg6[%swap3A_80, %swap3A_81] : memref<256x1024xf32, #tpu.memory_space<vmem>>, vector<256x640xf32>
      tpu.vector_store %arg6[%swap3A_80, %swap3A_81], %mul3A_79 {strides = array<i32>} : memref<256x1024xf32, #tpu.memory_space<vmem>>, vector<256x640xf32>,
      %add3A_83 = arith.constant 1 : i32
      %add3A_84 = arith.addi %arg0, %add3A_83 : i32
      %min3A_85 = arith.constant 38 : i32
      %min3A_86 = arith.minsi %add3A_84, %min3A_85 : i32
      %get3A_87 = arith.index_cast %min3A_86 : i32 to index
      %get3A_88 = memref.load %arg1[%get3A_87] : memref<128xi32, #tpu.memory_space<smem>>
      %shift_right_logical3A_89 = arith.constant 5 : i32
      %shift_right_logical3A_90 = arith.shrui %get3A_88, %shift_right_logical3A_89 : i32
      %min3A_91 = arith.constant 7 : i32
      %min3A_92 = arith.minsi %shift_right_logical3A_90, %min3A_91 : i32
      %add3A_93 = arith.constant 1 : i32
      %add3A_94 = arith.addi %arg0, %add3A_93 : i32
      %lt3A = arith.constant 39 : i32
      %lt3A_95 = arith.cmpi slt, %add3A_94, %lt3A : i32
      %ne3A_96 = arith.cmpi ne, %min3A_92, %min3A_3 : i32
      %and3A_97 = arith.andi %lt3A_95, %ne3A_96 : i1
      %ne3A_98 = arith.constant 256 : i32
      %ne3A_99 = arith.cmpi ne, %get3A_88, %ne3A_98 : i32
      %and3A_100 = arith.andi %and3A_97, %ne3A_99 : i1
      %convert_element_type3A_101 = arith.extui %and3A_100 : i1 to i32
      %cond3A_102 = arith.constant 0 : i32
      %cond3A_103 = arith.cmpi ne, %convert_element_type3A_101, %cond3A_102 : i32
      scf.if %cond3A_103 {
        %dma_start3A = arith.constant 384 : i32
        %dma_start3A_104 = arith.constant 0 : i32
        %dma_start3A_105 = tpu.memref_slice %arg4[%min3A_92, %dma_start3A, %dma_start3A_104] : memref<8x1024x4096xf32, #tpu.memory_space<any>> -> memref<1x640x4096xf32, #tpu.memory_space<any>>
        %dma_start3A_106 = tpu.memref_squeeze %dma_start3A_105 : memref<1x640x4096xf32, #tpu.memory_space<any>> -> memref<640x4096xf32, #tpu.memory_space<any>>
        tpu.enqueue_dma source(%dma_start3A_106 : memref<640x4096xf32, #tpu.memory_space<any>>) target(%arg9 : memref<640x4096xf32, #tpu.memory_space<vmem>>) target_semaphore(%arg13 : memref<!tpu.dma_semaphore, #tpu.memory_space<semaphore_mem>>)
      } else {
      }
    } else {
    }
    return
  }
  func.func @transform_0(%arg0: i32, %arg1: memref<128xi32, #tpu.memory_space<smem>>) -> (i32, i32) {
    %get3A = arith.index_cast %arg0 : i32 to index
    %get3A_0 = memref.load %arg1[%get3A] : memref<128xi32, #tpu.memory_space<smem>>
    %c0_i32 = arith.constant 0 : i32
    %c0_i32_1 = arith.constant 0 : i32
    return %get3A_0, %c0_i32 : i32, i32
  }
  func.func @transform_3(%arg0: i32, %arg1: memref<128xi32, #tpu.memory_space<smem>>) -> (i32, i32) {
    %c0_i32 = arith.constant 0 : i32
    %c0_i32_0 = arith.constant 0 : i32
    %c0_i32_1 = arith.constant 0 : i32
    return %c0_i32, %c0_i32_0 : i32, i32
  }
  func.func @transform_4(%arg0: i32, %arg1: memref<128xi32, #tpu.memory_space<smem>>) -> (i32, i32) {
    %get3A = arith.index_cast %arg0 : i32 to index
    %get3A_0 = memref.load %arg1[%get3A] : memref<128xi32, #tpu.memory_space<smem>>
    %c0_i32 = arith.constant 0 : i32
    %c0_i32_1 = arith.constant 0 : i32
    return %get3A_0, %c0_i32 : i32, i32
  }
}

</mosaic_0001>

<sc_bundles>
// kernel: kernel.6.cloned.1.call-start
scs
__scs_entry_jumppad:
0x0: {  	(pc) =	sbr.rel $0x88, $3  }
0x1: {  	(tag) =	ssettag $0x0;
	lr =	simm.s32 $0x1  }
0x2: {  	[smem:$0x3F9D] =	sst lr;
	_ =	strace $0xD0000000  }
0x3: {  	_ = 	snop  }
0x4: {  	_ = 	snop  }
0x5: {  	_ = 	snop  }
0x6: {  	_ = 	snop  }
0x7: {  	_ = 	snop  }
__scs_overlays_trampoline_lowered:
0x8: {  	[smem:$0x3FAC] =	sst s0  }
0x9: {  	[smem:$0x3FAD] =	sst s1  }
0xa: {  	[smem:$0x3FAE] =	sst s2  }
0xb: {  	[smem:$0x3FAF] =	sst s3  }
0xc: {  	[smem:$0x3FB0] =	sst s4  }
0xd: {  	[smem:$0x3FB1] =	sst s5  }
0xe: {  	[smem:$0x3FB2] =	sst s6  }
0xf: {  	[smem:$0x3FB3] =	sst s7  }
0x10: {  	[smem:$0x3FB4] =	sst s8  }
0x11: {  	[smem:$0x3FB5] =	sst s9;
	s0 =	simm.s32 @!p0 $0x0  }
0x12: {  	s1 =	sld [smem:$0x3F9B];
	s0 =	simm.s32 @p0 $0x1  }
0x13: {  	[smem:$0x3FB6] =	sst s0;
	s0 =	simm.s32 @!p1 $0x0  }
0x14: {  	s2 =	sld [smem:$0x3F9A];
	s0 =	simm.s32 @p1 $0x1  }
0x15: {  	[smem:$0x3FB7] =	sst s0;
	s0 =	simm.s32 @!p2 $0x0  }
0x16: {  	s3 =	sld [smem:$0x3FDB];
	s0 =	simm.s32 @p2 $0x1  }
0x17: {  	s4 =	simm.s32 $0x1BF5;
	[smem:$0x3FB9] =	sst s0  }
0x18: {  	s0 =	sld [smem:$0x3F9C];
	_ =	swait.ge [sflag:s4], $0x0  }
0x19: {  	s7 =	sld [smem:$0x3F9D]  }
0x1a: {  	s8 =	sadd.s32 $0xFFFFE003, lr  }
0x1b: {  	s9 =	sadd.s32 $0xFFFFFEF7, lr;
	s5 =	simm.s32 $0xFFFFFFFF;
	p2 =	slt.u32 s8, $0xFFFFF086  }
0x1c: {  	p1 =	slt.u32 s9, $0xF7A;
	s5 =	simm.s32 @!p2 $0x0  }
0x1d: {  	s5 =	simm.s32 @p1 $0x1;
	p0 =	seq.s32 s7, s2  }
0x1e: {  	s7 =	smul.u32 @!p0 $0xF7A, s2;
	p2 =	seq.s32 @!p0 s5, $0x0  }
0x1f: {  	s9 =	smul.u32 $0xF7A, s1;
	s8 =	simm.s32 @!p0 $0x1BF5;
	p2 =	por !p2, p0  }
0x20: {  	[sflag:s8] =	ssyncset.s32 @!p0 $0xFFFFF086;
	s6 =	sadd.s32 @!p0 s3, s7;
	s7 =	simm.s32 @!p0 $0x108  }
0x21: {  	s3 =	sadd.s32 s3, s9;
	s6 =	sadd.s32 @!p0 $0x88, s6;
	s7 =	simm.s32 @p2 $0x1082  }
0x22: {  	[simem:s7], [sflag:s8] =	dma.local @!p0 [hbm:s6], $0xF7A  }
0x23: {  	s9 =	sor.u32 $0xD0000000, s2;
	s6 =	simm.s32 $0x108;
	_ =	swait.ge @!p0 [sflag:s8], $0x0  }
0x24: {  	s3 =	sadd.s32 $0x88, s3;
	s6 =	simm.s32 @!p1 $0x1082;
	[sflag:s4] =	ssyncset.s32 $0xFFFFF086  }
0x25: {  	[simem:s6], [sflag:s4] =	dma.local [hbm:s3], $0xF7A  }
0x26: {  	[smem:$0x3F9D] =	sst s1;
	(tag) =	ssettag s2;
	_ =	strace s9  }
0x27: {  	s1 =	sld [smem:$0x3FAD]  }
0x28: {  	s2 =	sld [smem:$0x3FAE]  }
0x29: {  	s4 =	sld [smem:$0x3FB0]  }
0x2a: {  	p0 =	seq.s32 s5, $0x0;
	s5 =	sld [smem:$0x3FB1]  }
0x2b: {  	s6 =	sld [smem:$0x3FB2]  }
0x2c: {  	s7 =	sld [smem:$0x3FB3]  }
0x2d: {  	s3 =	simm.s32 $0x108;
	s8 =	sld [smem:$0x3FB4]  }
0x2e: {  	s3 =	simm.s32 @!p0 $0x1082;
	s9 =	sld [smem:$0x3FB5]  }
0x2f: {  	lr =	sadd.s32 s0, s3;
	s0 =	sld [smem:$0x3FAC]  }
0x30: {  	s3 =	sld [smem:$0x3FAF]  }
0x31: {  	[smem:$0x3FB8] =	sst s10  }
0x32: {  	s10 =	sld [smem:$0x3FB6];
	_ =	sdelay $0x3  }
0x33: {  	p0 =	seq.s32 s10, $0x1;
	s10 =	sld [smem:$0x3FB8];
	_ =	sdelay $0x3  }
0x34: {  	[smem:$0x3FB8] =	sst s10  }
0x35: {  	s10 =	sld [smem:$0x3FB7];
	_ =	sdelay $0x3  }
0x36: {  	p1 =	seq.s32 s10, $0x1;
	s10 =	sld [smem:$0x3FB8];
	_ =	sdelay $0x3  }
0x37: {  	[smem:$0x3FB8] =	sst s10  }
0x38: {  	s10 =	sld [smem:$0x3FB9]  }
0x39: {  	_ = 	snop;
	(pc) =	sbr.ind lr, $3  }
0x3a: {  	_ = 	snop  }
0x3b: {  	_ = 	snop  }
0x3c: {  	p2 =	seq.s32 s10, $0x1;
	s10 =	sld [smem:$0x3FB8]  }
0x3d: {  	_ =	shalt  }
0x3e: {  	_ =	shalt  }
0x3f: {  	_ =	shalt  }
0x40: {  	_ =	shalt  }
0x41: {  	_ =	shalt  }
0x42: {  	_ =	shalt  }
0x43: {  	_ =	shalt  }
0x44: {  	_ =	shalt  }
0x45: {  	_ =	shalt  }
0x46: {  	_ =	shalt  }
0x47: {  	_ =	shalt  }
0x48: {  	_ =	shalt  }
0x49: {  	_ =	shalt  }
0x4a: {  	_ =	shalt  }
0x4b: {  	_ =	shalt  }
0x4c: {  	_ =	shalt  }
0x4d: {  	_ =	shalt  }
0x4e: {  	_ =	shalt  }
0x4f: {  	_ =	shalt  }
0x50: {  	_ =	shalt  }
0x51: {  	_ =	shalt  }
0x52: {  	_ =	shalt  }
0x53: {  	_ =	shalt  }
0x54: {  	_ =	shalt  }
0x55: {  	_ =	shalt  }
0x56: {  	_ =	shalt  }
0x57: {  	_ =	shalt  }
0x58: {  	_ =	shalt  }
0x59: {  	_ =	shalt  }
0x5a: {  	_ =	shalt  }
0x5b: {  	_ =	shalt  }
0x5c: {  	_ =	shalt  }
0x5d: {  	_ =	shalt  }
0x5e: {  	_ =	shalt  }
0x5f: {  	_ =	shalt  }
0x60: {  	_ =	shalt  }
0x61: {  	_ =	shalt  }
0x62: {  	_ =	shalt  }
0x63: {  	_ =	shalt  }
0x64: {  	_ =	shalt  }
0x65: {  	_ =	shalt  }
0x66: {  	_ =	shalt  }
0x67: {  	_ =	shalt  }
0x68: {  	_ =	shalt  }
0x69: {  	_ =	shalt  }
0x6a: {  	_ =	shalt  }
0x6b: {  	_ =	shalt  }
0x6c: {  	_ =	shalt  }
0x6d: {  	_ =	shalt  }
0x6e: {  	_ =	shalt  }
0x6f: {  	_ =	shalt  }
0x70: {  	_ =	shalt  }
0x71: {  	_ =	shalt  }
0x72: {  	_ =	shalt  }
0x73: {  	_ =	shalt  }
0x74: {  	_ =	shalt  }
0x75: {  	_ =	shalt  }
0x76: {  	_ =	shalt  }
0x77: {  	_ =	shalt  }
0x78: {  	_ =	shalt  }
0x79: {  	_ =	shalt  }
0x7a: {  	_ =	shalt  }
0x7b: {  	_ =	shalt  }
0x7c: {  	_ =	shalt  }
0x7d: {  	_ =	shalt  }
0x7e: {  	_ =	shalt  }
0x7f: {  	_ =	shalt  }
0x80: {  	_ =	shalt  }
0x81: {  	_ =	shalt  }
0x82: {  	_ =	shalt  }
0x83: {  	_ =	shalt  }
0x84: {  	_ =	shalt  }
0x85: {  	_ =	shalt  }
0x86: {  	_ =	shalt  }
0x87: {  	_ =	shalt  }
.Lfunc_end0:
.L_simem_size_0:
called_computation_lowered:
.L_overlay_start_0:
0x88: {  	s2 =	sld [smem:$0x3FD9]  }
0x89: {  	s3 =	sld [smem:$0x3FFE];
	_ =	sdelay $0x1  }
0x8a: {  	s1 =	srdreg.scid  }
0x8b: {  	s0 =	sand.u32 $0x1, s1  }
0x8c: {  	s17 =	sshll.u32 s0, $0xA;
	s2 =	sadd.s32 s3, s2  }
0x8d: {  	s2 =	sadd.s32 s2, s17  }
0x8e: {  	[smem:$0x3FC4] =	sst s2  }
0x8f: {  	_ = 	snop  }
0x90: {  	s2 =	sld [smem:$0x3FC9];
	(tm) =	ssettm $0x1  }
0x91: {  	s18 =	sld [smem:$0x3FFB];
	_ =	sdelay $0x3  }
0x92: {  	_ =	strace s18  }
0x93: {  	s3 =	sld [smem:$0x3FFC];
	_ =	sdelay $0x3  }
0x94: {  	_ =	strace s3  }
0x95: {  	s3 =	sld [smem:$0x3FFD];
	_ =	sdelay $0x3  }
0x96: {  	_ =	strace s3  }
0x97: {  	_ =	strace $0x8FFFFFFF  }
0x98: {  	s19 =	sld [smem:$0x3FDB];
	_ =	sdelay $0x1  }
0x99: {  	s4 =	simm.s32 $_scs_section_size  }
0x9a: {  	s5 =	simm.s32 $_size__tile_overlayer_lowered;
	s6 =	simm.s32 $_tile_overlayer_lowered  }
0x9b: {  	s22 =	simm.s32 $0x1BFF;
	s21 =	sshll.u32 s6, $0x1;
	s3 =	sadd.s32 s4, s19  }
0x9c: {  	s7 =	simm.s32 $0x0;
	s20 =	sshll.u32 s5, $0x1;
	s5 =	sadd.s32 s21, s3  }
0x9d: {  	[timem:s7], [sflag:s22] =	dma.local [hbm:s5], s20  }
0x9e: {  	_ =	swait.ge [sflag:s22], s20  }
0x9f: {  	s4 =	ssub.s32 $0x0, s20;
	[sflag:s22] =	ssyncset.done $0x0  }
0xa0: {  	[sflag:s22] =	ssyncadd.s32 s4;
	_ =	sdelay $0x1  }
0xa1: {  	s23 =	simm.s32 $0x1B8B  }
0xa2: {  	_ =	swait.ge [sflag:s23], $0x1  }
0xa3: {  	[sflag:s23] =	ssyncset.done $0x0  }
0xa4: {  	s25 =	simm.s32 $0x1B8E;
	s24 =	sld [smem:$0x3FFE];
	[sflag:s23] =	ssyncadd.s32 $0xFFFFFFFF  }
0xa5: {  	s26 =	simm.s32 $execute0_lowered;
	[smem:$0x3FD2] =	sst s25  }
0xa6: {  	s5 =	sshll.u32 s26, $0x1;
	_ =	strace $0x80000046;
	[dreg:$0x1] =	wrdreg $0xFFFFFFFF  }
0xa7: {  	s28 =	simm.s32 $_size_execute0_lowered;
	s3 =	sadd.s32 s3, s5;
	[dreg:$0x0] =	wrdreg $0x0  }
0xa8: {  	s5 =	sshll.u32 s28, $0x1;
	[dreg:$0x2] =	wrdreg s3  }
0xa9: {  	[dreg:$0x3] =	wrdreg s5  }
0xaa: {  	[dreg:$0x4] =	wrdreg $0xC0  }
0xab: {  	_ =	task [dreg:s7], $0x5FFFF  }
0xac: {  	[dreg:$0x1] =	wrdreg $0xFFFFFFFF  }
0xad: {  	[dreg:$0x0] =	wrdreg $0x60  }
0xae: {  	[dreg:$0x2] =	wrdreg s2  }
0xaf: {  	[dreg:$0x3] =	wrdreg s24  }
0xb0: {  	[dreg:$0x4] =	wrdreg $0x9  }
0xb1: {  	_ =	task.clear_ibuf [dreg:s7], $0x5FFFF;
	_ =	strace $0x90000046  }
0xb2: {  	s29 =	simm.s32 $0x9;
	_ =	strace $0x80000048  }
0xb3: {  	_ =	swait.ge [sflag:s29], $0x1  }
0xb4: {  	[sflag:s29] =	ssyncadd.s32 $0xFFFFFFFF  }
0xb5: {  	_ =	strace $0x90000048  }
0xb6: {  	_ =	sfence  }
0xb7: {  	s30 =	sld [smem:$0x0];
	_ =	sdelay $0x2  }
0xb8: {  	s31 =	sshll.u32 s1, $0xD;
	s1 =	sshrl.u32 s1, $0x2  }
0xb9: {  	s3 =	sand.u32 $0x4000, s31;
	s1 =	sadd.s32 s1, s30  }
0xba: {  	s0 =	sor.u32 s3, s0;
	s1 =	sshll.u32 s1, $0x11  }
0xbb: {  	s0 =	sor.u32 s1, s0  }
0xbc: {  	s0 =	sadd.s32 $0x8F2B, s0  }
0xbd: {  	[sflag:s0] =	ssyncadd.remote.s32 $0x1  }
0xbe: {  	_ =	sfence.sel $0xFFFF  }
0xbf: {  	[dreg:$0x0] =	wrdreg $0xFFFFFFFF;
	(pc) =	sbr.abs _section_cstart, $3  }
0xc0: {  	[dreg:$0x1] =	wrdreg $0xFFFFFFFF  }
0xc1: {  	_ =	task.clear_ibuf [dreg:s7], $0x2FFFF;
	_ =	strace $0x9FFFFFFF  }
0xc2: {  	(tm) =	ssettm $0x7FFFFFFF  }
0xc3: {  	_ =	shalt  }
tec
execute0_lowered:
.L_overlay_start_1:
0x0: {  	(tag) =	ssettag $0x1  }
0x1: {  	s0 =	srdreg.scid  }
0x2: {  	s2 =	stileid.u32;
	s1 =	rddreg [dreg:$0x0]  }
0x3: {  	s3 =	rddreg [dreg:$0x1];
	s12 =	simm.s32 $0x1;
	s30 =	simm.s32 $0x2  }
0x4: {  	s11 =	simm.s32 $0x400;
	s10 =	simm.s32 $0x10400;
	s31 =	simm.s32 $0xAC00  }
0x5: {  	s28 =	simm.s32 $0xBC00;
	s29 =	simm.s32 $0xC400;
	s9 =	simm.s32 $0x11C00  }
0x6: {  	s13 =	simm.s32 $0x12400;
	s14 =	simm.s32 $0x12C00;
	s15 =	simm.s32 $0x13400  }
0x7: {  	s16 =	simm.s32 $0x13C00;
	s17 =	simm.s32 $0x14400;
	s18 =	simm.s32 $0x14C00  }
0x8: {  	s19 =	simm.s32 $0x15400;
	s0 =	sand.u32 $0x1, s0;
	s2 =	sshll.u32 s2, $0x1  }
0x9: {  	s6 =	sadd.s32 $0x2000, s3;
	s4 =	sor.u32 s0, s2;
	s2 =	simm.s32 $0x0  }
0xa: {  	s0 =	ssub.s32 $0x2, s0;
	s5 =	sshll.u32 s4, $0x7;
	s4 =	sshll.u32 s4, $0xF  }
0xb: {  	[smem:$0x7FF] =	sst s2;
	s5 =	sadd.s32 s5, s3;
	s7 =	sadd.s32 s1, s4  }
0xc: {  	_ =	strace $0x80000047;
	s5 =	sadd.s32 $0xE00, s5;
	[dreg:$0xb] =	wrdreg s7  }
0xd: {  	s22 =	sshrl.u32 s0, $0x1;
	s1 =	sadd.s32 $0x1000, s7;
	[dreg:$0x3] =	wrdreg s5  }
0xe: {  	s4 =	sadd.s32 $0x1E00, s3;
	s20 =	sadd.s32 $0x2000, s7;
	[dreg:$0x4] =	wrdreg s1  }
0xf: {  	s0 =	ssub.s32 s0, s22;
	s21 =	sadd.s32 $0x3000, s7;
	[dreg:$0x5] =	wrdreg s20  }
0x10: {  	s22 =	simm.s32 $0x16C00;
	s23 =	sadd.s32 $0x4000, s7;
	[dreg:$0x6] =	wrdreg s21  }
0x11: {  	s24 =	sadd.s32 $0x5000, s7;
	s25 =	sadd.s32 $0x6000, s7;
	[dreg:$0x7] =	wrdreg s23  }
0x12: {  	s26 =	sadd.s32 $0x7000, s7;
	s7 =	sadd.s32 $0x2100, s3;
	[dreg:$0x8] =	wrdreg s24  }
0x13: {  	v2 =	vlaneseq.u32;
	s8 =	smax.u32 s0, $0x1;
	s5 =	sadd.s32 $0x1F00, s3;
	[dreg:$0x9] =	wrdreg s25  }
0x14: {  	vm0 =	vmmov $0xffff;
	v1 =	vshrl.u32 v2, $0x3;
	[dreg:$0xa] =	wrdreg s26;
	s26 =	simm.s32 $0xB400;
	s3 =	simm.s32 $0x11400  }
0x15: {  	v0 =	vand.u32 $0x7, v2;
	v2 =	vor.u32 $0x8, v2;
	v1 =	vmul.u32 $0x8, v1;
	s20 =	simm.s32 $0x15C00;
	s21 =	simm.s32 $0x16400;
	s23 =	simm.s32 $0x17400  }
.LBB2_1:
0x16: {  	s24 =	rddreg [dreg:$0x3];
	s0 =	simm.s32 $0x3  }
0x17: {  	[tilespmem:s2], [sflag:$0x3] =	stream.linear.gather [hbm4b:s24+s2], $0x400, $0x38;
	[tilespmem:$0x18400] =	vst v63  }
0x18: {  	_ =	swait.ge [sflag:s0], $0x400  }
0x19: {  	[sflag:s0] =	ssyncset.done $0x0  }
0x1a: {  	s25 =	rddreg [dreg:$0xb];
	[sflag:s0] =	ssyncadd.s32 $0xFFFFFC00  }
0x1b: {  	[tilespmem:s11], [sflag:$0x1] =	stream.linear.gather [hbm4b:s25+s2], $0x8000, $0x38;
	[tilespmem:$0x18400] =	vst v63  }
0x1c: {  	s1 =	rddreg [dreg:$0x4];
	s0 =	simm.s32 $0x8400  }
0x1d: {  	[tilespmem:s0], [sflag:$0x1] =	stream.linear.gather [hbm4b:s1+s2], $0x8000, $0x38;
	[tilespmem:$0x18400] =	vst v63  }
0x1e: {  	_ =	swait.ge [sflag:s12], $0x8000  }
0x1f: {  	[sflag:s12] =	ssyncset.done $0x0  }
0x20: {  	s1 =	rddreg [dreg:$0x5];
	[sflag:s12] =	ssyncadd.s32 $0xFFFF8000  }
0x21: {  	[tilespmem:s10], [sflag:$0x1] =	stream.linear.gather [hbm4b:s1+s2], $0x8000, $0x38;
	[tilespmem:$0x18400] =	vst v63  }
0x22: {  	v3 =	vld [tilespmem:$0x0];
	_ =	sdelay $0x4  }
0x23: {  	v4 =	vshll.u32 v3, $0x3  }
0x24: {  	v3 =	vand.u32 $0x7, v3;
	v4 =	vand.u32 $0xFFFFFFC0, v4  }
0x25: {  	v3 =	vor.u32 v3, v4  }
0x26: {  	v4 =	vperm.xlane v3, v0;
	_ =	sdelay $0x1  }
0x27: {  	v4 =	vadd.s32 v1, v4;
	_ =	sdelay $0x4  }
0x28: {  	[hbm4b:s4+s2] =	stream.indirect_vreg.scatter [tilespmem:s11], [sflag:$0x2], $0x80, v4, vm0, $0xb8;
	[tilespmem:$0x18400] =	vst v63  }
0x29: {  	s1 =	simm.s32 $0xC00;
	v3 =	vperm.xlane v3, v2  }
0x2a: {  	[hbm4b:s5+s2] =	stream.indirect_vreg.scatter [tilespmem:s1], [sflag:$0x2], $0x80, v4, vm0, $0xb8;
	[tilespmem:$0x18400] =	vst v63  }
0x2b: {  	s24 =	simm.s32 $0x1400;
	v3 =	vadd.s32 v1, v3  }
0x2c: {  	[hbm4b:s6+s2] =	stream.indirect_vreg.scatter [tilespmem:s24], [sflag:$0x2], $0x80, v4, vm0, $0xb8;
	[tilespmem:$0x18400] =	vst v63  }
0x2d: {  	s25 =	simm.s32 $0x1C00  }
0x2e: {  	[hbm4b:s7+s2] =	stream.indirect_vreg.scatter [tilespmem:s25], [sflag:$0x2], $0x80, v4, vm0, $0xb8;
	[tilespmem:$0x18400] =	vst v63  }
0x2f: {  	s24 =	simm.s32 $0x2400  }
0x30: {  	[hbm4b:s4+s2] =	stream.indirect_vreg.scatter [tilespmem:s24], [sflag:$0x2], $0x80, v3, vm0, $0xb8;
	[tilespmem:$0x18400] =	vst v63  }
0x31: {  	s25 =	simm.s32 $0x2C00  }
0x32: {  	[hbm4b:s5+s2] =	stream.indirect_vreg.scatter [tilespmem:s25], [sflag:$0x2], $0x80, v3, vm0, $0xb8;
	[tilespmem:$0x18400] =	vst v63  }
0x33: {  	s24 =	simm.s32 $0x3400  }
0x34: {  	[hbm4b:s6+s2] =	stream.indirect_vreg.scatter [tilespmem:s24], [sflag:$0x2], $0x80, v3, vm0, $0xb8;
	[tilespmem:$0x18400] =	vst v63  }
0x35: {  	s25 =	simm.s32 $0x3C00  }
0x36: {  	[hbm4b:s7+s2] =	stream.indirect_vreg.scatter [tilespmem:s25], [sflag:$0x2], $0x80, v3, vm0, $0xb8;
	[tilespmem:$0x18400] =	vst v63  }
0x37: {  	v3 =	vld [tilespmem:$0x10];
	_ =	sdelay $0x4  }
0x38: {  	v49 =	vshll.u32 v3, $0x3  }
0x39: {  	v3 =	vand.u32 $0x7, v3;
	v4 =	vand.u32 $0xFFFFFFC0, v49  }
0x3a: {  	v3 =	vor.u32 v3, v4  }
0x3b: {  	v4 =	vperm.xlane v3, v0;
	_ =	sdelay $0x1  }
0x3c: {  	v4 =	vadd.s32 v1, v4;
	_ =	sdelay $0x3  }
0x3d: {  	s24 =	simm.s32 $0x4400  }
0x3e: {  	[hbm4b:s4+s2] =	stream.indirect_vreg.scatter [tilespmem:s24], [sflag:$0x2], $0x80, v4, vm0, $0xb8;
	[tilespmem:$0x18400] =	vst v63  }
0x3f: {  	s25 =	simm.s32 $0x4C00;
	v3 =	vperm.xlane v3, v2  }
0x40: {  	[hbm4b:s5+s2] =	stream.indirect_vreg.scatter [tilespmem:s25], [sflag:$0x2], $0x80, v4, vm0, $0xb8;
	[tilespmem:$0x18400] =	vst v63  }
0x41: {  	v3 =	vadd.s32 v1, v3;
	s24 =	simm.s32 $0x5400  }
0x42: {  	[hbm4b:s6+s2] =	stream.indirect_vreg.scatter [tilespmem:s24], [sflag:$0x2], $0x80, v4, vm0, $0xb8;
	[tilespmem:$0x18400] =	vst v63  }
0x43: {  	s25 =	simm.s32 $0x5C00  }
0x44: {  	[hbm4b:s7+s2] =	stream.indirect_vreg.scatter [tilespmem:s25], [sflag:$0x2], $0x80, v4, vm0, $0xb8;
	[tilespmem:$0x18400] =	vst v63  }
0x45: {  	s24 =	simm.s32 $0x6400  }
0x46: {  	[hbm4b:s4+s2] =	stream.indirect_vreg.scatter [tilespmem:s24], [sflag:$0x2], $0x80, v3, vm0, $0xb8;
	[tilespmem:$0x18400] =	vst v63  }
0x47: {  	s25 =	simm.s32 $0x6C00  }
0x48: {  	[hbm4b:s5+s2] =	stream.indirect_vreg.scatter [tilespmem:s25], [sflag:$0x2], $0x80, v3, vm0, $0xb8;
	[tilespmem:$0x18400] =	vst v63  }
0x49: {  	s24 =	simm.s32 $0x7400  }
0x4a: {  	[hbm4b:s6+s2] =	stream.indirect_vreg.scatter [tilespmem:s24], [sflag:$0x2], $0x80, v3, vm0, $0xb8;
	[tilespmem:$0x18400] =	vst v63  }
0x4b: {  	s25 =	simm.s32 $0x7C00  }
0x4c: {  	[hbm4b:s7+s2] =	stream.indirect_vreg.scatter [tilespmem:s25], [sflag:$0x2], $0x80, v3, vm0, $0xb8;
	[tilespmem:$0x18400] =	vst v63  }
0x4d: {  	_ =	swait.ge [sflag:s12], $0x8000  }
0x4e: {  	[sflag:s12] =	ssyncset.done $0x0  }
0x4f: {  	[sflag:s12] =	ssyncadd.s32 $0xFFFF8000  }
0x50: {  	_ =	swait.ge [sflag:s30], $0x8000  }
0x51: {  	[sflag:s30] =	ssyncset.done $0x0  }
0x52: {  	s1 =	rddreg [dreg:$0x6];
	[sflag:s30] =	ssyncadd.s32 $0xFFFF8000  }
0x53: {  	[tilespmem:s11], [sflag:$0x1] =	stream.linear.gather [hbm4b:s1+s2], $0x8000, $0x38;
	[tilespmem:$0x18400] =	vst v63  }
0x54: {  	v3 =	vld [tilespmem:$0x80];
	_ =	sdelay $0x4  }
0x55: {  	v50 =	vshll.u32 v3, $0x3  }
0x56: {  	v3 =	vand.u32 $0x7, v3;
	v4 =	vand.u32 $0xFFFFFFC0, v50  }
0x57: {  	v3 =	vor.u32 v3, v4  }
0x58: {  	v4 =	vperm.xlane v3, v0;
	_ =	sdelay $0x1  }
0x59: {  	v4 =	vadd.s32 v1, v4;
	_ =	sdelay $0x4  }
0x5a: {  	[hbm4b:s4+s2] =	stream.indirect_vreg.scatter [tilespmem:s0], [sflag:$0x2], $0x80, v4, vm0, $0xb8;
	[tilespmem:$0x18400] =	vst v63  }
0x5b: {  	s25 =	simm.s32 $0x8C00;
	v3 =	vperm.xlane v3, v2  }
0x5c: {  	[hbm4b:s5+s2] =	stream.indirect_vreg.scatter [tilespmem:s25], [sflag:$0x2], $0x80, v4, vm0, $0xb8;
	[tilespmem:$0x18400] =	vst v63  }
0x5d: {  	s24 =	simm.s32 $0x9400;
	v3 =	vadd.s32 v1, v3  }
0x5e: {  	[hbm4b:s6+s2] =	stream.indirect_vreg.scatter [tilespmem:s24], [sflag:$0x2], $0x80, v4, vm0, $0xb8;
	[tilespmem:$0x18400] =	vst v63  }
0x5f: {  	s25 =	simm.s32 $0x9C00  }
0x60: {  	[hbm4b:s7+s2] =	stream.indirect_vreg.scatter [tilespmem:s25], [sflag:$0x2], $0x80, v4, vm0, $0xb8;
	[tilespmem:$0x18400] =	vst v63  }
0x61: {  	s24 =	simm.s32 $0xA400  }
0x62: {  	[hbm4b:s4+s2] =	stream.indirect_vreg.scatter [tilespmem:s24], [sflag:$0x2], $0x80, v3, vm0, $0xb8;
	[tilespmem:$0x18400] =	vst v63  }
0x63: {  	_ = 	snop  }
0x64: {  	[hbm4b:s5+s2] =	stream.indirect_vreg.scatter [tilespmem:s31], [sflag:$0x2], $0x80, v3, vm0, $0xb8;
	[tilespmem:$0x18400] =	vst v63  }
0x65: {  	_ = 	snop  }
0x66: {  	[hbm4b:s6+s2] =	stream.indirect_vreg.scatter [tilespmem:s26], [sflag:$0x2], $0x80, v3, vm0, $0xb8;
	[tilespmem:$0x18400] =	vst v63  }
0x67: {  	_ = 	snop  }
0x68: {  	[hbm4b:s7+s2] =	stream.indirect_vreg.scatter [tilespmem:s28], [sflag:$0x2], $0x80, v3, vm0, $0xb8;
	[tilespmem:$0x18400] =	vst v63  }
0x69: {  	v3 =	vld [tilespmem:$0x90];
	_ =	sdelay $0x4  }
0x6a: {  	v51 =	vshll.u32 v3, $0x3  }
0x6b: {  	v3 =	vand.u32 $0x7, v3;
	v4 =	vand.u32 $0xFFFFFFC0, v51  }
0x6c: {  	v3 =	vor.u32 v3, v4  }
0x6d: {  	v4 =	vperm.xlane v3, v0;
	_ =	sdelay $0x1  }
0x6e: {  	v4 =	vadd.s32 v1, v4;
	_ =	sdelay $0x4  }
0x6f: {  	[hbm4b:s4+s2] =	stream.indirect_vreg.scatter [tilespmem:s29], [sflag:$0x2], $0x80, v4, vm0, $0xb8;
	[tilespmem:$0x18400] =	vst v63  }
0x70: {  	s25 =	simm.s32 $0xCC00;
	v3 =	vperm.xlane v3, v2  }
0x71: {  	[hbm4b:s5+s2] =	stream.indirect_vreg.scatter [tilespmem:s25], [sflag:$0x2], $0x80, v4, vm0, $0xb8;
	[tilespmem:$0x18400] =	vst v63  }
0x72: {  	s24 =	simm.s32 $0xD400;
	v3 =	vadd.s32 v1, v3  }
0x73: {  	[hbm4b:s6+s2] =	stream.indirect_vreg.scatter [tilespmem:s24], [sflag:$0x2], $0x80, v4, vm0, $0xb8;
	[tilespmem:$0x18400] =	vst v63  }
0x74: {  	s25 =	simm.s32 $0xDC00  }
0x75: {  	[hbm4b:s7+s2] =	stream.indirect_vreg.scatter [tilespmem:s25], [sflag:$0x2], $0x80, v4, vm0, $0xb8;
	[tilespmem:$0x18400] =	vst v63  }
0x76: {  	s24 =	simm.s32 $0xE400  }
0x77: {  	[hbm4b:s4+s2] =	stream.indirect_vreg.scatter [tilespmem:s24], [sflag:$0x2], $0x80, v3, vm0, $0xb8;
	[tilespmem:$0x18400] =	vst v63  }
0x78: {  	s25 =	simm.s32 $0xEC00  }
0x79: {  	[hbm4b:s5+s2] =	stream.indirect_vreg.scatter [tilespmem:s25], [sflag:$0x2], $0x80, v3, vm0, $0xb8;
	[tilespmem:$0x18400] =	vst v63  }
0x7a: {  	s24 =	simm.s32 $0xF400  }
0x7b: {  	[hbm4b:s6+s2] =	stream.indirect_vreg.scatter [tilespmem:s24], [sflag:$0x2], $0x80, v3, vm0, $0xb8;
	[tilespmem:$0x18400] =	vst v63  }
0x7c: {  	s25 =	simm.s32 $0xFC00  }
0x7d: {  	[hbm4b:s7+s2] =	stream.indirect_vreg.scatter [tilespmem:s25], [sflag:$0x2], $0x80, v3, vm0, $0xb8;
	[tilespmem:$0x18400] =	vst v63  }
0x7e: {  	_ =	swait.ge [sflag:s12], $0x8000  }
0x7f: {  	[sflag:s12] =	ssyncset.done $0x0  }
0x80: {  	[sflag:s12] =	ssyncadd.s32 $0xFFFF8000  }
0x81: {  	_ =	swait.ge [sflag:s30], $0x8000  }
0x82: {  	[sflag:s30] =	ssyncset.done $0x0  }
0x83: {  	s1 =	rddreg [dreg:$0x7];
	[sflag:s30] =	ssyncadd.s32 $0xFFFF8000  }
0x84: {  	[tilespmem:s0], [sflag:$0x1] =	stream.linear.gather [hbm4b:s1+s2], $0x8000, $0x38;
	[tilespmem:$0x18400] =	vst v63  }
0x85: {  	v3 =	vld [tilespmem:$0x100];
	_ =	sdelay $0x4  }
0x86: {  	v52 =	vshll.u32 v3, $0x3  }
0x87: {  	v3 =	vand.u32 $0x7, v3;
	v4 =	vand.u32 $0xFFFFFFC0, v52  }
0x88: {  	v3 =	vor.u32 v3, v4  }
0x89: {  	v4 =	vperm.xlane v3, v0;
	_ =	sdelay $0x1  }
0x8a: {  	v4 =	vadd.s32 v1, v4;
	_ =	sdelay $0x4  }
0x8b: {  	[hbm4b:s4+s2] =	stream.indirect_vreg.scatter [tilespmem:s10], [sflag:$0x2], $0x80, v4, vm0, $0xb8;
	[tilespmem:$0x18400] =	vst v63  }
0x8c: {  	s1 =	simm.s32 $0x10C00;
	v3 =	vperm.xlane v3, v2  }
0x8d: {  	[hbm4b:s5+s2] =	stream.indirect_vreg.scatter [tilespmem:s1], [sflag:$0x2], $0x80, v4, vm0, $0xb8;
	[tilespmem:$0x18400] =	vst v63  }
0x8e: {  	v3 =	vadd.s32 v1, v3  }
0x8f: {  	[hbm4b:s6+s2] =	stream.indirect_vreg.scatter [tilespmem:s3], [sflag:$0x2], $0x80, v4, vm0, $0xb8;
	[tilespmem:$0x18400] =	vst v63  }
0x90: {  	_ = 	snop  }
0x91: {  	[hbm4b:s7+s2] =	stream.indirect_vreg.scatter [tilespmem:s9], [sflag:$0x2], $0x80, v4, vm0, $0xb8;
	[tilespmem:$0x18400] =	vst v63  }
0x92: {  	_ = 	snop  }
0x93: {  	[hbm4b:s4+s2] =	stream.indirect_vreg.scatter [tilespmem:s13], [sflag:$0x2], $0x80, v3, vm0, $0xb8;
	[tilespmem:$0x18400] =	vst v63  }
0x94: {  	_ = 	snop  }
0x95: {  	[hbm4b:s5+s2] =	stream.indirect_vreg.scatter [tilespmem:s14], [sflag:$0x2], $0x80, v3, vm0, $0xb8;
	[tilespmem:$0x18400] =	vst v63  }
0x96: {  	_ = 	snop  }
0x97: {  	[hbm4b:s6+s2] =	stream.indirect_vreg.scatter [tilespmem:s15], [sflag:$0x2], $0x80, v3, vm0, $0xb8;
	[tilespmem:$0x18400] =	vst v63  }
0x98: {  	_ = 	snop  }
0x99: {  	[hbm4b:s7+s2] =	stream.indirect_vreg.scatter [tilespmem:s16], [sflag:$0x2], $0x80, v3, vm0, $0xb8;
	[tilespmem:$0x18400] =	vst v63  }
0x9a: {  	v3 =	vld [tilespmem:$0x110];
	_ =	sdelay $0x4  }
0x9b: {  	v53 =	vshll.u32 v3, $0x3  }
0x9c: {  	v3 =	vand.u32 $0x7, v3;
	v4 =	vand.u32 $0xFFFFFFC0, v53  }
0x9d: {  	v3 =	vor.u32 v3, v4  }
0x9e: {  	v4 =	vperm.xlane v3, v0;
	_ =	sdelay $0x1  }
0x9f: {  	v4 =	vadd.s32 v1, v4;
	_ =	sdelay $0x4  }
0xa0: {  	[hbm4b:s4+s2] =	stream.indirect_vreg.scatter [tilespmem:s17], [sflag:$0x2], $0x80, v4, vm0, $0xb8;
	[tilespmem:$0x18400] =	vst v63  }
0xa1: {  	v3 =	vperm.xlane v3, v2  }
0xa2: {  	[hbm4b:s5+s2] =	stream.indirect_vreg.scatter [tilespmem:s18], [sflag:$0x2], $0x80, v4, vm0, $0xb8;
	[tilespmem:$0x18400] =	vst v63  }
0xa3: {  	v3 =	vadd.s32 v1, v3  }
0xa4: {  	[hbm4b:s6+s2] =	stream.indirect_vreg.scatter [tilespmem:s19], [sflag:$0x2], $0x80, v4, vm0, $0xb8;
	[tilespmem:$0x18400] =	vst v63  }
0xa5: {  	_ = 	snop  }
0xa6: {  	[hbm4b:s7+s2] =	stream.indirect_vreg.scatter [tilespmem:s20], [sflag:$0x2], $0x80, v4, vm0, $0xb8;
	[tilespmem:$0x18400] =	vst v63  }
0xa7: {  	_ = 	snop  }
0xa8: {  	[hbm4b:s4+s2] =	stream.indirect_vreg.scatter [tilespmem:s21], [sflag:$0x2], $0x80, v3, vm0, $0xb8;
	[tilespmem:$0x18400] =	vst v63  }
0xa9: {  	_ = 	snop  }
0xaa: {  	[hbm4b:s5+s2] =	stream.indirect_vreg.scatter [tilespmem:s22], [sflag:$0x2], $0x80, v3, vm0, $0xb8;
	[tilespmem:$0x18400] =	vst v63  }
0xab: {  	_ = 	snop  }
0xac: {  	[hbm4b:s6+s2] =	stream.indirect_vreg.scatter [tilespmem:s23], [sflag:$0x2], $0x80, v3, vm0, $0xb8;
	[tilespmem:$0x18400] =	vst v63  }
0xad: {  	s25 =	simm.s32 $0x17C00  }
0xae: {  	[hbm4b:s7+s2] =	stream.indirect_vreg.scatter [tilespmem:s25], [sflag:$0x2], $0x80, v3, vm0, $0xb8;
	[tilespmem:$0x18400] =	vst v63  }
0xaf: {  	_ =	swait.ge [sflag:s12], $0x8000  }
0xb0: {  	[sflag:s12] =	ssyncset.done $0x0  }
0xb1: {  	[sflag:s12] =	ssyncadd.s32 $0xFFFF8000  }
0xb2: {  	_ =	swait.ge [sflag:s30], $0x8000  }
0xb3: {  	[sflag:s30] =	ssyncset.done $0x0  }
0xb4: {  	s24 =	rddreg [dreg:$0x8];
	[sflag:s30] =	ssyncadd.s32 $0xFFFF8000  }
0xb5: {  	[tilespmem:s10], [sflag:$0x1] =	stream.linear.gather [hbm4b:s24+s2], $0x8000, $0x38;
	[tilespmem:$0x18400] =	vst v63  }
0xb6: {  	v3 =	vld [tilespmem:$0x180];
	_ =	sdelay $0x4  }
0xb7: {  	v54 =	vshll.u32 v3, $0x3  }
0xb8: {  	v3 =	vand.u32 $0x7, v3;
	v4 =	vand.u32 $0xFFFFFFC0, v54  }
0xb9: {  	v3 =	vor.u32 v3, v4  }
0xba: {  	v4 =	vperm.xlane v3, v0;
	_ =	sdelay $0x1  }
0xbb: {  	v4 =	vadd.s32 v1, v4;
	_ =	sdelay $0x4  }
0xbc: {  	[hbm4b:s4+s2] =	stream.indirect_vreg.scatter [tilespmem:s11], [sflag:$0x2], $0x80, v4, vm0, $0xb8;
	[tilespmem:$0x18400] =	vst v63  }
0xbd: {  	s24 =	simm.s32 $0xC00;
	v3 =	vperm.xlane v3, v2  }
0xbe: {  	[hbm4b:s5+s2] =	stream.indirect_vreg.scatter [tilespmem:s24], [sflag:$0x2], $0x80, v4, vm0, $0xb8;
	[tilespmem:$0x18400] =	vst v63  }
0xbf: {  	v3 =	vadd.s32 v1, v3;
	s24 =	simm.s32 $0x1400  }
0xc0: {  	[hbm4b:s6+s2] =	stream.indirect_vreg.scatter [tilespmem:s24], [sflag:$0x2], $0x80, v4, vm0, $0xb8;
	[tilespmem:$0x18400] =	vst v63  }
0xc1: {  	s24 =	simm.s32 $0x1C00  }
0xc2: {  	[hbm4b:s7+s2] =	stream.indirect_vreg.scatter [tilespmem:s24], [sflag:$0x2], $0x80, v4, vm0, $0xb8;
	[tilespmem:$0x18400] =	vst v63  }
0xc3: {  	s24 =	simm.s32 $0x2400  }
0xc4: {  	[hbm4b:s4+s2] =	stream.indirect_vreg.scatter [tilespmem:s24], [sflag:$0x2], $0x80, v3, vm0, $0xb8;
	[tilespmem:$0x18400] =	vst v63  }
0xc5: {  	s24 =	simm.s32 $0x2C00  }
0xc6: {  	[hbm4b:s5+s2] =	stream.indirect_vreg.scatter [tilespmem:s24], [sflag:$0x2], $0x80, v3, vm0, $0xb8;
	[tilespmem:$0x18400] =	vst v63  }
0xc7: {  	s24 =	simm.s32 $0x3400  }
0xc8: {  	[hbm4b:s6+s2] =	stream.indirect_vreg.scatter [tilespmem:s24], [sflag:$0x2], $0x80, v3, vm0, $0xb8;
	[tilespmem:$0x18400] =	vst v63  }
0xc9: {  	s24 =	simm.s32 $0x3C00  }
0xca: {  	[hbm4b:s7+s2] =	stream.indirect_vreg.scatter [tilespmem:s24], [sflag:$0x2], $0x80, v3, vm0, $0xb8;
	[tilespmem:$0x18400] =	vst v63  }
0xcb: {  	v3 =	vld [tilespmem:$0x190];
	_ =	sdelay $0x4  }
0xcc: {  	v55 =	vshll.u32 v3, $0x3  }
0xcd: {  	v3 =	vand.u32 $0x7, v3;
	v4 =	vand.u32 $0xFFFFFFC0, v55  }
0xce: {  	v3 =	vor.u32 v3, v4  }
0xcf: {  	v4 =	vperm.xlane v3, v0;
	_ =	sdelay $0x1  }
0xd0: {  	v4 =	vadd.s32 v1, v4;
	_ =	sdelay $0x3  }
0xd1: {  	s24 =	simm.s32 $0x4400  }
0xd2: {  	[hbm4b:s4+s2] =	stream.indirect_vreg.scatter [tilespmem:s24], [sflag:$0x2], $0x80, v4, vm0, $0xb8;
	[tilespmem:$0x18400] =	vst v63  }
0xd3: {  	v3 =	vperm.xlane v3, v2;
	s24 =	simm.s32 $0x4C00  }
0xd4: {  	[hbm4b:s5+s2] =	stream.indirect_vreg.scatter [tilespmem:s24], [sflag:$0x2], $0x80, v4, vm0, $0xb8;
	[tilespmem:$0x18400] =	vst v63  }
0xd5: {  	v3 =	vadd.s32 v1, v3;
	s24 =	simm.s32 $0x5400  }
0xd6: {  	[hbm4b:s6+s2] =	stream.indirect_vreg.scatter [tilespmem:s24], [sflag:$0x2], $0x80, v4, vm0, $0xb8;
	[tilespmem:$0x18400] =	vst v63  }
0xd7: {  	s24 =	simm.s32 $0x5C00  }
0xd8: {  	[hbm4b:s7+s2] =	stream.indirect_vreg.scatter [tilespmem:s24], [sflag:$0x2], $0x80, v4, vm0, $0xb8;
	[tilespmem:$0x18400] =	vst v63  }
0xd9: {  	s24 =	simm.s32 $0x6400  }
0xda: {  	[hbm4b:s4+s2] =	stream.indirect_vreg.scatter [tilespmem:s24], [sflag:$0x2], $0x80, v3, vm0, $0xb8;
	[tilespmem:$0x18400] =	vst v63  }
0xdb: {  	s24 =	simm.s32 $0x6C00  }
0xdc: {  	[hbm4b:s5+s2] =	stream.indirect_vreg.scatter [tilespmem:s24], [sflag:$0x2], $0x80, v3, vm0, $0xb8;
	[tilespmem:$0x18400] =	vst v63  }
0xdd: {  	s24 =	simm.s32 $0x7400  }
0xde: {  	[hbm4b:s6+s2] =	stream.indirect_vreg.scatter [tilespmem:s24], [sflag:$0x2], $0x80, v3, vm0, $0xb8;
	[tilespmem:$0x18400] =	vst v63  }
0xdf: {  	s24 =	simm.s32 $0x7C00  }
0xe0: {  	[hbm4b:s7+s2] =	stream.indirect_vreg.scatter [tilespmem:s24], [sflag:$0x2], $0x80, v3, vm0, $0xb8;
	[tilespmem:$0x18400] =	vst v63  }
0xe1: {  	_ =	swait.ge [sflag:s12], $0x8000  }
0xe2: {  	[sflag:s12] =	ssyncset.done $0x0  }
0xe3: {  	[sflag:s12] =	ssyncadd.s32 $0xFFFF8000  }
0xe4: {  	_ =	swait.ge [sflag:s30], $0x8000  }
0xe5: {  	[sflag:s30] =	ssyncset.done $0x0  }
0xe6: {  	s24 =	rddreg [dreg:$0x9];
	[sflag:s30] =	ssyncadd.s32 $0xFFFF8000  }
0xe7: {  	[tilespmem:s11], [sflag:$0x1] =	stream.linear.gather [hbm4b:s24+s2], $0x8000, $0x38;
	[tilespmem:$0x18400] =	vst v63  }
0xe8: {  	v3 =	vld [tilespmem:$0x200];
	_ =	sdelay $0x4  }
0xe9: {  	v56 =	vshll.u32 v3, $0x3  }
0xea: {  	v3 =	vand.u32 $0x7, v3;
	v4 =	vand.u32 $0xFFFFFFC0, v56  }
0xeb: {  	v3 =	vor.u32 v3, v4  }
0xec: {  	v4 =	vperm.xlane v3, v0;
	_ =	sdelay $0x1  }
0xed: {  	v4 =	vadd.s32 v1, v4;
	_ =	sdelay $0x4  }
0xee: {  	[hbm4b:s4+s2] =	stream.indirect_vreg.scatter [tilespmem:s0], [sflag:$0x2], $0x80, v4, vm0, $0xb8;
	[tilespmem:$0x18400] =	vst v63  }
0xef: {  	s24 =	simm.s32 $0x8C00;
	v3 =	vperm.xlane v3, v2  }
0xf0: {  	[hbm4b:s5+s2] =	stream.indirect_vreg.scatter [tilespmem:s24], [sflag:$0x2], $0x80, v4, vm0, $0xb8;
	[tilespmem:$0x18400] =	vst v63  }
0xf1: {  	v3 =	vadd.s32 v1, v3;
	s24 =	simm.s32 $0x9400  }
0xf2: {  	[hbm4b:s6+s2] =	stream.indirect_vreg.scatter [tilespmem:s24], [sflag:$0x2], $0x80, v4, vm0, $0xb8;
	[tilespmem:$0x18400] =	vst v63  }
0xf3: {  	s24 =	simm.s32 $0x9C00  }
0xf4: {  	[hbm4b:s7+s2] =	stream.indirect_vreg.scatter [tilespmem:s24], [sflag:$0x2], $0x80, v4, vm0, $0xb8;
	[tilespmem:$0x18400] =	vst v63  }
0xf5: {  	s24 =	simm.s32 $0xA400  }
0xf6: {  	[hbm4b:s4+s2] =	stream.indirect_vreg.scatter [tilespmem:s24], [sflag:$0x2], $0x80, v3, vm0, $0xb8;
	[tilespmem:$0x18400] =	vst v63  }
0xf7: {  	_ = 	snop  }
0xf8: {  	[hbm4b:s5+s2] =	stream.indirect_vreg.scatter [tilespmem:s31], [sflag:$0x2], $0x80, v3, vm0, $0xb8;
	[tilespmem:$0x18400] =	vst v63  }
0xf9: {  	_ = 	snop  }
0xfa: {  	[hbm4b:s6+s2] =	stream.indirect_vreg.scatter [tilespmem:s26], [sflag:$0x2], $0x80, v3, vm0, $0xb8;
	[tilespmem:$0x18400] =	vst v63  }
0xfb: {  	_ = 	snop  }
0xfc: {  	[hbm4b:s7+s2] =	stream.indirect_vreg.scatter [tilespmem:s28], [sflag:$0x2], $0x80, v3, vm0, $0xb8;
	[tilespmem:$0x18400] =	vst v63  }
0xfd: {  	v3 =	vld [tilespmem:$0x210];
	_ =	sdelay $0x4  }
0xfe: {  	v57 =	vshll.u32 v3, $0x3  }
0xff: {  	v3 =	vand.u32 $0x7, v3;
	v4 =	vand.u32 $0xFFFFFFC0, v57  }
0x100: {  	v3 =	vor.u32 v3, v4  }
0x101: {  	v4 =	vperm.xlane v3, v0;
	_ =	sdelay $0x1  }
0x102: {  	v4 =	vadd.s32 v1, v4;
	_ =	sdelay $0x4  }
0x103: {  	[hbm4b:s4+s2] =	stream.indirect_vreg.scatter [tilespmem:s29], [sflag:$0x2], $0x80, v4, vm0, $0xb8;
	[tilespmem:$0x18400] =	vst v63  }
0x104: {  	s24 =	simm.s32 $0xCC00;
	v3 =	vperm.xlane v3, v2  }
0x105: {  	[hbm4b:s5+s2] =	stream.indirect_vreg.scatter [tilespmem:s24], [sflag:$0x2], $0x80, v4, vm0, $0xb8;
	[tilespmem:$0x18400] =	vst v63  }
0x106: {  	v3 =	vadd.s32 v1, v3;
	s24 =	simm.s32 $0xD400  }
0x107: {  	[hbm4b:s6+s2] =	stream.indirect_vreg.scatter [tilespmem:s24], [sflag:$0x2], $0x80, v4, vm0, $0xb8;
	[tilespmem:$0x18400] =	vst v63  }
0x108: {  	s24 =	simm.s32 $0xDC00  }
0x109: {  	[hbm4b:s7+s2] =	stream.indirect_vreg.scatter [tilespmem:s24], [sflag:$0x2], $0x80, v4, vm0, $0xb8;
	[tilespmem:$0x18400] =	vst v63  }
0x10a: {  	s24 =	simm.s32 $0xE400  }
0x10b: {  	[hbm4b:s4+s2] =	stream.indirect_vreg.scatter [tilespmem:s24], [sflag:$0x2], $0x80, v3, vm0, $0xb8;
	[tilespmem:$0x18400] =	vst v63  }
0x10c: {  	s24 =	simm.s32 $0xEC00  }
0x10d: {  	[hbm4b:s5+s2] =	stream.indirect_vreg.scatter [tilespmem:s24], [sflag:$0x2], $0x80, v3, vm0, $0xb8;
	[tilespmem:$0x18400] =	vst v63  }
0x10e: {  	s24 =	simm.s32 $0xF400  }
0x10f: {  	[hbm4b:s6+s2] =	stream.indirect_vreg.scatter [tilespmem:s24], [sflag:$0x2], $0x80, v3, vm0, $0xb8;
	[tilespmem:$0x18400] =	vst v63  }
0x110: {  	s24 =	simm.s32 $0xFC00  }
0x111: {  	[hbm4b:s7+s2] =	stream.indirect_vreg.scatter [tilespmem:s24], [sflag:$0x2], $0x80, v3, vm0, $0xb8;
	[tilespmem:$0x18400] =	vst v63  }
0x112: {  	_ =	swait.ge [sflag:s12], $0x8000  }
0x113: {  	[sflag:s12] =	ssyncset.done $0x0  }
0x114: {  	[sflag:s12] =	ssyncadd.s32 $0xFFFF8000  }
0x115: {  	_ =	swait.ge [sflag:s30], $0x8000  }
0x116: {  	[sflag:s30] =	ssyncset.done $0x0  }
0x117: {  	s24 =	rddreg [dreg:$0xa];
	[sflag:s30] =	ssyncadd.s32 $0xFFFF8000  }
0x118: {  	[tilespmem:s0], [sflag:$0x1] =	stream.linear.gather [hbm4b:s24+s2], $0x8000, $0x38;
	[tilespmem:$0x18400] =	vst v63  }
0x119: {  	v3 =	vld [tilespmem:$0x280];
	_ =	sdelay $0x4  }
0x11a: {  	v58 =	vshll.u32 v3, $0x3  }
0x11b: {  	v3 =	vand.u32 $0x7, v3;
	v4 =	vand.u32 $0xFFFFFFC0, v58  }
0x11c: {  	v3 =	vor.u32 v3, v4  }
0x11d: {  	v4 =	vperm.xlane v3, v0;
	_ =	sdelay $0x1  }
0x11e: {  	v4 =	vadd.s32 v1, v4;
	_ =	sdelay $0x4  }
0x11f: {  	[hbm4b:s4+s2] =	stream.indirect_vreg.scatter [tilespmem:s10], [sflag:$0x2], $0x80, v4, vm0, $0xb8;
	[tilespmem:$0x18400] =	vst v63  }
0x120: {  	v3 =	vperm.xlane v3, v2  }
0x121: {  	[hbm4b:s5+s2] =	stream.indirect_vreg.scatter [tilespmem:s1], [sflag:$0x2], $0x80, v4, vm0, $0xb8;
	[tilespmem:$0x18400] =	vst v63  }
0x122: {  	v3 =	vadd.s32 v1, v3  }
0x123: {  	[hbm4b:s6+s2] =	stream.indirect_vreg.scatter [tilespmem:s3], [sflag:$0x2], $0x80, v4, vm0, $0xb8;
	[tilespmem:$0x18400] =	vst v63  }
0x124: {  	_ = 	snop  }
0x125: {  	[hbm4b:s7+s2] =	stream.indirect_vreg.scatter [tilespmem:s9], [sflag:$0x2], $0x80, v4, vm0, $0xb8;
	[tilespmem:$0x18400] =	vst v63  }
0x126: {  	_ = 	snop  }
0x127: {  	[hbm4b:s4+s2] =	stream.indirect_vreg.scatter [tilespmem:s13], [sflag:$0x2], $0x80, v3, vm0, $0xb8;
	[tilespmem:$0x18400] =	vst v63  }
0x128: {  	_ = 	snop  }
0x129: {  	[hbm4b:s5+s2] =	stream.indirect_vreg.scatter [tilespmem:s14], [sflag:$0x2], $0x80, v3, vm0, $0xb8;
	[tilespmem:$0x18400] =	vst v63  }
0x12a: {  	_ = 	snop  }
0x12b: {  	[hbm4b:s6+s2] =	stream.indirect_vreg.scatter [tilespmem:s15], [sflag:$0x2], $0x80, v3, vm0, $0xb8;
	[tilespmem:$0x18400] =	vst v63  }
0x12c: {  	_ = 	snop  }
0x12d: {  	[hbm4b:s7+s2] =	stream.indirect_vreg.scatter [tilespmem:s16], [sflag:$0x2], $0x80, v3, vm0, $0xb8;
	[tilespmem:$0x18400] =	vst v63  }
0x12e: {  	v3 =	vld [tilespmem:$0x290];
	_ =	sdelay $0x4  }
0x12f: {  	v59 =	vshll.u32 v3, $0x3  }
0x130: {  	v3 =	vand.u32 $0x7, v3;
	v4 =	vand.u32 $0xFFFFFFC0, v59  }
0x131: {  	v3 =	vor.u32 v3, v4  }
0x132: {  	v4 =	vperm.xlane v3, v0;
	_ =	sdelay $0x1  }
0x133: {  	v4 =	vadd.s32 v1, v4;
	_ =	sdelay $0x4  }
0x134: {  	[hbm4b:s4+s2] =	stream.indirect_vreg.scatter [tilespmem:s17], [sflag:$0x2], $0x80, v4, vm0, $0xb8;
	[tilespmem:$0x18400] =	vst v63  }
0x135: {  	v3 =	vperm.xlane v3, v2  }
0x136: {  	[hbm4b:s5+s2] =	stream.indirect_vreg.scatter [tilespmem:s18], [sflag:$0x2], $0x80, v4, vm0, $0xb8;
	[tilespmem:$0x18400] =	vst v63  }
0x137: {  	v3 =	vadd.s32 v1, v3  }
0x138: {  	[hbm4b:s6+s2] =	stream.indirect_vreg.scatter [tilespmem:s19], [sflag:$0x2], $0x80, v4, vm0, $0xb8;
	[tilespmem:$0x18400] =	vst v63  }
0x139: {  	_ = 	snop  }
0x13a: {  	[hbm4b:s7+s2] =	stream.indirect_vreg.scatter [tilespmem:s20], [sflag:$0x2], $0x80, v4, vm0, $0xb8;
	[tilespmem:$0x18400] =	vst v63  }
0x13b: {  	_ = 	snop  }
0x13c: {  	[hbm4b:s4+s2] =	stream.indirect_vreg.scatter [tilespmem:s21], [sflag:$0x2], $0x80, v3, vm0, $0xb8;
	[tilespmem:$0x18400] =	vst v63  }
0x13d: {  	_ = 	snop  }
0x13e: {  	[hbm4b:s5+s2] =	stream.indirect_vreg.scatter [tilespmem:s22], [sflag:$0x2], $0x80, v3, vm0, $0xb8;
	[tilespmem:$0x18400] =	vst v63  }
0x13f: {  	_ = 	snop  }
0x140: {  	[hbm4b:s6+s2] =	stream.indirect_vreg.scatter [tilespmem:s23], [sflag:$0x2], $0x80, v3, vm0, $0xb8;
	[tilespmem:$0x18400] =	vst v63  }
0x141: {  	_ = 	snop  }
0x142: {  	[hbm4b:s7+s2] =	stream.indirect_vreg.scatter [tilespmem:s25], [sflag:$0x2], $0x80, v3, vm0, $0xb8;
	[tilespmem:$0x18400] =	vst v63  }
0x143: {  	_ =	swait.ge [sflag:s12], $0x8000  }
0x144: {  	[sflag:s12] =	ssyncset.done $0x0  }
0x145: {  	[sflag:s12] =	ssyncadd.s32 $0xFFFF8000  }
0x146: {  	v3 =	vld [tilespmem:$0x300];
	_ =	sdelay $0x4  }
0x147: {  	v60 =	vshll.u32 v3, $0x3  }
0x148: {  	v3 =	vand.u32 $0x7, v3;
	v4 =	vand.u32 $0xFFFFFFC0, v60  }
0x149: {  	v3 =	vor.u32 v3, v4  }
0x14a: {  	v4 =	vperm.xlane v3, v0;
	_ =	sdelay $0x1  }
0x14b: {  	v4 =	vadd.s32 v1, v4;
	_ =	sdelay $0x4  }
0x14c: {  	[hbm4b:s4+s2] =	stream.indirect_vreg.scatter [tilespmem:s11], [sflag:$0x2], $0x80, v4, vm0, $0xb8;
	[tilespmem:$0x18400] =	vst v63  }
0x14d: {  	s25 =	simm.s32 $0xC00;
	v3 =	vperm.xlane v3, v2  }
0x14e: {  	[hbm4b:s5+s2] =	stream.indirect_vreg.scatter [tilespmem:s25], [sflag:$0x2], $0x80, v4, vm0, $0xb8;
	[tilespmem:$0x18400] =	vst v63  }
0x14f: {  	s24 =	simm.s32 $0x1400;
	v3 =	vadd.s32 v1, v3  }
0x150: {  	[hbm4b:s6+s2] =	stream.indirect_vreg.scatter [tilespmem:s24], [sflag:$0x2], $0x80, v4, vm0, $0xb8;
	[tilespmem:$0x18400] =	vst v63  }
0x151: {  	s25 =	simm.s32 $0x1C00  }
0x152: {  	[hbm4b:s7+s2] =	stream.indirect_vreg.scatter [tilespmem:s25], [sflag:$0x2], $0x80, v4, vm0, $0xb8;
	[tilespmem:$0x18400] =	vst v63  }
0x153: {  	s24 =	simm.s32 $0x2400  }
0x154: {  	[hbm4b:s4+s2] =	stream.indirect_vreg.scatter [tilespmem:s24], [sflag:$0x2], $0x80, v3, vm0, $0xb8;
	[tilespmem:$0x18400] =	vst v63  }
0x155: {  	s25 =	simm.s32 $0x2C00  }
0x156: {  	[hbm4b:s5+s2] =	stream.indirect_vreg.scatter [tilespmem:s25], [sflag:$0x2], $0x80, v3, vm0, $0xb8;
	[tilespmem:$0x18400] =	vst v63  }
0x157: {  	s24 =	simm.s32 $0x3400  }
0x158: {  	[hbm4b:s6+s2] =	stream.indirect_vreg.scatter [tilespmem:s24], [sflag:$0x2], $0x80, v3, vm0, $0xb8;
	[tilespmem:$0x18400] =	vst v63  }
0x159: {  	s25 =	simm.s32 $0x3C00  }
0x15a: {  	[hbm4b:s7+s2] =	stream.indirect_vreg.scatter [tilespmem:s25], [sflag:$0x2], $0x80, v3, vm0, $0xb8;
	[tilespmem:$0x18400] =	vst v63  }
0x15b: {  	v3 =	vld [tilespmem:$0x310];
	_ =	sdelay $0x4  }
0x15c: {  	v61 =	vshll.u32 v3, $0x3  }
0x15d: {  	v3 =	vand.u32 $0x7, v3;
	v4 =	vand.u32 $0xFFFFFFC0, v61  }
0x15e: {  	v3 =	vor.u32 v3, v4  }
0x15f: {  	v4 =	vperm.xlane v3, v0;
	_ =	sdelay $0x1  }
0x160: {  	v4 =	vadd.s32 v1, v4;
	_ =	sdelay $0x3  }
0x161: {  	s24 =	simm.s32 $0x4400  }
0x162: {  	[hbm4b:s4+s2] =	stream.indirect_vreg.scatter [tilespmem:s24], [sflag:$0x2], $0x80, v4, vm0, $0xb8;
	[tilespmem:$0x18400] =	vst v63  }
0x163: {  	s25 =	simm.s32 $0x4C00;
	v3 =	vperm.xlane v3, v2  }
0x164: {  	[hbm4b:s5+s2] =	stream.indirect_vreg.scatter [tilespmem:s25], [sflag:$0x2], $0x80, v4, vm0, $0xb8;
	[tilespmem:$0x18400] =	vst v63  }
0x165: {  	v3 =	vadd.s32 v1, v3;
	s24 =	simm.s32 $0x5400  }
0x166: {  	[hbm4b:s6+s2] =	stream.indirect_vreg.scatter [tilespmem:s24], [sflag:$0x2], $0x80, v4, vm0, $0xb8;
	[tilespmem:$0x18400] =	vst v63  }
0x167: {  	s25 =	simm.s32 $0x5C00  }
0x168: {  	[hbm4b:s7+s2] =	stream.indirect_vreg.scatter [tilespmem:s25], [sflag:$0x2], $0x80, v4, vm0, $0xb8;
	[tilespmem:$0x18400] =	vst v63  }
0x169: {  	s24 =	simm.s32 $0x6400  }
0x16a: {  	[hbm4b:s4+s2] =	stream.indirect_vreg.scatter [tilespmem:s24], [sflag:$0x2], $0x80, v3, vm0, $0xb8;
	[tilespmem:$0x18400] =	vst v63  }
0x16b: {  	s25 =	simm.s32 $0x6C00  }
0x16c: {  	[hbm4b:s5+s2] =	stream.indirect_vreg.scatter [tilespmem:s25], [sflag:$0x2], $0x80, v3, vm0, $0xb8;
	[tilespmem:$0x18400] =	vst v63  }
0x16d: {  	s24 =	simm.s32 $0x7400  }
0x16e: {  	[hbm4b:s6+s2] =	stream.indirect_vreg.scatter [tilespmem:s24], [sflag:$0x2], $0x80, v3, vm0, $0xb8;
	[tilespmem:$0x18400] =	vst v63  }
0x16f: {  	s25 =	simm.s32 $0x7C00  }
0x170: {  	[hbm4b:s7+s2] =	stream.indirect_vreg.scatter [tilespmem:s25], [sflag:$0x2], $0x80, v3, vm0, $0xb8;
	[tilespmem:$0x18400] =	vst v63  }
0x171: {  	_ =	swait.ge [sflag:s12], $0x8000  }
0x172: {  	[sflag:s12] =	ssyncset.done $0x0  }
0x173: {  	[sflag:s12] =	ssyncadd.s32 $0xFFFF8000  }
0x174: {  	v3 =	vld [tilespmem:$0x380];
	_ =	sdelay $0x4  }
0x175: {  	v62 =	vshll.u32 v3, $0x3  }
0x176: {  	v3 =	vand.u32 $0x7, v3;
	v4 =	vand.u32 $0xFFFFFFC0, v62  }
0x177: {  	v3 =	vor.u32 v3, v4  }
0x178: {  	v4 =	vperm.xlane v3, v0;
	_ =	sdelay $0x1  }
0x179: {  	v4 =	vadd.s32 v1, v4;
	_ =	sdelay $0x4  }
0x17a: {  	[hbm4b:s4+s2] =	stream.indirect_vreg.scatter [tilespmem:s0], [sflag:$0x2], $0x80, v4, vm0, $0xb8;
	[tilespmem:$0x18400] =	vst v63  }
0x17b: {  	s24 =	simm.s32 $0x8C00;
	v3 =	vperm.xlane v3, v2  }
0x17c: {  	[hbm4b:s5+s2] =	stream.indirect_vreg.scatter [tilespmem:s24], [sflag:$0x2], $0x80, v4, vm0, $0xb8;
	[tilespmem:$0x18400] =	vst v63  }
0x17d: {  	s25 =	simm.s32 $0x9400;
	v3 =	vadd.s32 v1, v3  }
0x17e: {  	[hbm4b:s6+s2] =	stream.indirect_vreg.scatter [tilespmem:s25], [sflag:$0x2], $0x80, v4, vm0, $0xb8;
	[tilespmem:$0x18400] =	vst v63  }
0x17f: {  	s1 =	simm.s32 $0x9C00  }
0x180: {  	[hbm4b:s7+s2] =	stream.indirect_vreg.scatter [tilespmem:s1], [sflag:$0x2], $0x80, v4, vm0, $0xb8;
	[tilespmem:$0x18400] =	vst v63  }
0x181: {  	s24 =	simm.s32 $0xA400  }
0x182: {  	[hbm4b:s4+s2] =	stream.indirect_vreg.scatter [tilespmem:s24], [sflag:$0x2], $0x80, v3, vm0, $0xb8;
	[tilespmem:$0x18400] =	vst v63  }
0x183: {  	_ = 	snop  }
0x184: {  	[hbm4b:s5+s2] =	stream.indirect_vreg.scatter [tilespmem:s31], [sflag:$0x2], $0x80, v3, vm0, $0xb8;
	[tilespmem:$0x18400] =	vst v63  }
0x185: {  	_ = 	snop  }
0x186: {  	[hbm4b:s6+s2] =	stream.indirect_vreg.scatter [tilespmem:s26], [sflag:$0x2], $0x80, v3, vm0, $0xb8;
	[tilespmem:$0x18400] =	vst v63  }
0x187: {  	_ = 	snop  }
0x188: {  	[hbm4b:s7+s2] =	stream.indirect_vreg.scatter [tilespmem:s28], [sflag:$0x2], $0x80, v3, vm0, $0xb8;
	[tilespmem:$0x18400] =	vst v63  }
0x189: {  	v3 =	vld [tilespmem:$0x390];
	_ =	sdelay $0x4  }
0x18a: {  	v63 =	vshll.u32 v3, $0x3  }
0x18b: {  	v3 =	vand.u32 $0x7, v3;
	v4 =	vand.u32 $0xFFFFFFC0, v63  }
0x18c: {  	v3 =	vor.u32 v3, v4  }
0x18d: {  	v4 =	vperm.xlane v3, v0;
	_ =	sdelay $0x1  }
0x18e: {  	v4 =	vadd.s32 v1, v4;
	_ =	sdelay $0x4  }
0x18f: {  	[hbm4b:s4+s2] =	stream.indirect_vreg.scatter [tilespmem:s29], [sflag:$0x2], $0x80, v4, vm0, $0xb8;
	[tilespmem:$0x18400] =	vst v63  }
0x190: {  	s25 =	simm.s32 $0xCC00;
	v3 =	vperm.xlane v3, v2  }
0x191: {  	[hbm4b:s5+s2] =	stream.indirect_vreg.scatter [tilespmem:s25], [sflag:$0x2], $0x80, v4, vm0, $0xb8;
	[tilespmem:$0x18400] =	vst v63  }
0x192: {  	s1 =	simm.s32 $0xD400;
	v3 =	vadd.s32 v1, v3  }
0x193: {  	[hbm4b:s6+s2] =	stream.indirect_vreg.scatter [tilespmem:s1], [sflag:$0x2], $0x80, v4, vm0, $0xb8;
	[tilespmem:$0x18400] =	vst v63  }
0x194: {  	s24 =	simm.s32 $0xDC00  }
0x195: {  	[hbm4b:s7+s2] =	stream.indirect_vreg.scatter [tilespmem:s24], [sflag:$0x2], $0x80, v4, vm0, $0xb8;
	[tilespmem:$0x18400] =	vst v63  }
0x196: {  	s25 =	simm.s32 $0xE400  }
0x197: {  	[hbm4b:s4+s2] =	stream.indirect_vreg.scatter [tilespmem:s25], [sflag:$0x2], $0x80, v3, vm0, $0xb8;
	[tilespmem:$0x18400] =	vst v63  }
0x198: {  	s1 =	simm.s32 $0xEC00  }
0x199: {  	[hbm4b:s5+s2] =	stream.indirect_vreg.scatter [tilespmem:s1], [sflag:$0x2], $0x80, v3, vm0, $0xb8;
	[tilespmem:$0x18400] =	vst v63  }
0x19a: {  	s24 =	simm.s32 $0xF400  }
0x19b: {  	[hbm4b:s6+s2] =	stream.indirect_vreg.scatter [tilespmem:s24], [sflag:$0x2], $0x80, v3, vm0, $0xb8;
	[tilespmem:$0x18400] =	vst v63  }
0x19c: {  	s25 =	simm.s32 $0xFC00  }
0x19d: {  	[hbm4b:s7+s2] =	stream.indirect_vreg.scatter [tilespmem:s25], [sflag:$0x2], $0x80, v3, vm0, $0xb8;
	[tilespmem:$0x18400] =	vst v63  }
0x19e: {  	_ =	swait.ge [sflag:s30], $0x8000  }
0x19f: {  	[sflag:s30] =	ssyncset.done $0x0  }
0x1a0: {  	[sflag:s30] =	ssyncadd.s32 $0xFFFF8000  }
0x1a1: {  	p0 =	sne.s32 s8, $0x1;
	_ =	swait.ge [sflag:s30], $0x8000  }
.Ltmp0:
0x1a2: {  	[sflag:s30] =	ssyncset.done $0x0;
	(pc) =	sbr.rel @p0 .LBB2_1-.Ltmp0, $4  }
0x1a3: {  	[sflag:s30] =	ssyncadd.s32 $0xFFFF8000  }
0x1a4: {  	_ =	swait.ge [sflag:s30], $0x8000  }
0x1a5: {  	[sflag:s30] =	ssyncset.done $0x0  }
0x1a6: {  	s8 =	sadd.s32 $0xFFFFFFFF, s8;
	[sflag:s30] =	ssyncadd.s32 $0xFFFF8000  }
0x1a7: {  	_ =	sfence.sel $0x180000  }
0x1a8: {  	[bflag:$0x0] =	sbarrier.arrive $0xFFFF  }
0x1a9: {  	_ =	strace $0x90000047  }
0x1aa: {  	s0 =	stileid.u32;
	[bflag:$0x2] =	sbarrier.arrive $0xFFFF  }
0x1ab: {  	p0 =	sne.s32 s0, $0x0;
	s0 =	rddreg [dreg:$0x2]  }
0x1ac: {  	s0 =	sadd.s32 @!p0 $0x100000, s0  }
0x1ad: {  	[sflag:s0] =	ssyncadd.tile.s32 @!p0 $0x1;
	_ =	shalt  }
.Lfunc_end2:
_tile_overlayer_lowered:
.L_overlay_start_2:
0x1ae: {  	(tag) =	ssettag $0x2  }
0x1af: {  	s0 =	rddreg [dreg:$0x0];
	s2 =	stileid.u32  }
0x1b0: {  	s1 =	rddreg [dreg:$0x1];
	p0 =	sne.s32 s2, $0x0  }
0x1b1: {  	s3 =	rddreg [dreg:$0x2];
	[bflag:$0x3] =	sbarrier.arrive $0xFFFF;
	s2 =	simm.s32 @!p0 $0x1C03  }
0x1b2: {  	[timem:s3], [sflag:s2] =	dma.local @!p0 [hbm:s0], s1  }
0x1b3: {  	s0 =	simm.s32 @!p0 $0x3  }
0x1b4: {  	_ =	swait.ge @!p0 [sflag:s0], s1  }
0x1b5: {  	s1 =	ssub.s32 @!p0 $0x0, s1;
	[sflag:s0] =	ssyncset.done @!p0 $0x0  }
0x1b6: {  	[sflag:s0] =	ssyncadd.s32 @!p0 s1  }
0x1b7: {  	[bflag:$0x3] =	sbarrier.arrive $0xFFFF  }
0x1b8: {  	_ =	shalt  }

// kernel: kernel.9.cloned.1.call-start
scs
__scs_entry_jumppad:
0x0: {  	(pc) =	sbr.rel $0x88, $3  }
0x1: {  	(tag) =	ssettag $0x0;
	lr =	simm.s32 $0x1  }
0x2: {  	[smem:$0x3F9D] =	sst lr;
	_ =	strace $0xD0000000  }
0x3: {  	_ = 	snop  }
0x4: {  	_ = 	snop  }
0x5: {  	_ = 	snop  }
0x6: {  	_ = 	snop  }
0x7: {  	_ = 	snop  }
__scs_overlays_trampoline_lowered:
0x8: {  	[smem:$0x3FAC] =	sst s0  }
0x9: {  	[smem:$0x3FAD] =	sst s1  }
0xa: {  	[smem:$0x3FAE] =	sst s2  }
0xb: {  	[smem:$0x3FAF] =	sst s3  }
0xc: {  	[smem:$0x3FB0] =	sst s4  }
0xd: {  	[smem:$0x3FB1] =	sst s5  }
0xe: {  	[smem:$0x3FB2] =	sst s6  }
0xf: {  	[smem:$0x3FB3] =	sst s7  }
0x10: {  	[smem:$0x3FB4] =	sst s8  }
0x11: {  	[smem:$0x3FB5] =	sst s9;
	s0 =	simm.s32 @!p0 $0x0  }
0x12: {  	s1 =	sld [smem:$0x3F9B];
	s0 =	simm.s32 @p0 $0x1  }
0x13: {  	[smem:$0x3FB6] =	sst s0;
	s0 =	simm.s32 @!p1 $0x0  }
0x14: {  	s2 =	sld [smem:$0x3F9A];
	s0 =	simm.s32 @p1 $0x1  }
0x15: {  	[smem:$0x3FB7] =	sst s0;
	s0 =	simm.s32 @!p2 $0x0  }
0x16: {  	s3 =	sld [smem:$0x3FDB];
	s0 =	simm.s32 @p2 $0x1  }
0x17: {  	s4 =	simm.s32 $0x1BF5;
	[smem:$0x3FB9] =	sst s0  }
0x18: {  	s0 =	sld [smem:$0x3F9C];
	_ =	swait.ge [sflag:s4], $0x0  }
0x19: {  	s7 =	sld [smem:$0x3F9D]  }
0x1a: {  	s8 =	sadd.s32 $0xFFFFE003, lr  }
0x1b: {  	s9 =	sadd.s32 $0xFFFFFEF7, lr;
	s5 =	simm.s32 $0xFFFFFFFF;
	p2 =	slt.u32 s8, $0xFFFFF086  }
0x1c: {  	p1 =	slt.u32 s9, $0xF7A;
	s5 =	simm.s32 @!p2 $0x0  }
0x1d: {  	s5 =	simm.s32 @p1 $0x1;
	p0 =	seq.s32 s7, s2  }
0x1e: {  	s7 =	smul.u32 @!p0 $0xF7A, s2;
	p2 =	seq.s32 @!p0 s5, $0x0  }
0x1f: {  	s9 =	smul.u32 $0xF7A, s1;
	s8 =	simm.s32 @!p0 $0x1BF5;
	p2 =	por !p2, p0  }
0x20: {  	[sflag:s8] =	ssyncset.s32 @!p0 $0xFFFFF086;
	s6 =	sadd.s32 @!p0 s3, s7;
	s7 =	simm.s32 @!p0 $0x108  }
0x21: {  	s3 =	sadd.s32 s3, s9;
	s6 =	sadd.s32 @!p0 $0x88, s6;
	s7 =	simm.s32 @p2 $0x1082  }
0x22: {  	[simem:s7], [sflag:s8] =	dma.local @!p0 [hbm:s6], $0xF7A  }
0x23: {  	s9 =	sor.u32 $0xD0000000, s2;
	s6 =	simm.s32 $0x108;
	_ =	swait.ge @!p0 [sflag:s8], $0x0  }
0x24: {  	s3 =	sadd.s32 $0x88, s3;
	s6 =	simm.s32 @!p1 $0x1082;
	[sflag:s4] =	ssyncset.s32 $0xFFFFF086  }
0x25: {  	[simem:s6], [sflag:s4] =	dma.local [hbm:s3], $0xF7A  }
0x26: {  	[smem:$0x3F9D] =	sst s1;
	(tag) =	ssettag s2;
	_ =	strace s9  }
0x27: {  	s1 =	sld [smem:$0x3FAD]  }
0x28: {  	s2 =	sld [smem:$0x3FAE]  }
0x29: {  	s4 =	sld [smem:$0x3FB0]  }
0x2a: {  	p0 =	seq.s32 s5, $0x0;
	s5 =	sld [smem:$0x3FB1]  }
0x2b: {  	s6 =	sld [smem:$0x3FB2]  }
0x2c: {  	s7 =	sld [smem:$0x3FB3]  }
0x2d: {  	s3 =	simm.s32 $0x108;
	s8 =	sld [smem:$0x3FB4]  }
0x2e: {  	s3 =	simm.s32 @!p0 $0x1082;
	s9 =	sld [smem:$0x3FB5]  }
0x2f: {  	lr =	sadd.s32 s0, s3;
	s0 =	sld [smem:$0x3FAC]  }
0x30: {  	s3 =	sld [smem:$0x3FAF]  }
0x31: {  	[smem:$0x3FB8] =	sst s10  }
0x32: {  	s10 =	sld [smem:$0x3FB6];
	_ =	sdelay $0x3  }
0x33: {  	p0 =	seq.s32 s10, $0x1;
	s10 =	sld [smem:$0x3FB8];
	_ =	sdelay $0x3  }
0x34: {  	[smem:$0x3FB8] =	sst s10  }
0x35: {  	s10 =	sld [smem:$0x3FB7];
	_ =	sdelay $0x3  }
0x36: {  	p1 =	seq.s32 s10, $0x1;
	s10 =	sld [smem:$0x3FB8];
	_ =	sdelay $0x3  }
0x37: {  	[smem:$0x3FB8] =	sst s10  }
0x38: {  	s10 =	sld [smem:$0x3FB9]  }
0x39: {  	_ = 	snop;
	(pc) =	sbr.ind lr, $3  }
0x3a: {  	_ = 	snop  }
0x3b: {  	_ = 	snop  }
0x3c: {  	p2 =	seq.s32 s10, $0x1;
	s10 =	sld [smem:$0x3FB8]  }
0x3d: {  	_ =	shalt  }
0x3e: {  	_ =	shalt  }
0x3f: {  	_ =	shalt  }
0x40: {  	_ =	shalt  }
0x41: {  	_ =	shalt  }
0x42: {  	_ =	shalt  }
0x43: {  	_ =	shalt  }
0x44: {  	_ =	shalt  }
0x45: {  	_ =	shalt  }
0x46: {  	_ =	shalt  }
0x47: {  	_ =	shalt  }
0x48: {  	_ =	shalt  }
0x49: {  	_ =	shalt  }
0x4a: {  	_ =	shalt  }
0x4b: {  	_ =	shalt  }
0x4c: {  	_ =	shalt  }
0x4d: {  	_ =	shalt  }
0x4e: {  	_ =	shalt  }
0x4f: {  	_ =	shalt  }
0x50: {  	_ =	shalt  }
0x51: {  	_ =	shalt  }
0x52: {  	_ =	shalt  }
0x53: {  	_ =	shalt  }
0x54: {  	_ =	shalt  }
0x55: {  	_ =	shalt  }
0x56: {  	_ =	shalt  }
0x57: {  	_ =	shalt  }
0x58: {  	_ =	shalt  }
0x59: {  	_ =	shalt  }
0x5a: {  	_ =	shalt  }
0x5b: {  	_ =	shalt  }
0x5c: {  	_ =	shalt  }
0x5d: {  	_ =	shalt  }
0x5e: {  	_ =	shalt  }
0x5f: {  	_ =	shalt  }
0x60: {  	_ =	shalt  }
0x61: {  	_ =	shalt  }
0x62: {  	_ =	shalt  }
0x63: {  	_ =	shalt  }
0x64: {  	_ =	shalt  }
0x65: {  	_ =	shalt  }
0x66: {  	_ =	shalt  }
0x67: {  	_ =	shalt  }
0x68: {  	_ =	shalt  }
0x69: {  	_ =	shalt  }
0x6a: {  	_ =	shalt  }
0x6b: {  	_ =	shalt  }
0x6c: {  	_ =	shalt  }
0x6d: {  	_ =	shalt  }
0x6e: {  	_ =	shalt  }
0x6f: {  	_ =	shalt  }
0x70: {  	_ =	shalt  }
0x71: {  	_ =	shalt  }
0x72: {  	_ =	shalt  }
0x73: {  	_ =	shalt  }
0x74: {  	_ =	shalt  }
0x75: {  	_ =	shalt  }
0x76: {  	_ =	shalt  }
0x77: {  	_ =	shalt  }
0x78: {  	_ =	shalt  }
0x79: {  	_ =	shalt  }
0x7a: {  	_ =	shalt  }
0x7b: {  	_ =	shalt  }
0x7c: {  	_ =	shalt  }
0x7d: {  	_ =	shalt  }
0x7e: {  	_ =	shalt  }
0x7f: {  	_ =	shalt  }
0x80: {  	_ =	shalt  }
0x81: {  	_ =	shalt  }
0x82: {  	_ =	shalt  }
0x83: {  	_ =	shalt  }
0x84: {  	_ =	shalt  }
0x85: {  	_ =	shalt  }
0x86: {  	_ =	shalt  }
0x87: {  	_ =	shalt  }
.Lfunc_end0:
.L_simem_size_0:
called_computation.1_lowered:
.L_overlay_start_0:
0x88: {  	s2 =	sld [smem:$0x3FD9]  }
0x89: {  	s3 =	sld [smem:$0x3FFE];
	_ =	sdelay $0x1  }
0x8a: {  	s1 =	srdreg.scid  }
0x8b: {  	s0 =	sand.u32 $0x1, s1  }
0x8c: {  	s17 =	sshll.u32 s0, $0xA;
	s2 =	sadd.s32 s3, s2  }
0x8d: {  	s2 =	sadd.s32 s2, s17  }
0x8e: {  	[smem:$0x3FC4] =	sst s2  }
0x8f: {  	_ = 	snop  }
0x90: {  	s2 =	sld [smem:$0x3FD0];
	(tm) =	ssettm $0x1  }
0x91: {  	s18 =	sld [smem:$0x3FFB];
	_ =	sdelay $0x3  }
0x92: {  	_ =	strace s18  }
0x93: {  	s3 =	sld [smem:$0x3FFC];
	_ =	sdelay $0x3  }
0x94: {  	_ =	strace s3  }
0x95: {  	s3 =	sld [smem:$0x3FFD];
	_ =	sdelay $0x3  }
0x96: {  	_ =	strace s3  }
0x97: {  	_ =	strace $0x8FFFFFFF  }
0x98: {  	s19 =	sld [smem:$0x3FDB];
	_ =	sdelay $0x1  }
0x99: {  	s4 =	simm.s32 $_scs_section_size  }
0x9a: {  	s5 =	simm.s32 $_size__tile_overlayer_lowered;
	s6 =	simm.s32 $_tile_overlayer_lowered  }
0x9b: {  	s22 =	simm.s32 $0x1BFF;
	s21 =	sshll.u32 s6, $0x1;
	s3 =	sadd.s32 s4, s19  }
0x9c: {  	s7 =	simm.s32 $0x0;
	s20 =	sshll.u32 s5, $0x1;
	s5 =	sadd.s32 s21, s3  }
0x9d: {  	[timem:s7], [sflag:s22] =	dma.local [hbm:s5], s20  }
0x9e: {  	_ =	swait.ge [sflag:s22], s20  }
0x9f: {  	s4 =	ssub.s32 $0x0, s20;
	[sflag:s22] =	ssyncset.done $0x0  }
0xa0: {  	[sflag:s22] =	ssyncadd.s32 s4;
	_ =	sdelay $0x1  }
0xa1: {  	s23 =	simm.s32 $0x1B8B  }
0xa2: {  	_ =	swait.ge [sflag:s23], $0x1  }
0xa3: {  	[sflag:s23] =	ssyncset.done $0x0  }
0xa4: {  	s25 =	simm.s32 $0x1B8E;
	s24 =	sld [smem:$0x3FFE];
	[sflag:s23] =	ssyncadd.s32 $0xFFFFFFFF  }
0xa5: {  	s26 =	simm.s32 $execute0_lowered;
	[smem:$0x3FD2] =	sst s25  }
0xa6: {  	s5 =	sshll.u32 s26, $0x1;
	_ =	strace $0x80000049;
	[dreg:$0x1] =	wrdreg $0xFFFFFFFF  }
0xa7: {  	s28 =	simm.s32 $_size_execute0_lowered;
	s3 =	sadd.s32 s3, s5;
	[dreg:$0x0] =	wrdreg $0x0  }
0xa8: {  	s5 =	sshll.u32 s28, $0x1;
	[dreg:$0x2] =	wrdreg s3  }
0xa9: {  	[dreg:$0x3] =	wrdreg s5  }
0xaa: {  	[dreg:$0x4] =	wrdreg $0xC0  }
0xab: {  	_ =	task [dreg:s7], $0x5FFFF  }
0xac: {  	[dreg:$0x1] =	wrdreg $0xFFFFFFFF  }
0xad: {  	[dreg:$0x0] =	wrdreg $0x60  }
0xae: {  	[dreg:$0x2] =	wrdreg s24  }
0xaf: {  	[dreg:$0x3] =	wrdreg s2  }
0xb0: {  	[dreg:$0x4] =	wrdreg $0x9  }
0xb1: {  	_ =	task.clear_ibuf [dreg:s7], $0x5FFFF;
	_ =	strace $0x90000049  }
0xb2: {  	s29 =	simm.s32 $0x9;
	_ =	strace $0x8000004B  }
0xb3: {  	_ =	swait.ge [sflag:s29], $0x1  }
0xb4: {  	[sflag:s29] =	ssyncadd.s32 $0xFFFFFFFF  }
0xb5: {  	_ =	strace $0x9000004B  }
0xb6: {  	_ =	sfence  }
0xb7: {  	s30 =	sld [smem:$0x0];
	_ =	sdelay $0x2  }
0xb8: {  	s31 =	sshll.u32 s1, $0xD;
	s1 =	sshrl.u32 s1, $0x2  }
0xb9: {  	s3 =	sand.u32 $0x4000, s31;
	s1 =	sadd.s32 s1, s30  }
0xba: {  	s0 =	sor.u32 s3, s0;
	s1 =	sshll.u32 s1, $0x11  }
0xbb: {  	s0 =	sor.u32 s1, s0  }
0xbc: {  	s0 =	sadd.s32 $0x8F2B, s0  }
0xbd: {  	[sflag:s0] =	ssyncadd.remote.s32 $0x1  }
0xbe: {  	_ =	sfence.sel $0xFFFF  }
0xbf: {  	[dreg:$0x0] =	wrdreg $0xFFFFFFFF;
	(pc) =	sbr.abs _section_cstart, $3  }
0xc0: {  	[dreg:$0x1] =	wrdreg $0xFFFFFFFF  }
0xc1: {  	_ =	task.clear_ibuf [dreg:s7], $0x2FFFF;
	_ =	strace $0x9FFFFFFF  }
0xc2: {  	(tm) =	ssettm $0x7FFFFFFF  }
0xc3: {  	_ =	shalt  }
tec
execute0_lowered:
.L_overlay_start_1:
0x0: {  	(tag) =	ssettag $0x1  }
0x1: {  	s0 =	srdreg.scid  }
0x2: {  	s2 =	stileid.u32;
	s1 =	rddreg [dreg:$0x0]  }
0x3: {  	s3 =	rddreg [dreg:$0x1];
	s18 =	simm.s32 $0x1;
	s20 =	simm.s32 $0x2  }
0x4: {  	s29 =	simm.s32 $0x3400;
	s30 =	simm.s32 $0x3C00;
	s31 =	simm.s32 $0x4400  }
0x5: {  	s9 =	simm.s32 $0x11C00;
	s10 =	simm.s32 $0x12400;
	s11 =	simm.s32 $0x12C00  }
0x6: {  	s12 =	simm.s32 $0x13400;
	s13 =	simm.s32 $0x13C00;
	s14 =	simm.s32 $0x14400  }
0x7: {  	s15 =	simm.s32 $0x14C00;
	s16 =	simm.s32 $0x15400;
	s17 =	simm.s32 $0x15C00  }
0x8: {  	s19 =	simm.s32 $0x16400;
	s0 =	sand.u32 $0x1, s0;
	s2 =	sshll.u32 s2, $0x1  }
0x9: {  	s6 =	sadd.s32 $0x80A000, s1;
	s4 =	sor.u32 s0, s2;
	s2 =	simm.s32 $0x0  }
0xa: {  	s0 =	ssub.s32 $0x2, s0;
	s5 =	sshll.u32 s4, $0x7;
	s4 =	sshll.u32 s4, $0xF  }
0xb: {  	[smem:$0x7FF] =	sst s2;
	s5 =	sadd.s32 s5, s1;
	s7 =	sadd.s32 s3, s4  }
0xc: {  	_ =	strace $0x8000004A;
	s5 =	sadd.s32 $0xE00, s5;
	[dreg:$0xb] =	wrdreg s7  }
0xd: {  	s23 =	sshrl.u32 s0, $0x1;
	s3 =	sadd.s32 $0x1000, s7;
	[dreg:$0x3] =	wrdreg s5  }
0xe: {  	s4 =	sadd.s32 $0x809E00, s1;
	s21 =	sadd.s32 $0x2000, s7;
	[dreg:$0x4] =	wrdreg s3  }
0xf: {  	s0 =	ssub.s32 s0, s23;
	s22 =	sadd.s32 $0x3000, s7;
	[dreg:$0x5] =	wrdreg s21  }
0x10: {  	s23 =	simm.s32 $0x17400;
	s24 =	sadd.s32 $0x4000, s7;
	[dreg:$0x6] =	wrdreg s22  }
0x11: {  	s25 =	sadd.s32 $0x5000, s7;
	s26 =	sadd.s32 $0x6000, s7;
	[dreg:$0x7] =	wrdreg s24  }
0x12: {  	s28 =	sadd.s32 $0x7000, s7;
	s7 =	sadd.s32 $0x80A100, s1;
	[dreg:$0x8] =	wrdreg s25  }
0x13: {  	v2 =	vlaneseq.u32;
	s8 =	smax.u32 s0, $0x1;
	s5 =	sadd.s32 $0x809F00, s1;
	[dreg:$0x9] =	wrdreg s26  }
0x14: {  	vm0 =	vmmov $0xffff;
	v1 =	vshrl.u32 v2, $0x3;
	[dreg:$0xa] =	wrdreg s28;
	s26 =	simm.s32 $0x400;
	s25 =	simm.s32 $0x10400  }
0x15: {  	v0 =	vand.u32 $0x7, v2;
	v2 =	vor.u32 $0x8, v2;
	v1 =	vmul.u32 $0x8, v1;
	s3 =	simm.s32 $0x11400;
	s22 =	simm.s32 $0x16C00;
	s24 =	simm.s32 $0x17C00  }
.LBB2_1:
0x16: {  	s21 =	rddreg [dreg:$0x3];
	s0 =	simm.s32 $0x3  }
0x17: {  	[tilespmem:s2], [sflag:$0x3] =	stream.linear.gather [hbm4b:s21+s2], $0x400, $0x38;
	[tilespmem:$0x18400] =	vst v63  }
0x18: {  	_ =	swait.ge [sflag:s0], $0x400  }
0x19: {  	[sflag:s0] =	ssyncset.done $0x0  }
0x1a: {  	[sflag:s0] =	ssyncadd.s32 $0xFFFFFC00  }
0x1b: {  	v3 =	vld [tilespmem:$0x0];
	_ =	sdelay $0x4  }
0x1c: {  	v4 =	vshll.u32 v3, $0x3  }
0x1d: {  	v3 =	vand.u32 $0x7, v3;
	v4 =	vand.u32 $0xFFFFFFC0, v4  }
0x1e: {  	v3 =	vor.u32 v3, v4  }
0x1f: {  	v4 =	vperm.xlane v3, v0;
	_ =	sdelay $0x1  }
0x20: {  	v4 =	vadd.s32 v1, v4;
	_ =	sdelay $0x4  }
0x21: {  	[tilespmem:s26], [sflag:$0x1] =	stream.indirect_vreg.gather [hbm4b:s4+s2], $0x80, v4, vm0, $0xb8;
	[tilespmem:$0x18400] =	vst v63  }
0x22: {  	s0 =	simm.s32 $0xC00;
	v3 =	vperm.xlane v3, v2  }
0x23: {  	[tilespmem:s0], [sflag:$0x1] =	stream.indirect_vreg.gather [hbm4b:s5+s2], $0x80, v4, vm0, $0xb8;
	[tilespmem:$0x18400] =	vst v63  }
0x24: {  	s1 =	simm.s32 $0x1400;
	v3 =	vadd.s32 v1, v3  }
0x25: {  	[tilespmem:s1], [sflag:$0x1] =	stream.indirect_vreg.gather [hbm4b:s6+s2], $0x80, v4, vm0, $0xb8;
	[tilespmem:$0x18400] =	vst v63  }
0x26: {  	s21 =	simm.s32 $0x1C00  }
0x27: {  	[tilespmem:s21], [sflag:$0x1] =	stream.indirect_vreg.gather [hbm4b:s7+s2], $0x80, v4, vm0, $0xb8;
	[tilespmem:$0x18400] =	vst v63  }
0x28: {  	s1 =	simm.s32 $0x2400  }
0x29: {  	[tilespmem:s1], [sflag:$0x1] =	stream.indirect_vreg.gather [hbm4b:s4+s2], $0x80, v3, vm0, $0xb8;
	[tilespmem:$0x18400] =	vst v63  }
0x2a: {  	s21 =	simm.s32 $0x2C00  }
0x2b: {  	[tilespmem:s21], [sflag:$0x1] =	stream.indirect_vreg.gather [hbm4b:s5+s2], $0x80, v3, vm0, $0xb8;
	[tilespmem:$0x18400] =	vst v63  }
0x2c: {  	_ = 	snop  }
0x2d: {  	[tilespmem:s29], [sflag:$0x1] =	stream.indirect_vreg.gather [hbm4b:s6+s2], $0x80, v3, vm0, $0xb8;
	[tilespmem:$0x18400] =	vst v63  }
0x2e: {  	_ = 	snop  }
0x2f: {  	[tilespmem:s30], [sflag:$0x1] =	stream.indirect_vreg.gather [hbm4b:s7+s2], $0x80, v3, vm0, $0xb8;
	[tilespmem:$0x18400] =	vst v63  }
0x30: {  	v3 =	vld [tilespmem:$0x10];
	_ =	sdelay $0x4  }
0x31: {  	v49 =	vshll.u32 v3, $0x3  }
0x32: {  	v3 =	vand.u32 $0x7, v3;
	v4 =	vand.u32 $0xFFFFFFC0, v49  }
0x33: {  	v3 =	vor.u32 v3, v4  }
0x34: {  	v4 =	vperm.xlane v3, v0;
	_ =	sdelay $0x1  }
0x35: {  	v4 =	vadd.s32 v1, v4;
	_ =	sdelay $0x4  }
0x36: {  	[tilespmem:s31], [sflag:$0x1] =	stream.indirect_vreg.gather [hbm4b:s4+s2], $0x80, v4, vm0, $0xb8;
	[tilespmem:$0x18400] =	vst v63  }
0x37: {  	s1 =	simm.s32 $0x4C00;
	v3 =	vperm.xlane v3, v2  }
0x38: {  	[tilespmem:s1], [sflag:$0x1] =	stream.indirect_vreg.gather [hbm4b:s5+s2], $0x80, v4, vm0, $0xb8;
	[tilespmem:$0x18400] =	vst v63  }
0x39: {  	s21 =	simm.s32 $0x5400;
	v3 =	vadd.s32 v1, v3  }
0x3a: {  	[tilespmem:s21], [sflag:$0x1] =	stream.indirect_vreg.gather [hbm4b:s6+s2], $0x80, v4, vm0, $0xb8;
	[tilespmem:$0x18400] =	vst v63  }
0x3b: {  	s1 =	simm.s32 $0x5C00  }
0x3c: {  	[tilespmem:s1], [sflag:$0x1] =	stream.indirect_vreg.gather [hbm4b:s7+s2], $0x80, v4, vm0, $0xb8;
	[tilespmem:$0x18400] =	vst v63  }
0x3d: {  	s21 =	simm.s32 $0x6400  }
0x3e: {  	[tilespmem:s21], [sflag:$0x1] =	stream.indirect_vreg.gather [hbm4b:s4+s2], $0x80, v3, vm0, $0xb8;
	[tilespmem:$0x18400] =	vst v63  }
0x3f: {  	s1 =	simm.s32 $0x6C00  }
0x40: {  	[tilespmem:s1], [sflag:$0x1] =	stream.indirect_vreg.gather [hbm4b:s5+s2], $0x80, v3, vm0, $0xb8;
	[tilespmem:$0x18400] =	vst v63  }
0x41: {  	s21 =	simm.s32 $0x7400  }
0x42: {  	[tilespmem:s21], [sflag:$0x1] =	stream.indirect_vreg.gather [hbm4b:s6+s2], $0x80, v3, vm0, $0xb8;
	[tilespmem:$0x18400] =	vst v63  }
0x43: {  	s1 =	simm.s32 $0x7C00  }
0x44: {  	[tilespmem:s1], [sflag:$0x1] =	stream.indirect_vreg.gather [hbm4b:s7+s2], $0x80, v3, vm0, $0xb8;
	[tilespmem:$0x18400] =	vst v63  }
0x45: {  	v3 =	vld [tilespmem:$0x80];
	_ =	sdelay $0x4  }
0x46: {  	v50 =	vshll.u32 v3, $0x3  }
0x47: {  	v3 =	vand.u32 $0x7, v3;
	v4 =	vand.u32 $0xFFFFFFC0, v50  }
0x48: {  	v3 =	vor.u32 v3, v4  }
0x49: {  	v4 =	vperm.xlane v3, v0;
	_ =	sdelay $0x1  }
0x4a: {  	v4 =	vadd.s32 v1, v4;
	_ =	sdelay $0x3  }
0x4b: {  	s0 =	simm.s32 $0x8400  }
0x4c: {  	[tilespmem:s0], [sflag:$0x1] =	stream.indirect_vreg.gather [hbm4b:s4+s2], $0x80, v4, vm0, $0xb8;
	[tilespmem:$0x18400] =	vst v63  }
0x4d: {  	s1 =	simm.s32 $0x8C00;
	v3 =	vperm.xlane v3, v2  }
0x4e: {  	[tilespmem:s1], [sflag:$0x1] =	stream.indirect_vreg.gather [hbm4b:s5+s2], $0x80, v4, vm0, $0xb8;
	[tilespmem:$0x18400] =	vst v63  }
0x4f: {  	s21 =	simm.s32 $0x9400;
	v3 =	vadd.s32 v1, v3  }
0x50: {  	[tilespmem:s21], [sflag:$0x1] =	stream.indirect_vreg.gather [hbm4b:s6+s2], $0x80, v4, vm0, $0xb8;
	[tilespmem:$0x18400] =	vst v63  }
0x51: {  	s21 =	simm.s32 $0x9C00  }
0x52: {  	[tilespmem:s21], [sflag:$0x1] =	stream.indirect_vreg.gather [hbm4b:s7+s2], $0x80, v4, vm0, $0xb8;
	[tilespmem:$0x18400] =	vst v63  }
0x53: {  	s21 =	simm.s32 $0xA400  }
0x54: {  	[tilespmem:s21], [sflag:$0x1] =	stream.indirect_vreg.gather [hbm4b:s4+s2], $0x80, v3, vm0, $0xb8;
	[tilespmem:$0x18400] =	vst v63  }
0x55: {  	s21 =	simm.s32 $0xAC00  }
0x56: {  	[tilespmem:s21], [sflag:$0x1] =	stream.indirect_vreg.gather [hbm4b:s5+s2], $0x80, v3, vm0, $0xb8;
	[tilespmem:$0x18400] =	vst v63  }
0x57: {  	s21 =	simm.s32 $0xB400  }
0x58: {  	[tilespmem:s21], [sflag:$0x1] =	stream.indirect_vreg.gather [hbm4b:s6+s2], $0x80, v3, vm0, $0xb8;
	[tilespmem:$0x18400] =	vst v63  }
0x59: {  	s21 =	simm.s32 $0xBC00  }
0x5a: {  	[tilespmem:s21], [sflag:$0x1] =	stream.indirect_vreg.gather [hbm4b:s7+s2], $0x80, v3, vm0, $0xb8;
	[tilespmem:$0x18400] =	vst v63  }
0x5b: {  	v3 =	vld [tilespmem:$0x90];
	_ =	sdelay $0x4  }
0x5c: {  	v51 =	vshll.u32 v3, $0x3  }
0x5d: {  	v3 =	vand.u32 $0x7, v3;
	v4 =	vand.u32 $0xFFFFFFC0, v51  }
0x5e: {  	v3 =	vor.u32 v3, v4  }
0x5f: {  	v4 =	vperm.xlane v3, v0;
	_ =	sdelay $0x1  }
0x60: {  	v4 =	vadd.s32 v1, v4;
	_ =	sdelay $0x3  }
0x61: {  	s21 =	simm.s32 $0xC400  }
0x62: {  	[tilespmem:s21], [sflag:$0x1] =	stream.indirect_vreg.gather [hbm4b:s4+s2], $0x80, v4, vm0, $0xb8;
	[tilespmem:$0x18400] =	vst v63  }
0x63: {  	v3 =	vperm.xlane v3, v2;
	s21 =	simm.s32 $0xCC00  }
0x64: {  	[tilespmem:s21], [sflag:$0x1] =	stream.indirect_vreg.gather [hbm4b:s5+s2], $0x80, v4, vm0, $0xb8;
	[tilespmem:$0x18400] =	vst v63  }
0x65: {  	v3 =	vadd.s32 v1, v3;
	s21 =	simm.s32 $0xD400  }
0x66: {  	[tilespmem:s21], [sflag:$0x1] =	stream.indirect_vreg.gather [hbm4b:s6+s2], $0x80, v4, vm0, $0xb8;
	[tilespmem:$0x18400] =	vst v63  }
0x67: {  	s21 =	simm.s32 $0xDC00  }
0x68: {  	[tilespmem:s21], [sflag:$0x1] =	stream.indirect_vreg.gather [hbm4b:s7+s2], $0x80, v4, vm0, $0xb8;
	[tilespmem:$0x18400] =	vst v63  }
0x69: {  	s21 =	simm.s32 $0xE400  }
0x6a: {  	[tilespmem:s21], [sflag:$0x1] =	stream.indirect_vreg.gather [hbm4b:s4+s2], $0x80, v3, vm0, $0xb8;
	[tilespmem:$0x18400] =	vst v63  }
0x6b: {  	s21 =	simm.s32 $0xEC00  }
0x6c: {  	[tilespmem:s21], [sflag:$0x1] =	stream.indirect_vreg.gather [hbm4b:s5+s2], $0x80, v3, vm0, $0xb8;
	[tilespmem:$0x18400] =	vst v63  }
0x6d: {  	s21 =	simm.s32 $0xF400  }
0x6e: {  	[tilespmem:s21], [sflag:$0x1] =	stream.indirect_vreg.gather [hbm4b:s6+s2], $0x80, v3, vm0, $0xb8;
	[tilespmem:$0x18400] =	vst v63  }
0x6f: {  	s21 =	simm.s32 $0xFC00  }
0x70: {  	[tilespmem:s21], [sflag:$0x1] =	stream.indirect_vreg.gather [hbm4b:s7+s2], $0x80, v3, vm0, $0xb8;
	[tilespmem:$0x18400] =	vst v63  }
0x71: {  	_ =	swait.ge [sflag:s18], $0x8000  }
0x72: {  	[sflag:s18] =	ssyncset.done $0x0  }
0x73: {  	[sflag:s18] =	ssyncadd.s32 $0xFFFF8000  }
0x74: {  	v3 =	vld [tilespmem:$0x100];
	_ =	sdelay $0x4  }
0x75: {  	v52 =	vshll.u32 v3, $0x3  }
0x76: {  	v3 =	vand.u32 $0x7, v3;
	v4 =	vand.u32 $0xFFFFFFC0, v52  }
0x77: {  	v3 =	vor.u32 v3, v4  }
0x78: {  	v4 =	vperm.xlane v3, v0;
	_ =	sdelay $0x1  }
0x79: {  	v4 =	vadd.s32 v1, v4;
	_ =	sdelay $0x4  }
0x7a: {  	[tilespmem:s25], [sflag:$0x1] =	stream.indirect_vreg.gather [hbm4b:s4+s2], $0x80, v4, vm0, $0xb8;
	[tilespmem:$0x18400] =	vst v63  }
0x7b: {  	s1 =	simm.s32 $0x10C00;
	v3 =	vperm.xlane v3, v2  }
0x7c: {  	[tilespmem:s1], [sflag:$0x1] =	stream.indirect_vreg.gather [hbm4b:s5+s2], $0x80, v4, vm0, $0xb8;
	[tilespmem:$0x18400] =	vst v63  }
0x7d: {  	v3 =	vadd.s32 v1, v3  }
0x7e: {  	[tilespmem:s3], [sflag:$0x1] =	stream.indirect_vreg.gather [hbm4b:s6+s2], $0x80, v4, vm0, $0xb8;
	[tilespmem:$0x18400] =	vst v63  }
0x7f: {  	_ = 	snop  }
0x80: {  	[tilespmem:s9], [sflag:$0x1] =	stream.indirect_vreg.gather [hbm4b:s7+s2], $0x80, v4, vm0, $0xb8;
	[tilespmem:$0x18400] =	vst v63  }
0x81: {  	_ = 	snop  }
0x82: {  	[tilespmem:s10], [sflag:$0x1] =	stream.indirect_vreg.gather [hbm4b:s4+s2], $0x80, v3, vm0, $0xb8;
	[tilespmem:$0x18400] =	vst v63  }
0x83: {  	_ = 	snop  }
0x84: {  	[tilespmem:s11], [sflag:$0x1] =	stream.indirect_vreg.gather [hbm4b:s5+s2], $0x80, v3, vm0, $0xb8;
	[tilespmem:$0x18400] =	vst v63  }
0x85: {  	_ = 	snop  }
0x86: {  	[tilespmem:s12], [sflag:$0x1] =	stream.indirect_vreg.gather [hbm4b:s6+s2], $0x80, v3, vm0, $0xb8;
	[tilespmem:$0x18400] =	vst v63  }
0x87: {  	_ = 	snop  }
0x88: {  	[tilespmem:s13], [sflag:$0x1] =	stream.indirect_vreg.gather [hbm4b:s7+s2], $0x80, v3, vm0, $0xb8;
	[tilespmem:$0x18400] =	vst v63  }
0x89: {  	v3 =	vld [tilespmem:$0x110];
	_ =	sdelay $0x4  }
0x8a: {  	v53 =	vshll.u32 v3, $0x3  }
0x8b: {  	v3 =	vand.u32 $0x7, v3;
	v4 =	vand.u32 $0xFFFFFFC0, v53  }
0x8c: {  	v3 =	vor.u32 v3, v4  }
0x8d: {  	v4 =	vperm.xlane v3, v0;
	_ =	sdelay $0x1  }
0x8e: {  	v4 =	vadd.s32 v1, v4;
	_ =	sdelay $0x4  }
0x8f: {  	[tilespmem:s14], [sflag:$0x1] =	stream.indirect_vreg.gather [hbm4b:s4+s2], $0x80, v4, vm0, $0xb8;
	[tilespmem:$0x18400] =	vst v63  }
0x90: {  	v3 =	vperm.xlane v3, v2  }
0x91: {  	[tilespmem:s15], [sflag:$0x1] =	stream.indirect_vreg.gather [hbm4b:s5+s2], $0x80, v4, vm0, $0xb8;
	[tilespmem:$0x18400] =	vst v63  }
0x92: {  	v3 =	vadd.s32 v1, v3  }
0x93: {  	[tilespmem:s16], [sflag:$0x1] =	stream.indirect_vreg.gather [hbm4b:s6+s2], $0x80, v4, vm0, $0xb8;
	[tilespmem:$0x18400] =	vst v63  }
0x94: {  	_ = 	snop  }
0x95: {  	[tilespmem:s17], [sflag:$0x1] =	stream.indirect_vreg.gather [hbm4b:s7+s2], $0x80, v4, vm0, $0xb8;
	[tilespmem:$0x18400] =	vst v63  }
0x96: {  	_ = 	snop  }
0x97: {  	[tilespmem:s19], [sflag:$0x1] =	stream.indirect_vreg.gather [hbm4b:s4+s2], $0x80, v3, vm0, $0xb8;
	[tilespmem:$0x18400] =	vst v63  }
0x98: {  	_ = 	snop  }
0x99: {  	[tilespmem:s22], [sflag:$0x1] =	stream.indirect_vreg.gather [hbm4b:s5+s2], $0x80, v3, vm0, $0xb8;
	[tilespmem:$0x18400] =	vst v63  }
0x9a: {  	_ = 	snop  }
0x9b: {  	[tilespmem:s23], [sflag:$0x1] =	stream.indirect_vreg.gather [hbm4b:s6+s2], $0x80, v3, vm0, $0xb8;
	[tilespmem:$0x18400] =	vst v63  }
0x9c: {  	_ = 	snop  }
0x9d: {  	[tilespmem:s24], [sflag:$0x1] =	stream.indirect_vreg.gather [hbm4b:s7+s2], $0x80, v3, vm0, $0xb8;
	[tilespmem:$0x18400] =	vst v63  }
0x9e: {  	s21 =	rddreg [dreg:$0xb]  }
0x9f: {  	[hbm4b:s21+s2] =	stream.linear.scatter [tilespmem:s26], [sflag:$0x2], $0x8000, $0x38;
	[tilespmem:$0x18400] =	vst v63  }
0xa0: {  	_ =	swait.ge [sflag:s18], $0x8000  }
0xa1: {  	[sflag:s18] =	ssyncset.done $0x0  }
0xa2: {  	[sflag:s18] =	ssyncadd.s32 $0xFFFF8000  }
0xa3: {  	_ =	swait.ge [sflag:s20], $0x8000  }
0xa4: {  	[sflag:s20] =	ssyncset.done $0x0  }
0xa5: {  	[sflag:s20] =	ssyncadd.s32 $0xFFFF8000  }
0xa6: {  	v3 =	vld [tilespmem:$0x180];
	_ =	sdelay $0x4  }
0xa7: {  	v54 =	vshll.u32 v3, $0x3  }
0xa8: {  	v3 =	vand.u32 $0x7, v3;
	v4 =	vand.u32 $0xFFFFFFC0, v54  }
0xa9: {  	v3 =	vor.u32 v3, v4  }
0xaa: {  	v4 =	vperm.xlane v3, v0;
	_ =	sdelay $0x1  }
0xab: {  	v4 =	vadd.s32 v1, v4;
	_ =	sdelay $0x4  }
0xac: {  	[tilespmem:s26], [sflag:$0x1] =	stream.indirect_vreg.gather [hbm4b:s4+s2], $0x80, v4, vm0, $0xb8;
	[tilespmem:$0x18400] =	vst v63  }
0xad: {  	s28 =	simm.s32 $0xC00;
	v3 =	vperm.xlane v3, v2  }
0xae: {  	[tilespmem:s28], [sflag:$0x1] =	stream.indirect_vreg.gather [hbm4b:s5+s2], $0x80, v4, vm0, $0xb8;
	[tilespmem:$0x18400] =	vst v63  }
0xaf: {  	v3 =	vadd.s32 v1, v3;
	s28 =	simm.s32 $0x1400  }
0xb0: {  	[tilespmem:s28], [sflag:$0x1] =	stream.indirect_vreg.gather [hbm4b:s6+s2], $0x80, v4, vm0, $0xb8;
	[tilespmem:$0x18400] =	vst v63  }
0xb1: {  	s28 =	simm.s32 $0x1C00  }
0xb2: {  	[tilespmem:s28], [sflag:$0x1] =	stream.indirect_vreg.gather [hbm4b:s7+s2], $0x80, v4, vm0, $0xb8;
	[tilespmem:$0x18400] =	vst v63  }
0xb3: {  	s28 =	simm.s32 $0x2400  }
0xb4: {  	[tilespmem:s28], [sflag:$0x1] =	stream.indirect_vreg.gather [hbm4b:s4+s2], $0x80, v3, vm0, $0xb8;
	[tilespmem:$0x18400] =	vst v63  }
0xb5: {  	s28 =	simm.s32 $0x2C00  }
0xb6: {  	[tilespmem:s28], [sflag:$0x1] =	stream.indirect_vreg.gather [hbm4b:s5+s2], $0x80, v3, vm0, $0xb8;
	[tilespmem:$0x18400] =	vst v63  }
0xb7: {  	_ = 	snop  }
0xb8: {  	[tilespmem:s29], [sflag:$0x1] =	stream.indirect_vreg.gather [hbm4b:s6+s2], $0x80, v3, vm0, $0xb8;
	[tilespmem:$0x18400] =	vst v63  }
0xb9: {  	_ = 	snop  }
0xba: {  	[tilespmem:s30], [sflag:$0x1] =	stream.indirect_vreg.gather [hbm4b:s7+s2], $0x80, v3, vm0, $0xb8;
	[tilespmem:$0x18400] =	vst v63  }
0xbb: {  	v3 =	vld [tilespmem:$0x190];
	_ =	sdelay $0x4  }
0xbc: {  	v55 =	vshll.u32 v3, $0x3  }
0xbd: {  	v3 =	vand.u32 $0x7, v3;
	v4 =	vand.u32 $0xFFFFFFC0, v55  }
0xbe: {  	v3 =	vor.u32 v3, v4  }
0xbf: {  	v4 =	vperm.xlane v3, v0;
	_ =	sdelay $0x1  }
0xc0: {  	v4 =	vadd.s32 v1, v4;
	_ =	sdelay $0x4  }
0xc1: {  	[tilespmem:s31], [sflag:$0x1] =	stream.indirect_vreg.gather [hbm4b:s4+s2], $0x80, v4, vm0, $0xb8;
	[tilespmem:$0x18400] =	vst v63  }
0xc2: {  	s28 =	simm.s32 $0x4C00;
	v3 =	vperm.xlane v3, v2  }
0xc3: {  	[tilespmem:s28], [sflag:$0x1] =	stream.indirect_vreg.gather [hbm4b:s5+s2], $0x80, v4, vm0, $0xb8;
	[tilespmem:$0x18400] =	vst v63  }
0xc4: {  	v3 =	vadd.s32 v1, v3;
	s28 =	simm.s32 $0x5400  }
0xc5: {  	[tilespmem:s28], [sflag:$0x1] =	stream.indirect_vreg.gather [hbm4b:s6+s2], $0x80, v4, vm0, $0xb8;
	[tilespmem:$0x18400] =	vst v63  }
0xc6: {  	s28 =	simm.s32 $0x5C00  }
0xc7: {  	[tilespmem:s28], [sflag:$0x1] =	stream.indirect_vreg.gather [hbm4b:s7+s2], $0x80, v4, vm0, $0xb8;
	[tilespmem:$0x18400] =	vst v63  }
0xc8: {  	s28 =	simm.s32 $0x6400  }
0xc9: {  	[tilespmem:s28], [sflag:$0x1] =	stream.indirect_vreg.gather [hbm4b:s4+s2], $0x80, v3, vm0, $0xb8;
	[tilespmem:$0x18400] =	vst v63  }
0xca: {  	s28 =	simm.s32 $0x6C00  }
0xcb: {  	[tilespmem:s28], [sflag:$0x1] =	stream.indirect_vreg.gather [hbm4b:s5+s2], $0x80, v3, vm0, $0xb8;
	[tilespmem:$0x18400] =	vst v63  }
0xcc: {  	s28 =	simm.s32 $0x7400  }
0xcd: {  	[tilespmem:s28], [sflag:$0x1] =	stream.indirect_vreg.gather [hbm4b:s6+s2], $0x80, v3, vm0, $0xb8;
	[tilespmem:$0x18400] =	vst v63  }
0xce: {  	s28 =	simm.s32 $0x7C00  }
0xcf: {  	[tilespmem:s28], [sflag:$0x1] =	stream.indirect_vreg.gather [hbm4b:s7+s2], $0x80, v3, vm0, $0xb8;
	[tilespmem:$0x18400] =	vst v63  }
0xd0: {  	s21 =	rddreg [dreg:$0x4]  }
0xd1: {  	[hbm4b:s21+s2] =	stream.linear.scatter [tilespmem:s0], [sflag:$0x2], $0x8000, $0x38;
	[tilespmem:$0x18400] =	vst v63  }
0xd2: {  	_ =	swait.ge [sflag:s18], $0x8000  }
0xd3: {  	[sflag:s18] =	ssyncset.done $0x0  }
0xd4: {  	[sflag:s18] =	ssyncadd.s32 $0xFFFF8000  }
0xd5: {  	_ =	swait.ge [sflag:s20], $0x8000  }
0xd6: {  	[sflag:s20] =	ssyncset.done $0x0  }
0xd7: {  	[sflag:s20] =	ssyncadd.s32 $0xFFFF8000  }
0xd8: {  	v3 =	vld [tilespmem:$0x200];
	_ =	sdelay $0x4  }
0xd9: {  	v56 =	vshll.u32 v3, $0x3  }
0xda: {  	v3 =	vand.u32 $0x7, v3;
	v4 =	vand.u32 $0xFFFFFFC0, v56  }
0xdb: {  	v3 =	vor.u32 v3, v4  }
0xdc: {  	v4 =	vperm.xlane v3, v0;
	_ =	sdelay $0x1  }
0xdd: {  	v4 =	vadd.s32 v1, v4;
	_ =	sdelay $0x4  }
0xde: {  	[tilespmem:s0], [sflag:$0x1] =	stream.indirect_vreg.gather [hbm4b:s4+s2], $0x80, v4, vm0, $0xb8;
	[tilespmem:$0x18400] =	vst v63  }
0xdf: {  	s28 =	simm.s32 $0x8C00;
	v3 =	vperm.xlane v3, v2  }
0xe0: {  	[tilespmem:s28], [sflag:$0x1] =	stream.indirect_vreg.gather [hbm4b:s5+s2], $0x80, v4, vm0, $0xb8;
	[tilespmem:$0x18400] =	vst v63  }
0xe1: {  	v3 =	vadd.s32 v1, v3;
	s28 =	simm.s32 $0x9400  }
0xe2: {  	[tilespmem:s28], [sflag:$0x1] =	stream.indirect_vreg.gather [hbm4b:s6+s2], $0x80, v4, vm0, $0xb8;
	[tilespmem:$0x18400] =	vst v63  }
0xe3: {  	s28 =	simm.s32 $0x9C00  }
0xe4: {  	[tilespmem:s28], [sflag:$0x1] =	stream.indirect_vreg.gather [hbm4b:s7+s2], $0x80, v4, vm0, $0xb8;
	[tilespmem:$0x18400] =	vst v63  }
0xe5: {  	s28 =	simm.s32 $0xA400  }
0xe6: {  	[tilespmem:s28], [sflag:$0x1] =	stream.indirect_vreg.gather [hbm4b:s4+s2], $0x80, v3, vm0, $0xb8;
	[tilespmem:$0x18400] =	vst v63  }
0xe7: {  	s28 =	simm.s32 $0xAC00  }
0xe8: {  	[tilespmem:s28], [sflag:$0x1] =	stream.indirect_vreg.gather [hbm4b:s5+s2], $0x80, v3, vm0, $0xb8;
	[tilespmem:$0x18400] =	vst v63  }
0xe9: {  	s28 =	simm.s32 $0xB400  }
0xea: {  	[tilespmem:s28], [sflag:$0x1] =	stream.indirect_vreg.gather [hbm4b:s6+s2], $0x80, v3, vm0, $0xb8;
	[tilespmem:$0x18400] =	vst v63  }
0xeb: {  	s28 =	simm.s32 $0xBC00  }
0xec: {  	[tilespmem:s28], [sflag:$0x1] =	stream.indirect_vreg.gather [hbm4b:s7+s2], $0x80, v3, vm0, $0xb8;
	[tilespmem:$0x18400] =	vst v63  }
0xed: {  	v3 =	vld [tilespmem:$0x210];
	_ =	sdelay $0x4  }
0xee: {  	v57 =	vshll.u32 v3, $0x3  }
0xef: {  	v3 =	vand.u32 $0x7, v3;
	v4 =	vand.u32 $0xFFFFFFC0, v57  }
0xf0: {  	v3 =	vor.u32 v3, v4  }
0xf1: {  	v4 =	vperm.xlane v3, v0;
	_ =	sdelay $0x1  }
0xf2: {  	v4 =	vadd.s32 v1, v4;
	_ =	sdelay $0x3  }
0xf3: {  	s28 =	simm.s32 $0xC400  }
0xf4: {  	[tilespmem:s28], [sflag:$0x1] =	stream.indirect_vreg.gather [hbm4b:s4+s2], $0x80, v4, vm0, $0xb8;
	[tilespmem:$0x18400] =	vst v63  }
0xf5: {  	v3 =	vperm.xlane v3, v2;
	s28 =	simm.s32 $0xCC00  }
0xf6: {  	[tilespmem:s28], [sflag:$0x1] =	stream.indirect_vreg.gather [hbm4b:s5+s2], $0x80, v4, vm0, $0xb8;
	[tilespmem:$0x18400] =	vst v63  }
0xf7: {  	v3 =	vadd.s32 v1, v3;
	s28 =	simm.s32 $0xD400  }
0xf8: {  	[tilespmem:s28], [sflag:$0x1] =	stream.indirect_vreg.gather [hbm4b:s6+s2], $0x80, v4, vm0, $0xb8;
	[tilespmem:$0x18400] =	vst v63  }
0xf9: {  	s28 =	simm.s32 $0xDC00  }
0xfa: {  	[tilespmem:s28], [sflag:$0x1] =	stream.indirect_vreg.gather [hbm4b:s7+s2], $0x80, v4, vm0, $0xb8;
	[tilespmem:$0x18400] =	vst v63  }
0xfb: {  	s28 =	simm.s32 $0xE400  }
0xfc: {  	[tilespmem:s28], [sflag:$0x1] =	stream.indirect_vreg.gather [hbm4b:s4+s2], $0x80, v3, vm0, $0xb8;
	[tilespmem:$0x18400] =	vst v63  }
0xfd: {  	s28 =	simm.s32 $0xEC00  }
0xfe: {  	[tilespmem:s28], [sflag:$0x1] =	stream.indirect_vreg.gather [hbm4b:s5+s2], $0x80, v3, vm0, $0xb8;
	[tilespmem:$0x18400] =	vst v63  }
0xff: {  	s28 =	simm.s32 $0xF400  }
0x100: {  	[tilespmem:s28], [sflag:$0x1] =	stream.indirect_vreg.gather [hbm4b:s6+s2], $0x80, v3, vm0, $0xb8;
	[tilespmem:$0x18400] =	vst v63  }
0x101: {  	s28 =	simm.s32 $0xFC00  }
0x102: {  	[tilespmem:s28], [sflag:$0x1] =	stream.indirect_vreg.gather [hbm4b:s7+s2], $0x80, v3, vm0, $0xb8;
	[tilespmem:$0x18400] =	vst v63  }
0x103: {  	s21 =	rddreg [dreg:$0x5]  }
0x104: {  	[hbm4b:s21+s2] =	stream.linear.scatter [tilespmem:s25], [sflag:$0x2], $0x8000, $0x38;
	[tilespmem:$0x18400] =	vst v63  }
0x105: {  	_ =	swait.ge [sflag:s18], $0x8000  }
0x106: {  	[sflag:s18] =	ssyncset.done $0x0  }
0x107: {  	[sflag:s18] =	ssyncadd.s32 $0xFFFF8000  }
0x108: {  	_ =	swait.ge [sflag:s20], $0x8000  }
0x109: {  	[sflag:s20] =	ssyncset.done $0x0  }
0x10a: {  	[sflag:s20] =	ssyncadd.s32 $0xFFFF8000  }
0x10b: {  	v3 =	vld [tilespmem:$0x280];
	_ =	sdelay $0x4  }
0x10c: {  	v58 =	vshll.u32 v3, $0x3  }
0x10d: {  	v3 =	vand.u32 $0x7, v3;
	v4 =	vand.u32 $0xFFFFFFC0, v58  }
0x10e: {  	v3 =	vor.u32 v3, v4  }
0x10f: {  	v4 =	vperm.xlane v3, v0;
	_ =	sdelay $0x1  }
0x110: {  	v4 =	vadd.s32 v1, v4;
	_ =	sdelay $0x4  }
0x111: {  	[tilespmem:s25], [sflag:$0x1] =	stream.indirect_vreg.gather [hbm4b:s4+s2], $0x80, v4, vm0, $0xb8;
	[tilespmem:$0x18400] =	vst v63  }
0x112: {  	v3 =	vperm.xlane v3, v2  }
0x113: {  	[tilespmem:s1], [sflag:$0x1] =	stream.indirect_vreg.gather [hbm4b:s5+s2], $0x80, v4, vm0, $0xb8;
	[tilespmem:$0x18400] =	vst v63  }
0x114: {  	v3 =	vadd.s32 v1, v3  }
0x115: {  	[tilespmem:s3], [sflag:$0x1] =	stream.indirect_vreg.gather [hbm4b:s6+s2], $0x80, v4, vm0, $0xb8;
	[tilespmem:$0x18400] =	vst v63  }
0x116: {  	_ = 	snop  }
0x117: {  	[tilespmem:s9], [sflag:$0x1] =	stream.indirect_vreg.gather [hbm4b:s7+s2], $0x80, v4, vm0, $0xb8;
	[tilespmem:$0x18400] =	vst v63  }
0x118: {  	_ = 	snop  }
0x119: {  	[tilespmem:s10], [sflag:$0x1] =	stream.indirect_vreg.gather [hbm4b:s4+s2], $0x80, v3, vm0, $0xb8;
	[tilespmem:$0x18400] =	vst v63  }
0x11a: {  	_ = 	snop  }
0x11b: {  	[tilespmem:s11], [sflag:$0x1] =	stream.indirect_vreg.gather [hbm4b:s5+s2], $0x80, v3, vm0, $0xb8;
	[tilespmem:$0x18400] =	vst v63  }
0x11c: {  	_ = 	snop  }
0x11d: {  	[tilespmem:s12], [sflag:$0x1] =	stream.indirect_vreg.gather [hbm4b:s6+s2], $0x80, v3, vm0, $0xb8;
	[tilespmem:$0x18400] =	vst v63  }
0x11e: {  	_ = 	snop  }
0x11f: {  	[tilespmem:s13], [sflag:$0x1] =	stream.indirect_vreg.gather [hbm4b:s7+s2], $0x80, v3, vm0, $0xb8;
	[tilespmem:$0x18400] =	vst v63  }
0x120: {  	v3 =	vld [tilespmem:$0x290];
	_ =	sdelay $0x4  }
0x121: {  	v59 =	vshll.u32 v3, $0x3  }
0x122: {  	v3 =	vand.u32 $0x7, v3;
	v4 =	vand.u32 $0xFFFFFFC0, v59  }
0x123: {  	v3 =	vor.u32 v3, v4  }
0x124: {  	v4 =	vperm.xlane v3, v0;
	_ =	sdelay $0x1  }
0x125: {  	v4 =	vadd.s32 v1, v4;
	_ =	sdelay $0x4  }
0x126: {  	[tilespmem:s14], [sflag:$0x1] =	stream.indirect_vreg.gather [hbm4b:s4+s2], $0x80, v4, vm0, $0xb8;
	[tilespmem:$0x18400] =	vst v63  }
0x127: {  	v3 =	vperm.xlane v3, v2  }
0x128: {  	[tilespmem:s15], [sflag:$0x1] =	stream.indirect_vreg.gather [hbm4b:s5+s2], $0x80, v4, vm0, $0xb8;
	[tilespmem:$0x18400] =	vst v63  }
0x129: {  	v3 =	vadd.s32 v1, v3  }
0x12a: {  	[tilespmem:s16], [sflag:$0x1] =	stream.indirect_vreg.gather [hbm4b:s6+s2], $0x80, v4, vm0, $0xb8;
	[tilespmem:$0x18400] =	vst v63  }
0x12b: {  	_ = 	snop  }
0x12c: {  	[tilespmem:s17], [sflag:$0x1] =	stream.indirect_vreg.gather [hbm4b:s7+s2], $0x80, v4, vm0, $0xb8;
	[tilespmem:$0x18400] =	vst v63  }
0x12d: {  	_ = 	snop  }
0x12e: {  	[tilespmem:s19], [sflag:$0x1] =	stream.indirect_vreg.gather [hbm4b:s4+s2], $0x80, v3, vm0, $0xb8;
	[tilespmem:$0x18400] =	vst v63  }
0x12f: {  	_ = 	snop  }
0x130: {  	[tilespmem:s22], [sflag:$0x1] =	stream.indirect_vreg.gather [hbm4b:s5+s2], $0x80, v3, vm0, $0xb8;
	[tilespmem:$0x18400] =	vst v63  }
0x131: {  	_ = 	snop  }
0x132: {  	[tilespmem:s23], [sflag:$0x1] =	stream.indirect_vreg.gather [hbm4b:s6+s2], $0x80, v3, vm0, $0xb8;
	[tilespmem:$0x18400] =	vst v63  }
0x133: {  	_ = 	snop  }
0x134: {  	[tilespmem:s24], [sflag:$0x1] =	stream.indirect_vreg.gather [hbm4b:s7+s2], $0x80, v3, vm0, $0xb8;
	[tilespmem:$0x18400] =	vst v63  }
0x135: {  	s1 =	rddreg [dreg:$0x6]  }
0x136: {  	[hbm4b:s1+s2] =	stream.linear.scatter [tilespmem:s26], [sflag:$0x2], $0x8000, $0x38;
	[tilespmem:$0x18400] =	vst v63  }
0x137: {  	_ =	swait.ge [sflag:s18], $0x8000  }
0x138: {  	[sflag:s18] =	ssyncset.done $0x0  }
0x139: {  	[sflag:s18] =	ssyncadd.s32 $0xFFFF8000  }
0x13a: {  	_ =	swait.ge [sflag:s20], $0x8000  }
0x13b: {  	[sflag:s20] =	ssyncset.done $0x0  }
0x13c: {  	[sflag:s20] =	ssyncadd.s32 $0xFFFF8000  }
0x13d: {  	v3 =	vld [tilespmem:$0x300];
	_ =	sdelay $0x4  }
0x13e: {  	v60 =	vshll.u32 v3, $0x3  }
0x13f: {  	v3 =	vand.u32 $0x7, v3;
	v4 =	vand.u32 $0xFFFFFFC0, v60  }
0x140: {  	v3 =	vor.u32 v3, v4  }
0x141: {  	v4 =	vperm.xlane v3, v0;
	_ =	sdelay $0x1  }
0x142: {  	v4 =	vadd.s32 v1, v4;
	_ =	sdelay $0x4  }
0x143: {  	[tilespmem:s26], [sflag:$0x1] =	stream.indirect_vreg.gather [hbm4b:s4+s2], $0x80, v4, vm0, $0xb8;
	[tilespmem:$0x18400] =	vst v63  }
0x144: {  	s21 =	simm.s32 $0xC00;
	v3 =	vperm.xlane v3, v2  }
0x145: {  	[tilespmem:s21], [sflag:$0x1] =	stream.indirect_vreg.gather [hbm4b:s5+s2], $0x80, v4, vm0, $0xb8;
	[tilespmem:$0x18400] =	vst v63  }
0x146: {  	v3 =	vadd.s32 v1, v3;
	s21 =	simm.s32 $0x1400  }
0x147: {  	[tilespmem:s21], [sflag:$0x1] =	stream.indirect_vreg.gather [hbm4b:s6+s2], $0x80, v4, vm0, $0xb8;
	[tilespmem:$0x18400] =	vst v63  }
0x148: {  	s21 =	simm.s32 $0x1C00  }
0x149: {  	[tilespmem:s21], [sflag:$0x1] =	stream.indirect_vreg.gather [hbm4b:s7+s2], $0x80, v4, vm0, $0xb8;
	[tilespmem:$0x18400] =	vst v63  }
0x14a: {  	s21 =	simm.s32 $0x2400  }
0x14b: {  	[tilespmem:s21], [sflag:$0x1] =	stream.indirect_vreg.gather [hbm4b:s4+s2], $0x80, v3, vm0, $0xb8;
	[tilespmem:$0x18400] =	vst v63  }
0x14c: {  	s21 =	simm.s32 $0x2C00  }
0x14d: {  	[tilespmem:s21], [sflag:$0x1] =	stream.indirect_vreg.gather [hbm4b:s5+s2], $0x80, v3, vm0, $0xb8;
	[tilespmem:$0x18400] =	vst v63  }
0x14e: {  	_ = 	snop  }
0x14f: {  	[tilespmem:s29], [sflag:$0x1] =	stream.indirect_vreg.gather [hbm4b:s6+s2], $0x80, v3, vm0, $0xb8;
	[tilespmem:$0x18400] =	vst v63  }
0x150: {  	_ = 	snop  }
0x151: {  	[tilespmem:s30], [sflag:$0x1] =	stream.indirect_vreg.gather [hbm4b:s7+s2], $0x80, v3, vm0, $0xb8;
	[tilespmem:$0x18400] =	vst v63  }
0x152: {  	v3 =	vld [tilespmem:$0x310];
	_ =	sdelay $0x4  }
0x153: {  	v61 =	vshll.u32 v3, $0x3  }
0x154: {  	v3 =	vand.u32 $0x7, v3;
	v4 =	vand.u32 $0xFFFFFFC0, v61  }
0x155: {  	v3 =	vor.u32 v3, v4  }
0x156: {  	v4 =	vperm.xlane v3, v0;
	_ =	sdelay $0x1  }
0x157: {  	v4 =	vadd.s32 v1, v4;
	_ =	sdelay $0x4  }
0x158: {  	[tilespmem:s31], [sflag:$0x1] =	stream.indirect_vreg.gather [hbm4b:s4+s2], $0x80, v4, vm0, $0xb8;
	[tilespmem:$0x18400] =	vst v63  }
0x159: {  	s21 =	simm.s32 $0x4C00;
	v3 =	vperm.xlane v3, v2  }
0x15a: {  	[tilespmem:s21], [sflag:$0x1] =	stream.indirect_vreg.gather [hbm4b:s5+s2], $0x80, v4, vm0, $0xb8;
	[tilespmem:$0x18400] =	vst v63  }
0x15b: {  	v3 =	vadd.s32 v1, v3;
	s21 =	simm.s32 $0x5400  }
0x15c: {  	[tilespmem:s21], [sflag:$0x1] =	stream.indirect_vreg.gather [hbm4b:s6+s2], $0x80, v4, vm0, $0xb8;
	[tilespmem:$0x18400] =	vst v63  }
0x15d: {  	s21 =	simm.s32 $0x5C00  }
0x15e: {  	[tilespmem:s21], [sflag:$0x1] =	stream.indirect_vreg.gather [hbm4b:s7+s2], $0x80, v4, vm0, $0xb8;
	[tilespmem:$0x18400] =	vst v63  }
0x15f: {  	s21 =	simm.s32 $0x6400  }
0x160: {  	[tilespmem:s21], [sflag:$0x1] =	stream.indirect_vreg.gather [hbm4b:s4+s2], $0x80, v3, vm0, $0xb8;
	[tilespmem:$0x18400] =	vst v63  }
0x161: {  	s21 =	simm.s32 $0x6C00  }
0x162: {  	[tilespmem:s21], [sflag:$0x1] =	stream.indirect_vreg.gather [hbm4b:s5+s2], $0x80, v3, vm0, $0xb8;
	[tilespmem:$0x18400] =	vst v63  }
0x163: {  	s21 =	simm.s32 $0x7400  }
0x164: {  	[tilespmem:s21], [sflag:$0x1] =	stream.indirect_vreg.gather [hbm4b:s6+s2], $0x80, v3, vm0, $0xb8;
	[tilespmem:$0x18400] =	vst v63  }
0x165: {  	s1 =	simm.s32 $0x7C00  }
0x166: {  	[tilespmem:s1], [sflag:$0x1] =	stream.indirect_vreg.gather [hbm4b:s7+s2], $0x80, v3, vm0, $0xb8;
	[tilespmem:$0x18400] =	vst v63  }
0x167: {  	s21 =	rddreg [dreg:$0x7]  }
0x168: {  	[hbm4b:s21+s2] =	stream.linear.scatter [tilespmem:s0], [sflag:$0x2], $0x8000, $0x38;
	[tilespmem:$0x18400] =	vst v63  }
0x169: {  	_ =	swait.ge [sflag:s18], $0x8000  }
0x16a: {  	[sflag:s18] =	ssyncset.done $0x0  }
0x16b: {  	[sflag:s18] =	ssyncadd.s32 $0xFFFF8000  }
0x16c: {  	_ =	swait.ge [sflag:s20], $0x8000  }
0x16d: {  	[sflag:s20] =	ssyncset.done $0x0  }
0x16e: {  	[sflag:s20] =	ssyncadd.s32 $0xFFFF8000  }
0x16f: {  	v3 =	vld [tilespmem:$0x380];
	_ =	sdelay $0x4  }
0x170: {  	v62 =	vshll.u32 v3, $0x3  }
0x171: {  	v3 =	vand.u32 $0x7, v3;
	v4 =	vand.u32 $0xFFFFFFC0, v62  }
0x172: {  	v3 =	vor.u32 v3, v4  }
0x173: {  	v4 =	vperm.xlane v3, v0;
	_ =	sdelay $0x1  }
0x174: {  	v4 =	vadd.s32 v1, v4;
	_ =	sdelay $0x4  }
0x175: {  	[tilespmem:s0], [sflag:$0x1] =	stream.indirect_vreg.gather [hbm4b:s4+s2], $0x80, v4, vm0, $0xb8;
	[tilespmem:$0x18400] =	vst v63  }
0x176: {  	s21 =	simm.s32 $0x8C00;
	v3 =	vperm.xlane v3, v2  }
0x177: {  	[tilespmem:s21], [sflag:$0x1] =	stream.indirect_vreg.gather [hbm4b:s5+s2], $0x80, v4, vm0, $0xb8;
	[tilespmem:$0x18400] =	vst v63  }
0x178: {  	v3 =	vadd.s32 v1, v3;
	s21 =	simm.s32 $0x9400  }
0x179: {  	[tilespmem:s21], [sflag:$0x1] =	stream.indirect_vreg.gather [hbm4b:s6+s2], $0x80, v4, vm0, $0xb8;
	[tilespmem:$0x18400] =	vst v63  }
0x17a: {  	s21 =	simm.s32 $0x9C00  }
0x17b: {  	[tilespmem:s21], [sflag:$0x1] =	stream.indirect_vreg.gather [hbm4b:s7+s2], $0x80, v4, vm0, $0xb8;
	[tilespmem:$0x18400] =	vst v63  }
0x17c: {  	s21 =	simm.s32 $0xA400  }
0x17d: {  	[tilespmem:s21], [sflag:$0x1] =	stream.indirect_vreg.gather [hbm4b:s4+s2], $0x80, v3, vm0, $0xb8;
	[tilespmem:$0x18400] =	vst v63  }
0x17e: {  	s21 =	simm.s32 $0xAC00  }
0x17f: {  	[tilespmem:s21], [sflag:$0x1] =	stream.indirect_vreg.gather [hbm4b:s5+s2], $0x80, v3, vm0, $0xb8;
	[tilespmem:$0x18400] =	vst v63  }
0x180: {  	s21 =	simm.s32 $0xB400  }
0x181: {  	[tilespmem:s21], [sflag:$0x1] =	stream.indirect_vreg.gather [hbm4b:s6+s2], $0x80, v3, vm0, $0xb8;
	[tilespmem:$0x18400] =	vst v63  }
0x182: {  	s21 =	simm.s32 $0xBC00  }
0x183: {  	[tilespmem:s21], [sflag:$0x1] =	stream.indirect_vreg.gather [hbm4b:s7+s2], $0x80, v3, vm0, $0xb8;
	[tilespmem:$0x18400] =	vst v63  }
0x184: {  	v3 =	vld [tilespmem:$0x390];
	_ =	sdelay $0x4  }
0x185: {  	v63 =	vshll.u32 v3, $0x3  }
0x186: {  	v3 =	vand.u32 $0x7, v3;
	v4 =	vand.u32 $0xFFFFFFC0, v63  }
0x187: {  	v3 =	vor.u32 v3, v4  }
0x188: {  	v4 =	vperm.xlane v3, v0;
	_ =	sdelay $0x1  }
0x189: {  	v4 =	vadd.s32 v1, v4;
	_ =	sdelay $0x3  }
0x18a: {  	s21 =	simm.s32 $0xC400  }
0x18b: {  	[tilespmem:s21], [sflag:$0x1] =	stream.indirect_vreg.gather [hbm4b:s4+s2], $0x80, v4, vm0, $0xb8;
	[tilespmem:$0x18400] =	vst v63  }
0x18c: {  	v3 =	vperm.xlane v3, v2;
	s21 =	simm.s32 $0xCC00  }
0x18d: {  	[tilespmem:s21], [sflag:$0x1] =	stream.indirect_vreg.gather [hbm4b:s5+s2], $0x80, v4, vm0, $0xb8;
	[tilespmem:$0x18400] =	vst v63  }
0x18e: {  	v3 =	vadd.s32 v1, v3;
	s21 =	simm.s32 $0xD400  }
0x18f: {  	[tilespmem:s21], [sflag:$0x1] =	stream.indirect_vreg.gather [hbm4b:s6+s2], $0x80, v4, vm0, $0xb8;
	[tilespmem:$0x18400] =	vst v63  }
0x190: {  	s21 =	simm.s32 $0xDC00  }
0x191: {  	[tilespmem:s21], [sflag:$0x1] =	stream.indirect_vreg.gather [hbm4b:s7+s2], $0x80, v4, vm0, $0xb8;
	[tilespmem:$0x18400] =	vst v63  }
0x192: {  	s21 =	simm.s32 $0xE400  }
0x193: {  	[tilespmem:s21], [sflag:$0x1] =	stream.indirect_vreg.gather [hbm4b:s4+s2], $0x80, v3, vm0, $0xb8;
	[tilespmem:$0x18400] =	vst v63  }
0x194: {  	s21 =	simm.s32 $0xEC00  }
0x195: {  	[tilespmem:s21], [sflag:$0x1] =	stream.indirect_vreg.gather [hbm4b:s5+s2], $0x80, v3, vm0, $0xb8;
	[tilespmem:$0x18400] =	vst v63  }
0x196: {  	s21 =	simm.s32 $0xF400  }
0x197: {  	[tilespmem:s21], [sflag:$0x1] =	stream.indirect_vreg.gather [hbm4b:s6+s2], $0x80, v3, vm0, $0xb8;
	[tilespmem:$0x18400] =	vst v63  }
0x198: {  	s28 =	simm.s32 $0xFC00  }
0x199: {  	[tilespmem:s28], [sflag:$0x1] =	stream.indirect_vreg.gather [hbm4b:s7+s2], $0x80, v3, vm0, $0xb8;
	[tilespmem:$0x18400] =	vst v63  }
0x19a: {  	s1 =	rddreg [dreg:$0x8]  }
0x19b: {  	[hbm4b:s1+s2] =	stream.linear.scatter [tilespmem:s25], [sflag:$0x2], $0x8000, $0x38;
	[tilespmem:$0x18400] =	vst v63  }
0x19c: {  	_ =	swait.ge [sflag:s18], $0x8000  }
0x19d: {  	[sflag:s18] =	ssyncset.done $0x0  }
0x19e: {  	s1 =	rddreg [dreg:$0x9];
	[sflag:s18] =	ssyncadd.s32 $0xFFFF8000  }
0x19f: {  	[hbm4b:s1+s2] =	stream.linear.scatter [tilespmem:s26], [sflag:$0x2], $0x8000, $0x38;
	[tilespmem:$0x18400] =	vst v63  }
0x1a0: {  	_ =	swait.ge [sflag:s18], $0x8000  }
0x1a1: {  	[sflag:s18] =	ssyncset.done $0x0  }
0x1a2: {  	s28 =	rddreg [dreg:$0xa];
	[sflag:s18] =	ssyncadd.s32 $0xFFFF8000  }
0x1a3: {  	[hbm4b:s28+s2] =	stream.linear.scatter [tilespmem:s0], [sflag:$0x2], $0x8000, $0x38;
	[tilespmem:$0x18400] =	vst v63  }
0x1a4: {  	_ =	swait.ge [sflag:s20], $0x8000  }
0x1a5: {  	[sflag:s20] =	ssyncset.done $0x0  }
0x1a6: {  	[sflag:s20] =	ssyncadd.s32 $0xFFFF8000  }
0x1a7: {  	p0 =	sne.s32 s8, $0x1;
	_ =	swait.ge [sflag:s20], $0x8000  }
.Ltmp0:
0x1a8: {  	[sflag:s20] =	ssyncset.done $0x0;
	(pc) =	sbr.rel @p0 .LBB2_1-.Ltmp0, $4  }
0x1a9: {  	[sflag:s20] =	ssyncadd.s32 $0xFFFF8000  }
0x1aa: {  	_ =	swait.ge [sflag:s20], $0x8000  }
0x1ab: {  	[sflag:s20] =	ssyncset.done $0x0  }
0x1ac: {  	s8 =	sadd.s32 $0xFFFFFFFF, s8;
	[sflag:s20] =	ssyncadd.s32 $0xFFFF8000  }
0x1ad: {  	_ =	sfence.sel $0x180000  }
0x1ae: {  	[bflag:$0x0] =	sbarrier.arrive $0xFFFF  }
0x1af: {  	_ =	strace $0x9000004A  }
0x1b0: {  	s0 =	stileid.u32;
	[bflag:$0x2] =	sbarrier.arrive $0xFFFF  }
0x1b1: {  	p0 =	sne.s32 s0, $0x0;
	s0 =	rddreg [dreg:$0x2]  }
0x1b2: {  	s0 =	sadd.s32 @!p0 $0x100000, s0  }
0x1b3: {  	[sflag:s0] =	ssyncadd.tile.s32 @!p0 $0x1;
	_ =	shalt  }
.Lfunc_end2:
_tile_overlayer_lowered:
.L_overlay_start_2:
0x1b4: {  	(tag) =	ssettag $0x2  }
0x1b5: {  	s0 =	rddreg [dreg:$0x0];
	s2 =	stileid.u32  }
0x1b6: {  	s1 =	rddreg [dreg:$0x1];
	p0 =	sne.s32 s2, $0x0  }
0x1b7: {  	s3 =	rddreg [dreg:$0x2];
	[bflag:$0x3] =	sbarrier.arrive $0xFFFF;
	s2 =	simm.s32 @!p0 $0x1C03  }
0x1b8: {  	[timem:s3], [sflag:s2] =	dma.local @!p0 [hbm:s0], s1  }
0x1b9: {  	s0 =	simm.s32 @!p0 $0x3  }
0x1ba: {  	_ =	swait.ge @!p0 [sflag:s0], s1  }
0x1bb: {  	s1 =	ssub.s32 @!p0 $0x0, s1;
	[sflag:s0] =	ssyncset.done @!p0 $0x0  }
0x1bc: {  	[sflag:s0] =	ssyncadd.s32 @!p0 s1  }
0x1bd: {  	[bflag:$0x3] =	sbarrier.arrive $0xFFFF  }
0x1be: {  	_ =	shalt  }

</sc_bundles>
